<compile_context>
chip_gen: v7x
topology: tpu7x:2x2x1
jax: 0.10.2.dev20260603
libtpu: 0.0.44.dev20260713+nightly
codegen_flags: <defaults>
</compile_context>

<pallas_src>
import functools
import math

import jax
import jax.numpy as jnp
from jax import lax
from jax.experimental import pallas as pl
from jax.experimental.pallas import tpu as pltpu
from jax.experimental.pallas import tpu_sc as plsc

_D = 128
_NC = 2
_NS = 16
_NW = _NC * _NS
_C = 80
_ZR = 32


def _round_up(x, m):
    return (x + m - 1) // m * m


@functools.cache
def _make_seg_sum(n_pad, num_edges):
    assert num_edges % _NW == 0
    e_per_w = num_edges // _NW
    n_chunks = e_per_w // _C
    tail = e_per_w - n_chunks * _C
    assert tail % 16 == 0
    stride = n_pad // _NS
    assert n_pad % _NS == 0 and stride % 8 == 0
    zfull = stride // _ZR
    ztail = stride - zfull * _ZR

    mesh = plsc.VectorSubcoreMesh(core_axis_name="c", subcore_axis_name="s")

    @functools.partial(
        pl.kernel,
        mesh=mesh,
        out_type=jax.ShapeDtypeStruct((_NC, n_pad, _D), jnp.float32),
        scratch_types=[
            pltpu.VMEM((e_per_w,), jnp.int32),
            pltpu.VMEM((e_per_w,), jnp.int32),
            pltpu.VMEM((_C,), jnp.int32),
            pltpu.VMEM((_C,), jnp.int32),
            pltpu.VMEM((_C,), jnp.int32),
            pltpu.VMEM((_C,), jnp.int32),
            pltpu.VMEM((_C, _D), jnp.float32),
            pltpu.VMEM((_C, _D), jnp.float32),
            pltpu.VMEM((max(tail, 16),), jnp.int32),
            pltpu.VMEM((max(tail, 16),), jnp.int32),
            pltpu.VMEM((max(tail, 16), _D), jnp.float32),
            pltpu.VMEM((_ZR, _D), jnp.float32),
            pltpu.VMEM_SHARED((n_pad, _D), jnp.float32),
            pltpu.SemaphoreType.DMA,
            pltpu.SemaphoreType.DMA,
        ],
    )
    def seg(table, src, dst, out, src_all, dst_all, sc0, sc1, dc0, dc1,
            rows0, rows1, sct, dct, rowst, zbuf, acc, sem0, sem1):
        cid = lax.axis_index("c")
        sid = lax.axis_index("s")
        wid = cid * _NS + sid
        base = wid * e_per_w

        def zrow(r, _):
            for v in range(_D // 16):
                zbuf[r, pl.ds(v * 16, 16)] = jnp.zeros((16,), jnp.float32)
            return 0
        lax.fori_loop(0, _ZR, zrow, 0)

        rs = sid * stride

        def zfire(i, _):
            pltpu.async_copy(zbuf, acc.at[pl.ds(rs + i * _ZR, _ZR)], sem0)
            return 0
        lax.fori_loop(0, zfull, zfire, 0)
        if ztail:
            pltpu.async_copy(zbuf.at[pl.ds(0, ztail)],
                             acc.at[pl.ds(rs + zfull * _ZR, ztail)], sem0)

        pltpu.sync_copy(src.at[pl.ds(base, e_per_w)], src_all)
        pltpu.sync_copy(dst.at[pl.ds(base, e_per_w)], dst_all)

        def zdrain(i, _):
            pltpu.make_async_copy(zbuf, acc.at[pl.ds(rs, _ZR)], sem0).wait()
            return 0
        lax.fori_loop(0, zfull, zdrain, 0)
        if ztail:
            pltpu.make_async_copy(zbuf.at[pl.ds(0, ztail)],
                                  acc.at[pl.ds(rs, ztail)], sem0).wait()

        plsc.subcore_barrier()

        def stage_idx(chunk, sbuf, dbuf):
            off = chunk * _C
            for v in range(_C // 16):
                sbuf[pl.ds(v * 16, 16)] = src_all[pl.ds(off + v * 16, 16)]
                dbuf[pl.ds(v * 16, 16)] = dst_all[pl.ds(off + v * 16, 16)]

        stage_idx(0, sc0, dc0)
        pltpu.async_copy(table.at[sc0], rows0, sem0)

        n_pairs = (n_chunks - 1) // 2

        def pair(j, _):
            stage_idx(2 * j + 1, sc1, dc1)
            pltpu.async_copy(table.at[sc1], rows1, sem1)
            pltpu.make_async_copy(table.at[sc0], rows0, sem0).wait()
            pltpu.sync_copy(rows0, acc.at[dc0], add=True)
            stage_idx(2 * j + 2, sc0, dc0)
            pltpu.async_copy(table.at[sc0], rows0, sem0)
            pltpu.make_async_copy(table.at[sc1], rows1, sem1).wait()
            pltpu.sync_copy(rows1, acc.at[dc1], add=True)
            return 0

        lax.fori_loop(0, n_pairs, pair, 0)

        pltpu.make_async_copy(table.at[sc0], rows0, sem0).wait()
        pltpu.sync_copy(rows0, acc.at[dc0], add=True)
        if 2 * n_pairs + 1 < n_chunks:
            stage_idx(2 * n_pairs + 1, sc1, dc1)
            pltpu.async_copy(table.at[sc1], rows1, sem1).wait()
            pltpu.sync_copy(rows1, acc.at[dc1], add=True)

        if tail:
            off = n_chunks * _C
            for v in range(tail // 16):
                sct[pl.ds(v * 16, 16)] = src_all[pl.ds(off + v * 16, 16)]
                dct[pl.ds(v * 16, 16)] = dst_all[pl.ds(off + v * 16, 16)]
            pltpu.async_copy(table.at[sct], rowst, sem0).wait()
            pltpu.sync_copy(rowst, acc.at[dct], add=True)

        plsc.subcore_barrier()

        pltpu.sync_copy(acc.at[pl.ds(rs, stride)],
                        out.at[cid, pl.ds(rs, stride)])

    return seg


def _seg_sum(hW, src, dst):
    n = hW.shape[0]
    n_pad = _round_up(n, _NS * _ZR)
    table = jnp.pad(hW, ((0, n_pad - n), (0, 0)))
    out = _make_seg_sum(n_pad, src.shape[0])(table, src, dst)
    return out[0, :n] + out[1, :n]


def kernel(x, edge_index, batch, Wr1, Wl1, b1, p1, Wr2, Wl2, b2, p2,
           Wr3, Wl3, b3, p3, Wlin1, blin1, Wlin2, blin2, Wlin3, blin3):
    n = x.shape[0]
    src = edge_index[0]
    dst = edge_index[1]

    h = x
    alive = jnp.ones((n,), jnp.bool_)
    k = n
    readouts = []
    for Wr, Wl, b, p in ((Wr1, Wl1, b1, p1), (Wr2, Wl2, b2, p2),
                         (Wr3, Wl3, b3, p3)):
        agg = _seg_sum(h @ Wl, src, dst)
        h = jnp.where(alive[:, None], jax.nn.relu(h @ Wr + agg + b), 0.0)

        k = int(math.ceil(0.5 * k))
        score = (h @ p) / jnp.linalg.norm(p)
        score = jnp.where(alive, score, -jnp.inf)
        _, perm = lax.top_k(score, k)
        alive = jnp.zeros((n,), jnp.bool_).at[perm].set(True)
        h = jnp.where(alive[:, None], h * jnp.tanh(score)[:, None], 0.0)

        gmax = jnp.max(jnp.where(alive[:, None], h, -jnp.inf), axis=0)
        gmean = jnp.sum(h, axis=0) / k
        readouts.append(jnp.concatenate([gmax, gmean])[None, :])

    z = jnp.concatenate(readouts, axis=1)
    z = jax.nn.relu(z @ Wlin1 + blin1)
    z = jax.nn.relu(z @ Wlin2 + blin2)
    return jax.nn.log_softmax(z @ Wlin3 + blin3, axis=-1)

# --- scband reference (transcript-rebuilt; emitter-appended) ---
"""Pipeline reference for scband-net-46961172415327 (READ-ONLY COPY).

The authoritative reference and input builder live on the scoring server;
editing this copy changes nothing except your own understanding.
"""

import jax
import jax.numpy as jnp
import numpy as np
import math

N = 10000
E = 320000
D = 128
NH = 128
NC = 10
RATIO = 0.5


def _param(key, shape, fan_in):
    return jax.random.normal(key, shape, dtype=jnp.float32) * (1.0 / np.sqrt(fan_in))


def setup_inputs(seed: int = 0):
    key = jax.random.key(seed)
    ks = jax.random.split(key, 16)
    inp = {}
    inp["x"] = jax.random.normal(ks[0], (N, D), dtype=jnp.float32)
    inp["edge_index"] = jax.random.randint(ks[1], (2, E), 0, N, dtype=jnp.int32)
    inp["batch"] = jnp.zeros((N,), dtype=jnp.int32)
    inp["Wr1"] = _param(ks[2], (D, NH), D)
    inp["Wl1"] = _param(ks[3], (D, NH), D)
    inp["b1"] = jnp.zeros((NH,), jnp.float32)
    inp["p1"] = _param(ks[4], (NH,), NH)
    inp["Wr2"] = _param(ks[5], (NH, NH), NH)
    inp["Wl2"] = _param(ks[6], (NH, NH), NH)
    inp["b2"] = jnp.zeros((NH,), jnp.float32)
    inp["p2"] = _param(ks[7], (NH,), NH)
    inp["Wr3"] = _param(ks[8], (NH, NH), NH)
    inp["Wl3"] = _param(ks[9], (NH, NH), NH)
    inp["b3"] = jnp.zeros((NH,), jnp.float32)
    inp["p3"] = _param(ks[10], (NH,), NH)
    inp["Wlin1"] = _param(ks[11], (NH * 2 * 3, NH), NH * 6)
    inp["blin1"] = jnp.zeros((NH,), jnp.float32)
    inp["Wlin2"] = _param(ks[12], (NH, NH // 2), NH)
    inp["blin2"] = jnp.zeros((NH // 2,), jnp.float32)
    inp["Wlin3"] = _param(ks[13], (NH // 2, NC), NH // 2)
    inp["blin3"] = jnp.zeros((NC,), jnp.float32)
    return inp


def _graph_conv(x, src, dst, valid, Wr, Wl, b):
    # torch_geometric GraphConv: x_i' = W_root x_i + sum_{j in N(i)} W_rel x_j + b
    n = x.shape[0]
    msg = jnp.take(x, src, axis=0) @ Wl
    msg = msg * valid[:, None]
    agg = jax.ops.segment_sum(msg, dst, num_segments=n)
    return x @ Wr + agg + b


def _topk_pool(x, src, dst, valid, p, ratio):
    # DSMVPool modeled as TopK/SAG-style score+gate pooling.
    # Edges kept at fixed length E with a validity mask so shapes stay static.
    n = x.shape[0]
    k = int(math.ceil(ratio * n))
    score = (x @ p) / jnp.linalg.norm(p)
    topv, perm = jax.lax.top_k(score, k)
    xn = jnp.take(x, perm, axis=0) * jnp.tanh(topv)[:, None]
    idx_map = jnp.full((n,), k, dtype=src.dtype).at[perm].set(jnp.arange(k, dtype=src.dtype))
    s2 = idx_map[src]
    d2 = idx_map[dst]
    v2 = valid * (s2 < k).astype(valid.dtype) * (d2 < k).astype(valid.dtype)
    s2 = jnp.minimum(s2, k - 1)
    d2 = jnp.minimum(d2, k - 1)
    return xn, s2, d2, v2


def _readout(x):
    # single graph (batch all zeros): gmp -> global max, gap -> global mean
    return jnp.concatenate([jnp.max(x, axis=0), jnp.mean(x, axis=0)])[None, :]


def reference(x, edge_index, batch, Wr1, Wl1, b1, p1, Wr2, Wl2, b2, p2, Wr3, Wl3, b3, p3, Wlin1, blin1, Wlin2, blin2, Wlin3, blin3):
    src = edge_index[0]
    dst = edge_index[1]
    valid = jnp.ones((src.shape[0],), jnp.float32)
    h = jax.nn.relu(_graph_conv(x, src, dst, valid, Wr1, Wl1, b1))
    h, src, dst, valid = _topk_pool(h, src, dst, valid, p1, RATIO)
    x1 = _readout(h)
    h = jax.nn.relu(_graph_conv(h, src, dst, valid, Wr2, Wl2, b2))
    h, src, dst, valid = _topk_pool(h, src, dst, valid, p2, RATIO)
    x2 = _readout(h)
    h = jax.nn.relu(_graph_conv(h, src, dst, valid, Wr3, Wl3, b3))
    h, src, dst, valid = _topk_pool(h, src, dst, valid, p3, RATIO)
    x3 = _readout(h)
    z = jnp.concatenate([x1, x2, x3], axis=1)
    z = jax.nn.relu(z @ Wlin1 + blin1)
    # dropout is identity in eval mode
    z = jax.nn.relu(z @ Wlin2 + blin2)
    return jax.nn.log_softmax(z @ Wlin3 + blin3, axis=-1)

if __name__ == "__main__":
    import jax
    _d = setup_inputs()
    print(jax.jit(kernel)(*tuple(_d.values())))

</pallas_src>

<mosaic_0001>
#map = affine_map<(d0, d1) -> (0, 0)>
#map1 = affine_map<(d0, d1) -> (0)>
#map2 = affine_map<(d0, d1) -> (0, 0, 0)>
module attributes {stable_mosaic.version = 14 : i64} {
  func.func @seg(%arg0: i32, %arg1: i32, %arg2: memref<10240x128xf32, #tpu.memory_space<hbm>>, %arg3: memref<320000xi32, #tpu.memory_space<hbm>>, %arg4: memref<320000xi32, #tpu.memory_space<hbm>>, %arg5: memref<2x10240x128xf32, #tpu.memory_space<hbm>>, %arg6: memref<10000xi32, #tpu.memory_space<vmem>>, %arg7: memref<10000xi32, #tpu.memory_space<vmem>>, %arg8: memref<80xi32, #tpu.memory_space<vmem>>, %arg9: memref<80xi32, #tpu.memory_space<vmem>>, %arg10: memref<80xi32, #tpu.memory_space<vmem>>, %arg11: memref<80xi32, #tpu.memory_space<vmem>>, %arg12: memref<80x128xf32, #tpu.memory_space<vmem>>, %arg13: memref<80x128xf32, #tpu.memory_space<vmem>>, %arg14: memref<16xi32, #tpu.memory_space<vmem>>, %arg15: memref<16xi32, #tpu.memory_space<vmem>>, %arg16: memref<16x128xf32, #tpu.memory_space<vmem>>, %arg17: memref<32x128xf32, #tpu.memory_space<vmem>>, %arg18: memref<10240x128xf32, #tpu.memory_space<vmem_shared>>, %arg19: memref<!tpu.dma_semaphore, #tpu.memory_space<semaphore_mem>>, %arg20: memref<!tpu.dma_semaphore, #tpu.memory_space<semaphore_mem>>) attributes {dimension_semantics = [#tpu.dimension_semantics<core_parallel>, #tpu.dimension_semantics<subcore_parallel>], iteration_bounds = array<i64: 2, 16>, scalar_prefetch = 0 : i64, scratch_operands = 15 : i64, tpu.core_type = #tpu.core_type<sc_vector_subcore>, window_params = [{transform_indices = #map}, {transform_indices = #map1}, {transform_indices = #map1}, {transform_indices = #map2}]} {
    %mul3A = arith.constant 16 : i32
    %mul3A_0 = arith.muli %arg0, %mul3A : i32
    %add3A = arith.addi %mul3A_0, %arg1 : i32
    %mul3A_1 = arith.constant 10000 : i32
    %mul3A_2 = arith.muli %add3A, %mul3A_1 : i32
    %scan3A = arith.constant 0 : i32
    %scan3A_3 = arith.constant 0 : i32
    %scan3A_4 = arith.constant 32 : i32
    %scan3A_5 = arith.addi %scan3A_3, %scan3A_4 : i32
    %scan3A_6 = arith.constant 1 : i32
    %scan3A_7 = scf.for %scan3A_105 = %scan3A_3 to %scan3A_5 step %scan3A_6 iter_args(%scan3A_106 = %scan3A) -> (i32)  : i32 {
      %broadcast_in_dim3A = arith.constant 0.000000e+00 : f32
      %broadcast_in_dim3A_107 = vector.broadcast %broadcast_in_dim3A : f32 to vector<16xf32>
      %swap3A_108 = arith.index_cast %scan3A_105 : i32 to index
      %swap3A_109 = arith.constant 0 : index
      %swap3A_110 = tpu.vector_load %arg17[%swap3A_108, %swap3A_109] {strides = array<i32>} : memref<32x128xf32, #tpu.memory_space<vmem>>, vector<1x16xf32>,
      %swap3A_111 = vector.shape_cast %swap3A_110 : vector<1x16xf32> to vector<16xf32>
      %swap3A_112 = vector.shape_cast %broadcast_in_dim3A_107 : vector<16xf32> to vector<1x16xf32>
      tpu.vector_store %arg17[%swap3A_108, %swap3A_109], %swap3A_112 {strides = array<i32>} : memref<32x128xf32, #tpu.memory_space<vmem>>, vector<1x16xf32>,
      %broadcast_in_dim3A_113 = arith.constant 0.000000e+00 : f32
      %broadcast_in_dim3A_114 = vector.broadcast %broadcast_in_dim3A_113 : f32 to vector<16xf32>
      %swap3A_115 = arith.index_cast %scan3A_105 : i32 to index
      %swap3A_116 = arith.constant 16 : index
      %swap3A_117 = tpu.vector_load %arg17[%swap3A_115, %swap3A_116] {strides = array<i32>} : memref<32x128xf32, #tpu.memory_space<vmem>>, vector<1x16xf32>,
      %swap3A_118 = vector.shape_cast %swap3A_117 : vector<1x16xf32> to vector<16xf32>
      %swap3A_119 = vector.shape_cast %broadcast_in_dim3A_114 : vector<16xf32> to vector<1x16xf32>
      tpu.vector_store %arg17[%swap3A_115, %swap3A_116], %swap3A_119 {strides = array<i32>} : memref<32x128xf32, #tpu.memory_space<vmem>>, vector<1x16xf32>,
      %broadcast_in_dim3A_120 = arith.constant 0.000000e+00 : f32
      %broadcast_in_dim3A_121 = vector.broadcast %broadcast_in_dim3A_120 : f32 to vector<16xf32>
      %swap3A_122 = arith.index_cast %scan3A_105 : i32 to index
      %swap3A_123 = arith.constant 32 : index
      %swap3A_124 = tpu.vector_load %arg17[%swap3A_122, %swap3A_123] {strides = array<i32>} : memref<32x128xf32, #tpu.memory_space<vmem>>, vector<1x16xf32>,
      %swap3A_125 = vector.shape_cast %swap3A_124 : vector<1x16xf32> to vector<16xf32>
      %swap3A_126 = vector.shape_cast %broadcast_in_dim3A_121 : vector<16xf32> to vector<1x16xf32>
      tpu.vector_store %arg17[%swap3A_122, %swap3A_123], %swap3A_126 {strides = array<i32>} : memref<32x128xf32, #tpu.memory_space<vmem>>, vector<1x16xf32>,
      %broadcast_in_dim3A_127 = arith.constant 0.000000e+00 : f32
      %broadcast_in_dim3A_128 = vector.broadcast %broadcast_in_dim3A_127 : f32 to vector<16xf32>
      %swap3A_129 = arith.index_cast %scan3A_105 : i32 to index
      %swap3A_130 = arith.constant 48 : index
      %swap3A_131 = tpu.vector_load %arg17[%swap3A_129, %swap3A_130] {strides = array<i32>} : memref<32x128xf32, #tpu.memory_space<vmem>>, vector<1x16xf32>,
      %swap3A_132 = vector.shape_cast %swap3A_131 : vector<1x16xf32> to vector<16xf32>
      %swap3A_133 = vector.shape_cast %broadcast_in_dim3A_128 : vector<16xf32> to vector<1x16xf32>
      tpu.vector_store %arg17[%swap3A_129, %swap3A_130], %swap3A_133 {strides = array<i32>} : memref<32x128xf32, #tpu.memory_space<vmem>>, vector<1x16xf32>,
      %broadcast_in_dim3A_134 = arith.constant 0.000000e+00 : f32
      %broadcast_in_dim3A_135 = vector.broadcast %broadcast_in_dim3A_134 : f32 to vector<16xf32>
      %swap3A_136 = arith.index_cast %scan3A_105 : i32 to index
      %swap3A_137 = arith.constant 64 : index
      %swap3A_138 = tpu.vector_load %arg17[%swap3A_136, %swap3A_137] {strides = array<i32>} : memref<32x128xf32, #tpu.memory_space<vmem>>, vector<1x16xf32>,
      %swap3A_139 = vector.shape_cast %swap3A_138 : vector<1x16xf32> to vector<16xf32>
      %swap3A_140 = vector.shape_cast %broadcast_in_dim3A_135 : vector<16xf32> to vector<1x16xf32>
      tpu.vector_store %arg17[%swap3A_136, %swap3A_137], %swap3A_140 {strides = array<i32>} : memref<32x128xf32, #tpu.memory_space<vmem>>, vector<1x16xf32>,
      %broadcast_in_dim3A_141 = arith.constant 0.000000e+00 : f32
      %broadcast_in_dim3A_142 = vector.broadcast %broadcast_in_dim3A_141 : f32 to vector<16xf32>
      %swap3A_143 = arith.index_cast %scan3A_105 : i32 to index
      %swap3A_144 = arith.constant 80 : index
      %swap3A_145 = tpu.vector_load %arg17[%swap3A_143, %swap3A_144] {strides = array<i32>} : memref<32x128xf32, #tpu.memory_space<vmem>>, vector<1x16xf32>,
      %swap3A_146 = vector.shape_cast %swap3A_145 : vector<1x16xf32> to vector<16xf32>
      %swap3A_147 = vector.shape_cast %broadcast_in_dim3A_142 : vector<16xf32> to vector<1x16xf32>
      tpu.vector_store %arg17[%swap3A_143, %swap3A_144], %swap3A_147 {strides = array<i32>} : memref<32x128xf32, #tpu.memory_space<vmem>>, vector<1x16xf32>,
      %broadcast_in_dim3A_148 = arith.constant 0.000000e+00 : f32
      %broadcast_in_dim3A_149 = vector.broadcast %broadcast_in_dim3A_148 : f32 to vector<16xf32>
      %swap3A_150 = arith.index_cast %scan3A_105 : i32 to index
      %swap3A_151 = arith.constant 96 : index
      %swap3A_152 = tpu.vector_load %arg17[%swap3A_150, %swap3A_151] {strides = array<i32>} : memref<32x128xf32, #tpu.memory_space<vmem>>, vector<1x16xf32>,
      %swap3A_153 = vector.shape_cast %swap3A_152 : vector<1x16xf32> to vector<16xf32>
      %swap3A_154 = vector.shape_cast %broadcast_in_dim3A_149 : vector<16xf32> to vector<1x16xf32>
      tpu.vector_store %arg17[%swap3A_150, %swap3A_151], %swap3A_154 {strides = array<i32>} : memref<32x128xf32, #tpu.memory_space<vmem>>, vector<1x16xf32>,
      %broadcast_in_dim3A_155 = arith.constant 0.000000e+00 : f32
      %broadcast_in_dim3A_156 = vector.broadcast %broadcast_in_dim3A_155 : f32 to vector<16xf32>
      %swap3A_157 = arith.index_cast %scan3A_105 : i32 to index
      %swap3A_158 = arith.constant 112 : index
      %swap3A_159 = tpu.vector_load %arg17[%swap3A_157, %swap3A_158] {strides = array<i32>} : memref<32x128xf32, #tpu.memory_space<vmem>>, vector<1x16xf32>,
      %swap3A_160 = vector.shape_cast %swap3A_159 : vector<1x16xf32> to vector<16xf32>
      %swap3A_161 = vector.shape_cast %broadcast_in_dim3A_156 : vector<16xf32> to vector<1x16xf32>
      tpu.vector_store %arg17[%swap3A_157, %swap3A_158], %swap3A_161 {strides = array<i32>} : memref<32x128xf32, #tpu.memory_space<vmem>>, vector<1x16xf32>,
      %scan3A_162 = arith.constant 0 : i32
      scf.yield %scan3A_162 : i32
    }
    %scan3A_8 = arith.constant 32 : i32
    %mul3A_9 = arith.constant 640 : i32
    %mul3A_10 = arith.muli %arg1, %mul3A_9 : i32
    %scan3A_11 = arith.constant 0 : i32
    %scan3A_12 = arith.constant 0 : i32
    %scan3A_13 = arith.constant 20 : i32
    %scan3A_14 = arith.addi %scan3A_12, %scan3A_13 : i32
    %scan3A_15 = arith.constant 1 : i32
    %scan3A_16 = scf.for %scan3A_105 = %scan3A_12 to %scan3A_14 step %scan3A_15 iter_args(%scan3A_106 = %scan3A_11) -> (i32)  : i32 {
      %mul3A_107 = arith.constant 32 : i32
      %mul3A_108 = arith.muli %scan3A_105, %mul3A_107 : i32
      %add3A_109 = arith.addi %mul3A_10, %mul3A_108 : i32
      %dma_start3A_110 = arith.constant 0 : i32
      %dma_start3A_111 = tpu.memref_slice %arg18[%add3A_109, %dma_start3A_110] : memref<10240x128xf32, #tpu.memory_space<vmem_shared>> -> memref<32x128xf32, #tpu.memory_space<vmem_shared>>
      %dma_start3A_112 = arith.constant 0 : i32
      %dma_start3A_113 = tpu.memref_slice %arg18[%add3A_109, %dma_start3A_112] : memref<10240x128xf32, #tpu.memory_space<vmem_shared>> -> memref<32x128xf32, #tpu.memory_space<vmem_shared>>
      tpu.enqueue_dma source(%arg17 : memref<32x128xf32, #tpu.memory_space<vmem>>) target(%dma_start3A_113 : memref<32x128xf32, #tpu.memory_space<vmem_shared>>) target_semaphore(%arg19 : memref<!tpu.dma_semaphore, #tpu.memory_space<semaphore_mem>>)
      %scan3A_114 = arith.constant 0 : i32
      scf.yield %scan3A_114 : i32
    }
    %scan3A_17 = arith.constant 20 : i32
    "tpu.region"() ({
      %run_scoped3A = tpu.sem_alloc : memref<!tpu.dma_semaphore, #tpu.memory_space<semaphore_mem>>
      %dma_start3A_105 = tpu.memref_slice %arg3[%mul3A_2] : memref<320000xi32, #tpu.memory_space<hbm>> -> memref<10000xi32, #tpu.memory_space<hbm>>
      %dma_start3A_106 = tpu.memref_slice %arg3[%mul3A_2] : memref<320000xi32, #tpu.memory_space<hbm>> -> memref<10000xi32, #tpu.memory_space<hbm>>
      tpu.enqueue_dma source(%dma_start3A_106 : memref<10000xi32, #tpu.memory_space<hbm>>) target(%arg6 : memref<10000xi32, #tpu.memory_space<vmem>>) target_semaphore(%run_scoped3A : memref<!tpu.dma_semaphore, #tpu.memory_space<semaphore_mem>>)
      %dma_wait3A_107 = tpu.memref_slice %arg3[%mul3A_2] : memref<320000xi32, #tpu.memory_space<hbm>> -> memref<10000xi32, #tpu.memory_space<hbm>>
      %dma_wait3A_108 = tpu.memref_slice %arg3[%mul3A_2] : memref<320000xi32, #tpu.memory_space<hbm>> -> memref<10000xi32, #tpu.memory_space<hbm>>
      tpu.wait_dma2 semaphore(%run_scoped3A : memref<!tpu.dma_semaphore, #tpu.memory_space<semaphore_mem>>) src(%dma_wait3A_108 : memref<10000xi32, #tpu.memory_space<hbm>>) dst(%arg6 : memref<10000xi32, #tpu.memory_space<vmem>>)
      tpu.yield
    }) : () -> ()
    "tpu.region"() ({
      %run_scoped3A = tpu.sem_alloc : memref<!tpu.dma_semaphore, #tpu.memory_space<semaphore_mem>>
      %dma_start3A_105 = tpu.memref_slice %arg4[%mul3A_2] : memref<320000xi32, #tpu.memory_space<hbm>> -> memref<10000xi32, #tpu.memory_space<hbm>>
      %dma_start3A_106 = tpu.memref_slice %arg4[%mul3A_2] : memref<320000xi32, #tpu.memory_space<hbm>> -> memref<10000xi32, #tpu.memory_space<hbm>>
      tpu.enqueue_dma source(%dma_start3A_106 : memref<10000xi32, #tpu.memory_space<hbm>>) target(%arg7 : memref<10000xi32, #tpu.memory_space<vmem>>) target_semaphore(%run_scoped3A : memref<!tpu.dma_semaphore, #tpu.memory_space<semaphore_mem>>)
      %dma_wait3A_107 = tpu.memref_slice %arg4[%mul3A_2] : memref<320000xi32, #tpu.memory_space<hbm>> -> memref<10000xi32, #tpu.memory_space<hbm>>
      %dma_wait3A_108 = tpu.memref_slice %arg4[%mul3A_2] : memref<320000xi32, #tpu.memory_space<hbm>> -> memref<10000xi32, #tpu.memory_space<hbm>>
      tpu.wait_dma2 semaphore(%run_scoped3A : memref<!tpu.dma_semaphore, #tpu.memory_space<semaphore_mem>>) src(%dma_wait3A_108 : memref<10000xi32, #tpu.memory_space<hbm>>) dst(%arg7 : memref<10000xi32, #tpu.memory_space<vmem>>)
      tpu.yield
    }) : () -> ()
    %scan3A_18 = arith.constant 0 : i32
    %scan3A_19 = arith.constant 0 : i32
    %scan3A_20 = arith.constant 20 : i32
    %scan3A_21 = arith.addi %scan3A_19, %scan3A_20 : i32
    %scan3A_22 = arith.constant 1 : i32
    %scan3A_23 = scf.for %scan3A_105 = %scan3A_19 to %scan3A_21 step %scan3A_22 iter_args(%scan3A_106 = %scan3A_18) -> (i32)  : i32 {
      %dma_wait3A_107 = arith.constant 0 : i32
      %dma_wait3A_108 = tpu.memref_slice %arg18[%mul3A_10, %dma_wait3A_107] : memref<10240x128xf32, #tpu.memory_space<vmem_shared>> -> memref<32x128xf32, #tpu.memory_space<vmem_shared>>
      %dma_wait3A_109 = arith.constant 0 : i32
      %dma_wait3A_110 = tpu.memref_slice %arg18[%mul3A_10, %dma_wait3A_109] : memref<10240x128xf32, #tpu.memory_space<vmem_shared>> -> memref<32x128xf32, #tpu.memory_space<vmem_shared>>
      tpu.wait_dma2 semaphore(%arg19 : memref<!tpu.dma_semaphore, #tpu.memory_space<semaphore_mem>>) src(%arg17 : memref<32x128xf32, #tpu.memory_space<vmem>>) dst(%dma_wait3A_110 : memref<32x128xf32, #tpu.memory_space<vmem_shared>>)
      %scan3A_111 = arith.constant 0 : i32
      scf.yield %scan3A_111 : i32
    }
    %scan3A_24 = arith.constant 20 : i32
    %barrier3A = arith.constant 0 : index
    tpu.barrier barrier_id(%barrier3A)
    %get3A = arith.constant 0 : index
    %get3A_25 = tpu.vector_load %arg6[%get3A] {strides = array<i32>} : memref<10000xi32, #tpu.memory_space<vmem>>, vector<16xi32>,
    %get3A_26 = vector.shape_cast %get3A_25 : vector<16xi32> to vector<16xi32>
    %swap3A = arith.constant 0 : index
    %swap3A_27 = tpu.vector_load %arg8[%swap3A] {strides = array<i32>} : memref<80xi32, #tpu.memory_space<vmem>>, vector<16xi32>,
    %swap3A_28 = vector.shape_cast %swap3A_27 : vector<16xi32> to vector<16xi32>
    %swap3A_29 = vector.shape_cast %get3A_26 : vector<16xi32> to vector<16xi32>
    tpu.vector_store %arg8[%swap3A], %swap3A_29 {strides = array<i32>} : memref<80xi32, #tpu.memory_space<vmem>>, vector<16xi32>,
    %get3A_30 = arith.constant 0 : index
    %get3A_31 = tpu.vector_load %arg7[%get3A_30] {strides = array<i32>} : memref<10000xi32, #tpu.memory_space<vmem>>, vector<16xi32>,
    %get3A_32 = vector.shape_cast %get3A_31 : vector<16xi32> to vector<16xi32>
    %swap3A_33 = arith.constant 0 : index
    %swap3A_34 = tpu.vector_load %arg10[%swap3A_33] {strides = array<i32>} : memref<80xi32, #tpu.memory_space<vmem>>, vector<16xi32>,
    %swap3A_35 = vector.shape_cast %swap3A_34 : vector<16xi32> to vector<16xi32>
    %swap3A_36 = vector.shape_cast %get3A_32 : vector<16xi32> to vector<16xi32>
    tpu.vector_store %arg10[%swap3A_33], %swap3A_36 {strides = array<i32>} : memref<80xi32, #tpu.memory_space<vmem>>, vector<16xi32>,
    %get3A_37 = arith.constant 16 : index
    %get3A_38 = tpu.vector_load %arg6[%get3A_37] {strides = array<i32>} : memref<10000xi32, #tpu.memory_space<vmem>>, vector<16xi32>,
    %get3A_39 = vector.shape_cast %get3A_38 : vector<16xi32> to vector<16xi32>
    %swap3A_40 = arith.constant 16 : index
    %swap3A_41 = tpu.vector_load %arg8[%swap3A_40] {strides = array<i32>} : memref<80xi32, #tpu.memory_space<vmem>>, vector<16xi32>,
    %swap3A_42 = vector.shape_cast %swap3A_41 : vector<16xi32> to vector<16xi32>
    %swap3A_43 = vector.shape_cast %get3A_39 : vector<16xi32> to vector<16xi32>
    tpu.vector_store %arg8[%swap3A_40], %swap3A_43 {strides = array<i32>} : memref<80xi32, #tpu.memory_space<vmem>>, vector<16xi32>,
    %get3A_44 = arith.constant 16 : index
    %get3A_45 = tpu.vector_load %arg7[%get3A_44] {strides = array<i32>} : memref<10000xi32, #tpu.memory_space<vmem>>, vector<16xi32>,
    %get3A_46 = vector.shape_cast %get3A_45 : vector<16xi32> to vector<16xi32>
    %swap3A_47 = arith.constant 16 : index
    %swap3A_48 = tpu.vector_load %arg10[%swap3A_47] {strides = array<i32>} : memref<80xi32, #tpu.memory_space<vmem>>, vector<16xi32>,
    %swap3A_49 = vector.shape_cast %swap3A_48 : vector<16xi32> to vector<16xi32>
    %swap3A_50 = vector.shape_cast %get3A_46 : vector<16xi32> to vector<16xi32>
    tpu.vector_store %arg10[%swap3A_47], %swap3A_50 {strides = array<i32>} : memref<80xi32, #tpu.memory_space<vmem>>, vector<16xi32>,
    %get3A_51 = arith.constant 32 : index
    %get3A_52 = tpu.vector_load %arg6[%get3A_51] {strides = array<i32>} : memref<10000xi32, #tpu.memory_space<vmem>>, vector<16xi32>,
    %get3A_53 = vector.shape_cast %get3A_52 : vector<16xi32> to vector<16xi32>
    %swap3A_54 = arith.constant 32 : index
    %swap3A_55 = tpu.vector_load %arg8[%swap3A_54] {strides = array<i32>} : memref<80xi32, #tpu.memory_space<vmem>>, vector<16xi32>,
    %swap3A_56 = vector.shape_cast %swap3A_55 : vector<16xi32> to vector<16xi32>
    %swap3A_57 = vector.shape_cast %get3A_53 : vector<16xi32> to vector<16xi32>
    tpu.vector_store %arg8[%swap3A_54], %swap3A_57 {strides = array<i32>} : memref<80xi32, #tpu.memory_space<vmem>>, vector<16xi32>,
    %get3A_58 = arith.constant 32 : index
    %get3A_59 = tpu.vector_load %arg7[%get3A_58] {strides = array<i32>} : memref<10000xi32, #tpu.memory_space<vmem>>, vector<16xi32>,
    %get3A_60 = vector.shape_cast %get3A_59 : vector<16xi32> to vector<16xi32>
    %swap3A_61 = arith.constant 32 : index
    %swap3A_62 = tpu.vector_load %arg10[%swap3A_61] {strides = array<i32>} : memref<80xi32, #tpu.memory_space<vmem>>, vector<16xi32>,
    %swap3A_63 = vector.shape_cast %swap3A_62 : vector<16xi32> to vector<16xi32>
    %swap3A_64 = vector.shape_cast %get3A_60 : vector<16xi32> to vector<16xi32>
    tpu.vector_store %arg10[%swap3A_61], %swap3A_64 {strides = array<i32>} : memref<80xi32, #tpu.memory_space<vmem>>, vector<16xi32>,
    %get3A_65 = arith.constant 48 : index
    %get3A_66 = tpu.vector_load %arg6[%get3A_65] {strides = array<i32>} : memref<10000xi32, #tpu.memory_space<vmem>>, vector<16xi32>,
    %get3A_67 = vector.shape_cast %get3A_66 : vector<16xi32> to vector<16xi32>
    %swap3A_68 = arith.constant 48 : index
    %swap3A_69 = tpu.vector_load %arg8[%swap3A_68] {strides = array<i32>} : memref<80xi32, #tpu.memory_space<vmem>>, vector<16xi32>,
    %swap3A_70 = vector.shape_cast %swap3A_69 : vector<16xi32> to vector<16xi32>
    %swap3A_71 = vector.shape_cast %get3A_67 : vector<16xi32> to vector<16xi32>
    tpu.vector_store %arg8[%swap3A_68], %swap3A_71 {strides = array<i32>} : memref<80xi32, #tpu.memory_space<vmem>>, vector<16xi32>,
    %get3A_72 = arith.constant 48 : index
    %get3A_73 = tpu.vector_load %arg7[%get3A_72] {strides = array<i32>} : memref<10000xi32, #tpu.memory_space<vmem>>, vector<16xi32>,
    %get3A_74 = vector.shape_cast %get3A_73 : vector<16xi32> to vector<16xi32>
    %swap3A_75 = arith.constant 48 : index
    %swap3A_76 = tpu.vector_load %arg10[%swap3A_75] {strides = array<i32>} : memref<80xi32, #tpu.memory_space<vmem>>, vector<16xi32>,
    %swap3A_77 = vector.shape_cast %swap3A_76 : vector<16xi32> to vector<16xi32>
    %swap3A_78 = vector.shape_cast %get3A_74 : vector<16xi32> to vector<16xi32>
    tpu.vector_store %arg10[%swap3A_75], %swap3A_78 {strides = array<i32>} : memref<80xi32, #tpu.memory_space<vmem>>, vector<16xi32>,
    %get3A_79 = arith.constant 64 : index
    %get3A_80 = tpu.vector_load %arg6[%get3A_79] {strides = array<i32>} : memref<10000xi32, #tpu.memory_space<vmem>>, vector<16xi32>,
    %get3A_81 = vector.shape_cast %get3A_80 : vector<16xi32> to vector<16xi32>
    %swap3A_82 = arith.constant 64 : index
    %swap3A_83 = tpu.vector_load %arg8[%swap3A_82] {strides = array<i32>} : memref<80xi32, #tpu.memory_space<vmem>>, vector<16xi32>,
    %swap3A_84 = vector.shape_cast %swap3A_83 : vector<16xi32> to vector<16xi32>
    %swap3A_85 = vector.shape_cast %get3A_81 : vector<16xi32> to vector<16xi32>
    tpu.vector_store %arg8[%swap3A_82], %swap3A_85 {strides = array<i32>} : memref<80xi32, #tpu.memory_space<vmem>>, vector<16xi32>,
    %get3A_86 = arith.constant 64 : index
    %get3A_87 = tpu.vector_load %arg7[%get3A_86] {strides = array<i32>} : memref<10000xi32, #tpu.memory_space<vmem>>, vector<16xi32>,
    %get3A_88 = vector.shape_cast %get3A_87 : vector<16xi32> to vector<16xi32>
    %swap3A_89 = arith.constant 64 : index
    %swap3A_90 = tpu.vector_load %arg10[%swap3A_89] {strides = array<i32>} : memref<80xi32, #tpu.memory_space<vmem>>, vector<16xi32>,
    %swap3A_91 = vector.shape_cast %swap3A_90 : vector<16xi32> to vector<16xi32>
    %swap3A_92 = vector.shape_cast %get3A_88 : vector<16xi32> to vector<16xi32>
    tpu.vector_store %arg10[%swap3A_89], %swap3A_92 {strides = array<i32>} : memref<80xi32, #tpu.memory_space<vmem>>, vector<16xi32>,
    %dma_start3A = arith.constant 0 : i32
    %dma_start3A_93 = arith.constant 0 : i32
    %dma_start3A_94 = tpu.memref_slice %arg2[%dma_start3A, %dma_start3A_93] : memref<10240x128xf32, #tpu.memory_space<hbm>> -> memref<10240x128xf32, #tpu.memory_space<hbm>>
    tpu.enqueue_indirect_dma source(%dma_start3A_94 : memref<10240x128xf32, #tpu.memory_space<hbm>>) target(%arg12 : memref<80x128xf32, #tpu.memory_space<vmem>>) offsets(%arg8 : memref<80xi32, #tpu.memory_space<vmem>>) semaphore(%arg19 : memref<!tpu.dma_semaphore, #tpu.memory_space<semaphore_mem>>)
    %scan3A_95 = arith.constant 0 : i32
    %scan3A_96 = arith.constant 0 : i32
    %scan3A_97 = arith.constant 62 : i32
    %scan3A_98 = arith.addi %scan3A_96, %scan3A_97 : i32
    %scan3A_99 = arith.constant 1 : i32
    %scan3A_100 = scf.for %scan3A_105 = %scan3A_96 to %scan3A_98 step %scan3A_99 iter_args(%scan3A_106 = %scan3A_95) -> (i32)  : i32 {
      %mul3A_107 = arith.constant 2 : i32
      %mul3A_108 = arith.muli %mul3A_107, %scan3A_105 : i32
      %add3A_109 = arith.constant 1 : i32
      %add3A_110 = arith.addi %mul3A_108, %add3A_109 : i32
      %mul3A_111 = arith.constant 80 : i32
      %mul3A_112 = arith.muli %add3A_110, %mul3A_111 : i32
      %add3A_113 = arith.constant 0 : i32
      %add3A_114 = arith.addi %mul3A_112, %add3A_113 : i32
      %get3A_115 = arith.index_cast %add3A_114 : i32 to index
      %get3A_116 = tpu.vector_load %arg6[%get3A_115] {strides = array<i32>} : memref<10000xi32, #tpu.memory_space<vmem>>, vector<16xi32>,
      %get3A_117 = vector.shape_cast %get3A_116 : vector<16xi32> to vector<16xi32>
      %swap3A_118 = arith.constant 0 : index
      %swap3A_119 = tpu.vector_load %arg9[%swap3A_118] {strides = array<i32>} : memref<80xi32, #tpu.memory_space<vmem>>, vector<16xi32>,
      %swap3A_120 = vector.shape_cast %swap3A_119 : vector<16xi32> to vector<16xi32>
      %swap3A_121 = vector.shape_cast %get3A_117 : vector<16xi32> to vector<16xi32>
      tpu.vector_store %arg9[%swap3A_118], %swap3A_121 {strides = array<i32>} : memref<80xi32, #tpu.memory_space<vmem>>, vector<16xi32>,
      %add3A_122 = arith.constant 0 : i32
      %add3A_123 = arith.addi %mul3A_112, %add3A_122 : i32
      %get3A_124 = arith.index_cast %add3A_123 : i32 to index
      %get3A_125 = tpu.vector_load %arg7[%get3A_124] {strides = array<i32>} : memref<10000xi32, #tpu.memory_space<vmem>>, vector<16xi32>,
      %get3A_126 = vector.shape_cast %get3A_125 : vector<16xi32> to vector<16xi32>
      %swap3A_127 = arith.constant 0 : index
      %swap3A_128 = tpu.vector_load %arg11[%swap3A_127] {strides = array<i32>} : memref<80xi32, #tpu.memory_space<vmem>>, vector<16xi32>,
      %swap3A_129 = vector.shape_cast %swap3A_128 : vector<16xi32> to vector<16xi32>
      %swap3A_130 = vector.shape_cast %get3A_126 : vector<16xi32> to vector<16xi32>
      tpu.vector_store %arg11[%swap3A_127], %swap3A_130 {strides = array<i32>} : memref<80xi32, #tpu.memory_space<vmem>>, vector<16xi32>,
      %add3A_131 = arith.constant 16 : i32
      %add3A_132 = arith.addi %mul3A_112, %add3A_131 : i32
      %get3A_133 = arith.index_cast %add3A_132 : i32 to index
      %get3A_134 = tpu.vector_load %arg6[%get3A_133] {strides = array<i32>} : memref<10000xi32, #tpu.memory_space<vmem>>, vector<16xi32>,
      %get3A_135 = vector.shape_cast %get3A_134 : vector<16xi32> to vector<16xi32>
      %swap3A_136 = arith.constant 16 : index
      %swap3A_137 = tpu.vector_load %arg9[%swap3A_136] {strides = array<i32>} : memref<80xi32, #tpu.memory_space<vmem>>, vector<16xi32>,
      %swap3A_138 = vector.shape_cast %swap3A_137 : vector<16xi32> to vector<16xi32>
      %swap3A_139 = vector.shape_cast %get3A_135 : vector<16xi32> to vector<16xi32>
      tpu.vector_store %arg9[%swap3A_136], %swap3A_139 {strides = array<i32>} : memref<80xi32, #tpu.memory_space<vmem>>, vector<16xi32>,
      %add3A_140 = arith.constant 16 : i32
      %add3A_141 = arith.addi %mul3A_112, %add3A_140 : i32
      %get3A_142 = arith.index_cast %add3A_141 : i32 to index
      %get3A_143 = tpu.vector_load %arg7[%get3A_142] {strides = array<i32>} : memref<10000xi32, #tpu.memory_space<vmem>>, vector<16xi32>,
      %get3A_144 = vector.shape_cast %get3A_143 : vector<16xi32> to vector<16xi32>
      %swap3A_145 = arith.constant 16 : index
      %swap3A_146 = tpu.vector_load %arg11[%swap3A_145] {strides = array<i32>} : memref<80xi32, #tpu.memory_space<vmem>>, vector<16xi32>,
      %swap3A_147 = vector.shape_cast %swap3A_146 : vector<16xi32> to vector<16xi32>
      %swap3A_148 = vector.shape_cast %get3A_144 : vector<16xi32> to vector<16xi32>
      tpu.vector_store %arg11[%swap3A_145], %swap3A_148 {strides = array<i32>} : memref<80xi32, #tpu.memory_space<vmem>>, vector<16xi32>,
      %add3A_149 = arith.constant 32 : i32
      %add3A_150 = arith.addi %mul3A_112, %add3A_149 : i32
      %get3A_151 = arith.index_cast %add3A_150 : i32 to index
      %get3A_152 = tpu.vector_load %arg6[%get3A_151] {strides = array<i32>} : memref<10000xi32, #tpu.memory_space<vmem>>, vector<16xi32>,
      %get3A_153 = vector.shape_cast %get3A_152 : vector<16xi32> to vector<16xi32>
      %swap3A_154 = arith.constant 32 : index
      %swap3A_155 = tpu.vector_load %arg9[%swap3A_154] {strides = array<i32>} : memref<80xi32, #tpu.memory_space<vmem>>, vector<16xi32>,
      %swap3A_156 = vector.shape_cast %swap3A_155 : vector<16xi32> to vector<16xi32>
      %swap3A_157 = vector.shape_cast %get3A_153 : vector<16xi32> to vector<16xi32>
      tpu.vector_store %arg9[%swap3A_154], %swap3A_157 {strides = array<i32>} : memref<80xi32, #tpu.memory_space<vmem>>, vector<16xi32>,
      %add3A_158 = arith.constant 32 : i32
      %add3A_159 = arith.addi %mul3A_112, %add3A_158 : i32
      %get3A_160 = arith.index_cast %add3A_159 : i32 to index
      %get3A_161 = tpu.vector_load %arg7[%get3A_160] {strides = array<i32>} : memref<10000xi32, #tpu.memory_space<vmem>>, vector<16xi32>,
      %get3A_162 = vector.shape_cast %get3A_161 : vector<16xi32> to vector<16xi32>
      %swap3A_163 = arith.constant 32 : index
      %swap3A_164 = tpu.vector_load %arg11[%swap3A_163] {strides = array<i32>} : memref<80xi32, #tpu.memory_space<vmem>>, vector<16xi32>,
      %swap3A_165 = vector.shape_cast %swap3A_164 : vector<16xi32> to vector<16xi32>
      %swap3A_166 = vector.shape_cast %get3A_162 : vector<16xi32> to vector<16xi32>
      tpu.vector_store %arg11[%swap3A_163], %swap3A_166 {strides = array<i32>} : memref<80xi32, #tpu.memory_space<vmem>>, vector<16xi32>,
      %add3A_167 = arith.constant 48 : i32
      %add3A_168 = arith.addi %mul3A_112, %add3A_167 : i32
      %get3A_169 = arith.index_cast %add3A_168 : i32 to index
      %get3A_170 = tpu.vector_load %arg6[%get3A_169] {strides = array<i32>} : memref<10000xi32, #tpu.memory_space<vmem>>, vector<16xi32>,
      %get3A_171 = vector.shape_cast %get3A_170 : vector<16xi32> to vector<16xi32>
      %swap3A_172 = arith.constant 48 : index
      %swap3A_173 = tpu.vector_load %arg9[%swap3A_172] {strides = array<i32>} : memref<80xi32, #tpu.memory_space<vmem>>, vector<16xi32>,
      %swap3A_174 = vector.shape_cast %swap3A_173 : vector<16xi32> to vector<16xi32>
      %swap3A_175 = vector.shape_cast %get3A_171 : vector<16xi32> to vector<16xi32>
      tpu.vector_store %arg9[%swap3A_172], %swap3A_175 {strides = array<i32>} : memref<80xi32, #tpu.memory_space<vmem>>, vector<16xi32>,
      %add3A_176 = arith.constant 48 : i32
      %add3A_177 = arith.addi %mul3A_112, %add3A_176 : i32
      %get3A_178 = arith.index_cast %add3A_177 : i32 to index
      %get3A_179 = tpu.vector_load %arg7[%get3A_178] {strides = array<i32>} : memref<10000xi32, #tpu.memory_space<vmem>>, vector<16xi32>,
      %get3A_180 = vector.shape_cast %get3A_179 : vector<16xi32> to vector<16xi32>
      %swap3A_181 = arith.constant 48 : index
      %swap3A_182 = tpu.vector_load %arg11[%swap3A_181] {strides = array<i32>} : memref<80xi32, #tpu.memory_space<vmem>>, vector<16xi32>,
      %swap3A_183 = vector.shape_cast %swap3A_182 : vector<16xi32> to vector<16xi32>
      %swap3A_184 = vector.shape_cast %get3A_180 : vector<16xi32> to vector<16xi32>
      tpu.vector_store %arg11[%swap3A_181], %swap3A_184 {strides = array<i32>} : memref<80xi32, #tpu.memory_space<vmem>>, vector<16xi32>,
      %add3A_185 = arith.constant 64 : i32
      %add3A_186 = arith.addi %mul3A_112, %add3A_185 : i32
      %get3A_187 = arith.index_cast %add3A_186 : i32 to index
      %get3A_188 = tpu.vector_load %arg6[%get3A_187] {strides = array<i32>} : memref<10000xi32, #tpu.memory_space<vmem>>, vector<16xi32>,
      %get3A_189 = vector.shape_cast %get3A_188 : vector<16xi32> to vector<16xi32>
      %swap3A_190 = arith.constant 64 : index
      %swap3A_191 = tpu.vector_load %arg9[%swap3A_190] {strides = array<i32>} : memref<80xi32, #tpu.memory_space<vmem>>, vector<16xi32>,
      %swap3A_192 = vector.shape_cast %swap3A_191 : vector<16xi32> to vector<16xi32>
      %swap3A_193 = vector.shape_cast %get3A_189 : vector<16xi32> to vector<16xi32>
      tpu.vector_store %arg9[%swap3A_190], %swap3A_193 {strides = array<i32>} : memref<80xi32, #tpu.memory_space<vmem>>, vector<16xi32>,
      %add3A_194 = arith.constant 64 : i32
      %add3A_195 = arith.addi %mul3A_112, %add3A_194 : i32
      %get3A_196 = arith.index_cast %add3A_195 : i32 to index
      %get3A_197 = tpu.vector_load %arg7[%get3A_196] {strides = array<i32>} : memref<10000xi32, #tpu.memory_space<vmem>>, vector<16xi32>,
      %get3A_198 = vector.shape_cast %get3A_197 : vector<16xi32> to vector<16xi32>
      %swap3A_199 = arith.constant 64 : index
      %swap3A_200 = tpu.vector_load %arg11[%swap3A_199] {strides = array<i32>} : memref<80xi32, #tpu.memory_space<vmem>>, vector<16xi32>,
      %swap3A_201 = vector.shape_cast %swap3A_200 : vector<16xi32> to vector<16xi32>
      %swap3A_202 = vector.shape_cast %get3A_198 : vector<16xi32> to vector<16xi32>
      tpu.vector_store %arg11[%swap3A_199], %swap3A_202 {strides = array<i32>} : memref<80xi32, #tpu.memory_space<vmem>>, vector<16xi32>,
      %dma_start3A_203 = arith.constant 0 : i32
      %dma_start3A_204 = arith.constant 0 : i32
      %dma_start3A_205 = tpu.memref_slice %arg2[%dma_start3A_203, %dma_start3A_204] : memref<10240x128xf32, #tpu.memory_space<hbm>> -> memref<10240x128xf32, #tpu.memory_space<hbm>>
      tpu.enqueue_indirect_dma source(%dma_start3A_205 : memref<10240x128xf32, #tpu.memory_space<hbm>>) target(%arg13 : memref<80x128xf32, #tpu.memory_space<vmem>>) offsets(%arg9 : memref<80xi32, #tpu.memory_space<vmem>>) semaphore(%arg20 : memref<!tpu.dma_semaphore, #tpu.memory_space<semaphore_mem>>)
      %dma_wait3A_206 = arith.constant 0 : i32
      %dma_wait3A_207 = arith.constant 0 : i32
      %dma_wait3A_208 = tpu.memref_slice %arg2[%dma_wait3A_206, %dma_wait3A_207] : memref<10240x128xf32, #tpu.memory_space<hbm>> -> memref<10240x128xf32, #tpu.memory_space<hbm>>
      tpu.wait_indirect_dma semaphore(%arg19 : memref<!tpu.dma_semaphore, #tpu.memory_space<semaphore_mem>>) src(%dma_wait3A_208 : memref<10240x128xf32, #tpu.memory_space<hbm>>) dst(%arg12 : memref<80x128xf32, #tpu.memory_space<vmem>>)
      "tpu.region"() ({
        %run_scoped3A = tpu.sem_alloc : memref<!tpu.dma_semaphore, #tpu.memory_space<semaphore_mem>>
        %dma_start3A_312 = arith.constant 0 : i32
        %dma_start3A_313 = arith.constant 0 : i32
        %dma_start3A_314 = tpu.memref_slice %arg18[%dma_start3A_312, %dma_start3A_313] : memref<10240x128xf32, #tpu.memory_space<vmem_shared>> -> memref<10240x128xf32, #tpu.memory_space<vmem_shared>>
        tpu.enqueue_indirect_dma source(%arg12 : memref<80x128xf32, #tpu.memory_space<vmem>>) target(%dma_start3A_314 : memref<10240x128xf32, #tpu.memory_space<vmem_shared>>) offsets(%arg10 : memref<80xi32, #tpu.memory_space<vmem>>) semaphore(%run_scoped3A : memref<!tpu.dma_semaphore, #tpu.memory_space<semaphore_mem>>) {add = true}
        %dma_wait3A_315 = arith.constant 0 : i32
        %dma_wait3A_316 = arith.constant 0 : i32
        %dma_wait3A_317 = tpu.memref_slice %arg18[%dma_wait3A_315, %dma_wait3A_316] : memref<10240x128xf32, #tpu.memory_space<vmem_shared>> -> memref<10240x128xf32, #tpu.memory_space<vmem_shared>>
        tpu.wait_indirect_dma semaphore(%run_scoped3A : memref<!tpu.dma_semaphore, #tpu.memory_space<semaphore_mem>>) src(%arg12 : memref<80x128xf32, #tpu.memory_space<vmem>>) dst(%dma_wait3A_317 : memref<10240x128xf32, #tpu.memory_space<vmem_shared>>)
        tpu.yield
      }) : () -> ()
      %mul3A_209 = arith.constant 2 : i32
      %mul3A_210 = arith.muli %mul3A_209, %scan3A_105 : i32
      %add3A_211 = arith.constant 2 : i32
      %add3A_212 = arith.addi %mul3A_210, %add3A_211 : i32
      %mul3A_213 = arith.constant 80 : i32
      %mul3A_214 = arith.muli %add3A_212, %mul3A_213 : i32
      %add3A_215 = arith.constant 0 : i32
      %add3A_216 = arith.addi %mul3A_214, %add3A_215 : i32
      %get3A_217 = arith.index_cast %add3A_216 : i32 to index
      %get3A_218 = tpu.vector_load %arg6[%get3A_217] {strides = array<i32>} : memref<10000xi32, #tpu.memory_space<vmem>>, vector<16xi32>,
      %get3A_219 = vector.shape_cast %get3A_218 : vector<16xi32> to vector<16xi32>
      %swap3A_220 = arith.constant 0 : index
      %swap3A_221 = tpu.vector_load %arg8[%swap3A_220] {strides = array<i32>} : memref<80xi32, #tpu.memory_space<vmem>>, vector<16xi32>,
      %swap3A_222 = vector.shape_cast %swap3A_221 : vector<16xi32> to vector<16xi32>
      %swap3A_223 = vector.shape_cast %get3A_219 : vector<16xi32> to vector<16xi32>
      tpu.vector_store %arg8[%swap3A_220], %swap3A_223 {strides = array<i32>} : memref<80xi32, #tpu.memory_space<vmem>>, vector<16xi32>,
      %add3A_224 = arith.constant 0 : i32
      %add3A_225 = arith.addi %mul3A_214, %add3A_224 : i32
      %get3A_226 = arith.index_cast %add3A_225 : i32 to index
      %get3A_227 = tpu.vector_load %arg7[%get3A_226] {strides = array<i32>} : memref<10000xi32, #tpu.memory_space<vmem>>, vector<16xi32>,
      %get3A_228 = vector.shape_cast %get3A_227 : vector<16xi32> to vector<16xi32>
      %swap3A_229 = arith.constant 0 : index
      %swap3A_230 = tpu.vector_load %arg10[%swap3A_229] {strides = array<i32>} : memref<80xi32, #tpu.memory_space<vmem>>, vector<16xi32>,
      %swap3A_231 = vector.shape_cast %swap3A_230 : vector<16xi32> to vector<16xi32>
      %swap3A_232 = vector.shape_cast %get3A_228 : vector<16xi32> to vector<16xi32>
      tpu.vector_store %arg10[%swap3A_229], %swap3A_232 {strides = array<i32>} : memref<80xi32, #tpu.memory_space<vmem>>, vector<16xi32>,
      %add3A_233 = arith.constant 16 : i32
      %add3A_234 = arith.addi %mul3A_214, %add3A_233 : i32
      %get3A_235 = arith.index_cast %add3A_234 : i32 to index
      %get3A_236 = tpu.vector_load %arg6[%get3A_235] {strides = array<i32>} : memref<10000xi32, #tpu.memory_space<vmem>>, vector<16xi32>,
      %get3A_237 = vector.shape_cast %get3A_236 : vector<16xi32> to vector<16xi32>
      %swap3A_238 = arith.constant 16 : index
      %swap3A_239 = tpu.vector_load %arg8[%swap3A_238] {strides = array<i32>} : memref<80xi32, #tpu.memory_space<vmem>>, vector<16xi32>,
      %swap3A_240 = vector.shape_cast %swap3A_239 : vector<16xi32> to vector<16xi32>
      %swap3A_241 = vector.shape_cast %get3A_237 : vector<16xi32> to vector<16xi32>
      tpu.vector_store %arg8[%swap3A_238], %swap3A_241 {strides = array<i32>} : memref<80xi32, #tpu.memory_space<vmem>>, vector<16xi32>,
      %add3A_242 = arith.constant 16 : i32
      %add3A_243 = arith.addi %mul3A_214, %add3A_242 : i32
      %get3A_244 = arith.index_cast %add3A_243 : i32 to index
      %get3A_245 = tpu.vector_load %arg7[%get3A_244] {strides = array<i32>} : memref<10000xi32, #tpu.memory_space<vmem>>, vector<16xi32>,
      %get3A_246 = vector.shape_cast %get3A_245 : vector<16xi32> to vector<16xi32>
      %swap3A_247 = arith.constant 16 : index
      %swap3A_248 = tpu.vector_load %arg10[%swap3A_247] {strides = array<i32>} : memref<80xi32, #tpu.memory_space<vmem>>, vector<16xi32>,
      %swap3A_249 = vector.shape_cast %swap3A_248 : vector<16xi32> to vector<16xi32>
      %swap3A_250 = vector.shape_cast %get3A_246 : vector<16xi32> to vector<16xi32>
      tpu.vector_store %arg10[%swap3A_247], %swap3A_250 {strides = array<i32>} : memref<80xi32, #tpu.memory_space<vmem>>, vector<16xi32>,
      %add3A_251 = arith.constant 32 : i32
      %add3A_252 = arith.addi %mul3A_214, %add3A_251 : i32
      %get3A_253 = arith.index_cast %add3A_252 : i32 to index
      %get3A_254 = tpu.vector_load %arg6[%get3A_253] {strides = array<i32>} : memref<10000xi32, #tpu.memory_space<vmem>>, vector<16xi32>,
      %get3A_255 = vector.shape_cast %get3A_254 : vector<16xi32> to vector<16xi32>
      %swap3A_256 = arith.constant 32 : index
      %swap3A_257 = tpu.vector_load %arg8[%swap3A_256] {strides = array<i32>} : memref<80xi32, #tpu.memory_space<vmem>>, vector<16xi32>,
      %swap3A_258 = vector.shape_cast %swap3A_257 : vector<16xi32> to vector<16xi32>
      %swap3A_259 = vector.shape_cast %get3A_255 : vector<16xi32> to vector<16xi32>
      tpu.vector_store %arg8[%swap3A_256], %swap3A_259 {strides = array<i32>} : memref<80xi32, #tpu.memory_space<vmem>>, vector<16xi32>,
      %add3A_260 = arith.constant 32 : i32
      %add3A_261 = arith.addi %mul3A_214, %add3A_260 : i32
      %get3A_262 = arith.index_cast %add3A_261 : i32 to index
      %get3A_263 = tpu.vector_load %arg7[%get3A_262] {strides = array<i32>} : memref<10000xi32, #tpu.memory_space<vmem>>, vector<16xi32>,
      %get3A_264 = vector.shape_cast %get3A_263 : vector<16xi32> to vector<16xi32>
      %swap3A_265 = arith.constant 32 : index
      %swap3A_266 = tpu.vector_load %arg10[%swap3A_265] {strides = array<i32>} : memref<80xi32, #tpu.memory_space<vmem>>, vector<16xi32>,
      %swap3A_267 = vector.shape_cast %swap3A_266 : vector<16xi32> to vector<16xi32>
      %swap3A_268 = vector.shape_cast %get3A_264 : vector<16xi32> to vector<16xi32>
      tpu.vector_store %arg10[%swap3A_265], %swap3A_268 {strides = array<i32>} : memref<80xi32, #tpu.memory_space<vmem>>, vector<16xi32>,
      %add3A_269 = arith.constant 48 : i32
      %add3A_270 = arith.addi %mul3A_214, %add3A_269 : i32
      %get3A_271 = arith.index_cast %add3A_270 : i32 to index
      %get3A_272 = tpu.vector_load %arg6[%get3A_271] {strides = array<i32>} : memref<10000xi32, #tpu.memory_space<vmem>>, vector<16xi32>,
      %get3A_273 = vector.shape_cast %get3A_272 : vector<16xi32> to vector<16xi32>
      %swap3A_274 = arith.constant 48 : index
      %swap3A_275 = tpu.vector_load %arg8[%swap3A_274] {strides = array<i32>} : memref<80xi32, #tpu.memory_space<vmem>>, vector<16xi32>,
      %swap3A_276 = vector.shape_cast %swap3A_275 : vector<16xi32> to vector<16xi32>
      %swap3A_277 = vector.shape_cast %get3A_273 : vector<16xi32> to vector<16xi32>
      tpu.vector_store %arg8[%swap3A_274], %swap3A_277 {strides = array<i32>} : memref<80xi32, #tpu.memory_space<vmem>>, vector<16xi32>,
      %add3A_278 = arith.constant 48 : i32
      %add3A_279 = arith.addi %mul3A_214, %add3A_278 : i32
      %get3A_280 = arith.index_cast %add3A_279 : i32 to index
      %get3A_281 = tpu.vector_load %arg7[%get3A_280] {strides = array<i32>} : memref<10000xi32, #tpu.memory_space<vmem>>, vector<16xi32>,
      %get3A_282 = vector.shape_cast %get3A_281 : vector<16xi32> to vector<16xi32>
      %swap3A_283 = arith.constant 48 : index
      %swap3A_284 = tpu.vector_load %arg10[%swap3A_283] {strides = array<i32>} : memref<80xi32, #tpu.memory_space<vmem>>, vector<16xi32>,
      %swap3A_285 = vector.shape_cast %swap3A_284 : vector<16xi32> to vector<16xi32>
      %swap3A_286 = vector.shape_cast %get3A_282 : vector<16xi32> to vector<16xi32>
      tpu.vector_store %arg10[%swap3A_283], %swap3A_286 {strides = array<i32>} : memref<80xi32, #tpu.memory_space<vmem>>, vector<16xi32>,
      %add3A_287 = arith.constant 64 : i32
      %add3A_288 = arith.addi %mul3A_214, %add3A_287 : i32
      %get3A_289 = arith.index_cast %add3A_288 : i32 to index
      %get3A_290 = tpu.vector_load %arg6[%get3A_289] {strides = array<i32>} : memref<10000xi32, #tpu.memory_space<vmem>>, vector<16xi32>,
      %get3A_291 = vector.shape_cast %get3A_290 : vector<16xi32> to vector<16xi32>
      %swap3A_292 = arith.constant 64 : index
      %swap3A_293 = tpu.vector_load %arg8[%swap3A_292] {strides = array<i32>} : memref<80xi32, #tpu.memory_space<vmem>>, vector<16xi32>,
      %swap3A_294 = vector.shape_cast %swap3A_293 : vector<16xi32> to vector<16xi32>
      %swap3A_295 = vector.shape_cast %get3A_291 : vector<16xi32> to vector<16xi32>
      tpu.vector_store %arg8[%swap3A_292], %swap3A_295 {strides = array<i32>} : memref<80xi32, #tpu.memory_space<vmem>>, vector<16xi32>,
      %add3A_296 = arith.constant 64 : i32
      %add3A_297 = arith.addi %mul3A_214, %add3A_296 : i32
      %get3A_298 = arith.index_cast %add3A_297 : i32 to index
      %get3A_299 = tpu.vector_load %arg7[%get3A_298] {strides = array<i32>} : memref<10000xi32, #tpu.memory_space<vmem>>, vector<16xi32>,
      %get3A_300 = vector.shape_cast %get3A_299 : vector<16xi32> to vector<16xi32>
      %swap3A_301 = arith.constant 64 : index
      %swap3A_302 = tpu.vector_load %arg10[%swap3A_301] {strides = array<i32>} : memref<80xi32, #tpu.memory_space<vmem>>, vector<16xi32>,
      %swap3A_303 = vector.shape_cast %swap3A_302 : vector<16xi32> to vector<16xi32>
      %swap3A_304 = vector.shape_cast %get3A_300 : vector<16xi32> to vector<16xi32>
      tpu.vector_store %arg10[%swap3A_301], %swap3A_304 {strides = array<i32>} : memref<80xi32, #tpu.memory_space<vmem>>, vector<16xi32>,
      %dma_start3A_305 = arith.constant 0 : i32
      %dma_start3A_306 = arith.constant 0 : i32
      %dma_start3A_307 = tpu.memref_slice %arg2[%dma_start3A_305, %dma_start3A_306] : memref<10240x128xf32, #tpu.memory_space<hbm>> -> memref<10240x128xf32, #tpu.memory_space<hbm>>
      tpu.enqueue_indirect_dma source(%dma_start3A_307 : memref<10240x128xf32, #tpu.memory_space<hbm>>) target(%arg12 : memref<80x128xf32, #tpu.memory_space<vmem>>) offsets(%arg8 : memref<80xi32, #tpu.memory_space<vmem>>) semaphore(%arg19 : memref<!tpu.dma_semaphore, #tpu.memory_space<semaphore_mem>>)
      %dma_wait3A_308 = arith.constant 0 : i32
      %dma_wait3A_309 = arith.constant 0 : i32
      %dma_wait3A_310 = tpu.memref_slice %arg2[%dma_wait3A_308, %dma_wait3A_309] : memref<10240x128xf32, #tpu.memory_space<hbm>> -> memref<10240x128xf32, #tpu.memory_space<hbm>>
      tpu.wait_indirect_dma semaphore(%arg20 : memref<!tpu.dma_semaphore, #tpu.memory_space<semaphore_mem>>) src(%dma_wait3A_310 : memref<10240x128xf32, #tpu.memory_space<hbm>>) dst(%arg13 : memref<80x128xf32, #tpu.memory_space<vmem>>)
      "tpu.region"() ({
        %run_scoped3A = tpu.sem_alloc : memref<!tpu.dma_semaphore, #tpu.memory_space<semaphore_mem>>
        %dma_start3A_312 = arith.constant 0 : i32
        %dma_start3A_313 = arith.constant 0 : i32
        %dma_start3A_314 = tpu.memref_slice %arg18[%dma_start3A_312, %dma_start3A_313] : memref<10240x128xf32, #tpu.memory_space<vmem_shared>> -> memref<10240x128xf32, #tpu.memory_space<vmem_shared>>
        tpu.enqueue_indirect_dma source(%arg13 : memref<80x128xf32, #tpu.memory_space<vmem>>) target(%dma_start3A_314 : memref<10240x128xf32, #tpu.memory_space<vmem_shared>>) offsets(%arg11 : memref<80xi32, #tpu.memory_space<vmem>>) semaphore(%run_scoped3A : memref<!tpu.dma_semaphore, #tpu.memory_space<semaphore_mem>>) {add = true}
        %dma_wait3A_315 = arith.constant 0 : i32
        %dma_wait3A_316 = arith.constant 0 : i32
        %dma_wait3A_317 = tpu.memref_slice %arg18[%dma_wait3A_315, %dma_wait3A_316] : memref<10240x128xf32, #tpu.memory_space<vmem_shared>> -> memref<10240x128xf32, #tpu.memory_space<vmem_shared>>
        tpu.wait_indirect_dma semaphore(%run_scoped3A : memref<!tpu.dma_semaphore, #tpu.memory_space<semaphore_mem>>) src(%arg13 : memref<80x128xf32, #tpu.memory_space<vmem>>) dst(%dma_wait3A_317 : memref<10240x128xf32, #tpu.memory_space<vmem_shared>>)
        tpu.yield
      }) : () -> ()
      %scan3A_311 = arith.constant 0 : i32
      scf.yield %scan3A_311 : i32
    }
    %scan3A_101 = arith.constant 62 : i32
    %dma_wait3A = arith.constant 0 : i32
    %dma_wait3A_102 = arith.constant 0 : i32
    %dma_wait3A_103 = tpu.memref_slice %arg2[%dma_wait3A, %dma_wait3A_102] : memref<10240x128xf32, #tpu.memory_space<hbm>> -> memref<10240x128xf32, #tpu.memory_space<hbm>>
    tpu.wait_indirect_dma semaphore(%arg19 : memref<!tpu.dma_semaphore, #tpu.memory_space<semaphore_mem>>) src(%dma_wait3A_103 : memref<10240x128xf32, #tpu.memory_space<hbm>>) dst(%arg12 : memref<80x128xf32, #tpu.memory_space<vmem>>)
    "tpu.region"() ({
      %run_scoped3A = tpu.sem_alloc : memref<!tpu.dma_semaphore, #tpu.memory_space<semaphore_mem>>
      %dma_start3A_105 = arith.constant 0 : i32
      %dma_start3A_106 = arith.constant 0 : i32
      %dma_start3A_107 = tpu.memref_slice %arg18[%dma_start3A_105, %dma_start3A_106] : memref<10240x128xf32, #tpu.memory_space<vmem_shared>> -> memref<10240x128xf32, #tpu.memory_space<vmem_shared>>
      tpu.enqueue_indirect_dma source(%arg12 : memref<80x128xf32, #tpu.memory_space<vmem>>) target(%dma_start3A_107 : memref<10240x128xf32, #tpu.memory_space<vmem_shared>>) offsets(%arg10 : memref<80xi32, #tpu.memory_space<vmem>>) semaphore(%run_scoped3A : memref<!tpu.dma_semaphore, #tpu.memory_space<semaphore_mem>>) {add = true}
      %dma_wait3A_108 = arith.constant 0 : i32
      %dma_wait3A_109 = arith.constant 0 : i32
      %dma_wait3A_110 = tpu.memref_slice %arg18[%dma_wait3A_108, %dma_wait3A_109] : memref<10240x128xf32, #tpu.memory_space<vmem_shared>> -> memref<10240x128xf32, #tpu.memory_space<vmem_shared>>
      tpu.wait_indirect_dma semaphore(%run_scoped3A : memref<!tpu.dma_semaphore, #tpu.memory_space<semaphore_mem>>) src(%arg12 : memref<80x128xf32, #tpu.memory_space<vmem>>) dst(%dma_wait3A_110 : memref<10240x128xf32, #tpu.memory_space<vmem_shared>>)
      tpu.yield
    }) : () -> ()
    %barrier3A_104 = arith.constant 0 : index
    tpu.barrier barrier_id(%barrier3A_104)
    "tpu.region"() ({
      %run_scoped3A = tpu.sem_alloc : memref<!tpu.dma_semaphore, #tpu.memory_space<semaphore_mem>>
      %dma_start3A_105 = arith.constant 0 : i32
      %dma_start3A_106 = tpu.memref_slice %arg5[%arg0, %mul3A_10, %dma_start3A_105] : memref<2x10240x128xf32, #tpu.memory_space<hbm>> -> memref<1x640x128xf32, #tpu.memory_space<hbm>>
      %dma_start3A_107 = tpu.memref_squeeze %dma_start3A_106 : memref<1x640x128xf32, #tpu.memory_space<hbm>> -> memref<640x128xf32, #tpu.memory_space<hbm>>
      %dma_start3A_108 = arith.constant 0 : i32
      %dma_start3A_109 = tpu.memref_slice %arg18[%mul3A_10, %dma_start3A_108] : memref<10240x128xf32, #tpu.memory_space<vmem_shared>> -> memref<640x128xf32, #tpu.memory_space<vmem_shared>>
      tpu.enqueue_dma source(%dma_start3A_109 : memref<640x128xf32, #tpu.memory_space<vmem_shared>>) target(%dma_start3A_107 : memref<640x128xf32, #tpu.memory_space<hbm>>) target_semaphore(%run_scoped3A : memref<!tpu.dma_semaphore, #tpu.memory_space<semaphore_mem>>)
      %dma_wait3A_110 = arith.constant 0 : i32
      %dma_wait3A_111 = tpu.memref_slice %arg5[%arg0, %mul3A_10, %dma_wait3A_110] : memref<2x10240x128xf32, #tpu.memory_space<hbm>> -> memref<1x640x128xf32, #tpu.memory_space<hbm>>
      %dma_wait3A_112 = tpu.memref_squeeze %dma_wait3A_111 : memref<1x640x128xf32, #tpu.memory_space<hbm>> -> memref<640x128xf32, #tpu.memory_space<hbm>>
      %dma_wait3A_113 = arith.constant 0 : i32
      %dma_wait3A_114 = tpu.memref_slice %arg18[%mul3A_10, %dma_wait3A_113] : memref<10240x128xf32, #tpu.memory_space<vmem_shared>> -> memref<640x128xf32, #tpu.memory_space<vmem_shared>>
      tpu.wait_dma2 semaphore(%run_scoped3A : memref<!tpu.dma_semaphore, #tpu.memory_space<semaphore_mem>>) src(%dma_wait3A_114 : memref<640x128xf32, #tpu.memory_space<vmem_shared>>) dst(%dma_wait3A_112 : memref<640x128xf32, #tpu.memory_space<hbm>>)
      tpu.yield
    }) : () -> ()
    return
  }
}

#map = affine_map<(d0, d1) -> (0, 0)>
#map1 = affine_map<(d0, d1) -> (0)>
#map2 = affine_map<(d0, d1) -> (0, 0, 0)>
module attributes {stable_mosaic.version = 14 : i64} {
  func.func @seg(%arg0: i32, %arg1: i32, %arg2: memref<10240x128xf32, #tpu.memory_space<hbm>>, %arg3: memref<320000xi32, #tpu.memory_space<hbm>>, %arg4: memref<320000xi32, #tpu.memory_space<hbm>>, %arg5: memref<2x10240x128xf32, #tpu.memory_space<hbm>>, %arg6: memref<10000xi32, #tpu.memory_space<vmem>>, %arg7: memref<10000xi32, #tpu.memory_space<vmem>>, %arg8: memref<80xi32, #tpu.memory_space<vmem>>, %arg9: memref<80xi32, #tpu.memory_space<vmem>>, %arg10: memref<80xi32, #tpu.memory_space<vmem>>, %arg11: memref<80xi32, #tpu.memory_space<vmem>>, %arg12: memref<80x128xf32, #tpu.memory_space<vmem>>, %arg13: memref<80x128xf32, #tpu.memory_space<vmem>>, %arg14: memref<16xi32, #tpu.memory_space<vmem>>, %arg15: memref<16xi32, #tpu.memory_space<vmem>>, %arg16: memref<16x128xf32, #tpu.memory_space<vmem>>, %arg17: memref<32x128xf32, #tpu.memory_space<vmem>>, %arg18: memref<10240x128xf32, #tpu.memory_space<vmem_shared>>, %arg19: memref<!tpu.dma_semaphore, #tpu.memory_space<semaphore_mem>>, %arg20: memref<!tpu.dma_semaphore, #tpu.memory_space<semaphore_mem>>) attributes {dimension_semantics = [#tpu.dimension_semantics<core_parallel>, #tpu.dimension_semantics<subcore_parallel>], iteration_bounds = array<i64: 2, 16>, scalar_prefetch = 0 : i64, scratch_operands = 15 : i64, tpu.core_type = #tpu.core_type<sc_vector_subcore>, window_params = [{transform_indices = #map}, {transform_indices = #map1}, {transform_indices = #map1}, {transform_indices = #map2}]} {
    %mul3A = arith.constant 16 : i32
    %mul3A_0 = arith.muli %arg0, %mul3A : i32
    %add3A = arith.addi %mul3A_0, %arg1 : i32
    %mul3A_1 = arith.constant 10000 : i32
    %mul3A_2 = arith.muli %add3A, %mul3A_1 : i32
    %scan3A = arith.constant 0 : i32
    %scan3A_3 = arith.constant 0 : i32
    %scan3A_4 = arith.constant 32 : i32
    %scan3A_5 = arith.addi %scan3A_3, %scan3A_4 : i32
    %scan3A_6 = arith.constant 1 : i32
    %scan3A_7 = scf.for %scan3A_105 = %scan3A_3 to %scan3A_5 step %scan3A_6 iter_args(%scan3A_106 = %scan3A) -> (i32)  : i32 {
      %broadcast_in_dim3A = arith.constant 0.000000e+00 : f32
      %broadcast_in_dim3A_107 = vector.broadcast %broadcast_in_dim3A : f32 to vector<16xf32>
      %swap3A_108 = arith.index_cast %scan3A_105 : i32 to index
      %swap3A_109 = arith.constant 0 : index
      %swap3A_110 = tpu.vector_load %arg17[%swap3A_108, %swap3A_109] {strides = array<i32>} : memref<32x128xf32, #tpu.memory_space<vmem>>, vector<1x16xf32>,
      %swap3A_111 = vector.shape_cast %swap3A_110 : vector<1x16xf32> to vector<16xf32>
      %swap3A_112 = vector.shape_cast %broadcast_in_dim3A_107 : vector<16xf32> to vector<1x16xf32>
      tpu.vector_store %arg17[%swap3A_108, %swap3A_109], %swap3A_112 {strides = array<i32>} : memref<32x128xf32, #tpu.memory_space<vmem>>, vector<1x16xf32>,
      %broadcast_in_dim3A_113 = arith.constant 0.000000e+00 : f32
      %broadcast_in_dim3A_114 = vector.broadcast %broadcast_in_dim3A_113 : f32 to vector<16xf32>
      %swap3A_115 = arith.index_cast %scan3A_105 : i32 to index
      %swap3A_116 = arith.constant 16 : index
      %swap3A_117 = tpu.vector_load %arg17[%swap3A_115, %swap3A_116] {strides = array<i32>} : memref<32x128xf32, #tpu.memory_space<vmem>>, vector<1x16xf32>,
      %swap3A_118 = vector.shape_cast %swap3A_117 : vector<1x16xf32> to vector<16xf32>
      %swap3A_119 = vector.shape_cast %broadcast_in_dim3A_114 : vector<16xf32> to vector<1x16xf32>
      tpu.vector_store %arg17[%swap3A_115, %swap3A_116], %swap3A_119 {strides = array<i32>} : memref<32x128xf32, #tpu.memory_space<vmem>>, vector<1x16xf32>,
      %broadcast_in_dim3A_120 = arith.constant 0.000000e+00 : f32
      %broadcast_in_dim3A_121 = vector.broadcast %broadcast_in_dim3A_120 : f32 to vector<16xf32>
      %swap3A_122 = arith.index_cast %scan3A_105 : i32 to index
      %swap3A_123 = arith.constant 32 : index
      %swap3A_124 = tpu.vector_load %arg17[%swap3A_122, %swap3A_123] {strides = array<i32>} : memref<32x128xf32, #tpu.memory_space<vmem>>, vector<1x16xf32>,
      %swap3A_125 = vector.shape_cast %swap3A_124 : vector<1x16xf32> to vector<16xf32>
      %swap3A_126 = vector.shape_cast %broadcast_in_dim3A_121 : vector<16xf32> to vector<1x16xf32>
      tpu.vector_store %arg17[%swap3A_122, %swap3A_123], %swap3A_126 {strides = array<i32>} : memref<32x128xf32, #tpu.memory_space<vmem>>, vector<1x16xf32>,
      %broadcast_in_dim3A_127 = arith.constant 0.000000e+00 : f32
      %broadcast_in_dim3A_128 = vector.broadcast %broadcast_in_dim3A_127 : f32 to vector<16xf32>
      %swap3A_129 = arith.index_cast %scan3A_105 : i32 to index
      %swap3A_130 = arith.constant 48 : index
      %swap3A_131 = tpu.vector_load %arg17[%swap3A_129, %swap3A_130] {strides = array<i32>} : memref<32x128xf32, #tpu.memory_space<vmem>>, vector<1x16xf32>,
      %swap3A_132 = vector.shape_cast %swap3A_131 : vector<1x16xf32> to vector<16xf32>
      %swap3A_133 = vector.shape_cast %broadcast_in_dim3A_128 : vector<16xf32> to vector<1x16xf32>
      tpu.vector_store %arg17[%swap3A_129, %swap3A_130], %swap3A_133 {strides = array<i32>} : memref<32x128xf32, #tpu.memory_space<vmem>>, vector<1x16xf32>,
      %broadcast_in_dim3A_134 = arith.constant 0.000000e+00 : f32
      %broadcast_in_dim3A_135 = vector.broadcast %broadcast_in_dim3A_134 : f32 to vector<16xf32>
      %swap3A_136 = arith.index_cast %scan3A_105 : i32 to index
      %swap3A_137 = arith.constant 64 : index
      %swap3A_138 = tpu.vector_load %arg17[%swap3A_136, %swap3A_137] {strides = array<i32>} : memref<32x128xf32, #tpu.memory_space<vmem>>, vector<1x16xf32>,
      %swap3A_139 = vector.shape_cast %swap3A_138 : vector<1x16xf32> to vector<16xf32>
      %swap3A_140 = vector.shape_cast %broadcast_in_dim3A_135 : vector<16xf32> to vector<1x16xf32>
      tpu.vector_store %arg17[%swap3A_136, %swap3A_137], %swap3A_140 {strides = array<i32>} : memref<32x128xf32, #tpu.memory_space<vmem>>, vector<1x16xf32>,
      %broadcast_in_dim3A_141 = arith.constant 0.000000e+00 : f32
      %broadcast_in_dim3A_142 = vector.broadcast %broadcast_in_dim3A_141 : f32 to vector<16xf32>
      %swap3A_143 = arith.index_cast %scan3A_105 : i32 to index
      %swap3A_144 = arith.constant 80 : index
      %swap3A_145 = tpu.vector_load %arg17[%swap3A_143, %swap3A_144] {strides = array<i32>} : memref<32x128xf32, #tpu.memory_space<vmem>>, vector<1x16xf32>,
      %swap3A_146 = vector.shape_cast %swap3A_145 : vector<1x16xf32> to vector<16xf32>
      %swap3A_147 = vector.shape_cast %broadcast_in_dim3A_142 : vector<16xf32> to vector<1x16xf32>
      tpu.vector_store %arg17[%swap3A_143, %swap3A_144], %swap3A_147 {strides = array<i32>} : memref<32x128xf32, #tpu.memory_space<vmem>>, vector<1x16xf32>,
      %broadcast_in_dim3A_148 = arith.constant 0.000000e+00 : f32
      %broadcast_in_dim3A_149 = vector.broadcast %broadcast_in_dim3A_148 : f32 to vector<16xf32>
      %swap3A_150 = arith.index_cast %scan3A_105 : i32 to index
      %swap3A_151 = arith.constant 96 : index
      %swap3A_152 = tpu.vector_load %arg17[%swap3A_150, %swap3A_151] {strides = array<i32>} : memref<32x128xf32, #tpu.memory_space<vmem>>, vector<1x16xf32>,
      %swap3A_153 = vector.shape_cast %swap3A_152 : vector<1x16xf32> to vector<16xf32>
      %swap3A_154 = vector.shape_cast %broadcast_in_dim3A_149 : vector<16xf32> to vector<1x16xf32>
      tpu.vector_store %arg17[%swap3A_150, %swap3A_151], %swap3A_154 {strides = array<i32>} : memref<32x128xf32, #tpu.memory_space<vmem>>, vector<1x16xf32>,
      %broadcast_in_dim3A_155 = arith.constant 0.000000e+00 : f32
      %broadcast_in_dim3A_156 = vector.broadcast %broadcast_in_dim3A_155 : f32 to vector<16xf32>
      %swap3A_157 = arith.index_cast %scan3A_105 : i32 to index
      %swap3A_158 = arith.constant 112 : index
      %swap3A_159 = tpu.vector_load %arg17[%swap3A_157, %swap3A_158] {strides = array<i32>} : memref<32x128xf32, #tpu.memory_space<vmem>>, vector<1x16xf32>,
      %swap3A_160 = vector.shape_cast %swap3A_159 : vector<1x16xf32> to vector<16xf32>
      %swap3A_161 = vector.shape_cast %broadcast_in_dim3A_156 : vector<16xf32> to vector<1x16xf32>
      tpu.vector_store %arg17[%swap3A_157, %swap3A_158], %swap3A_161 {strides = array<i32>} : memref<32x128xf32, #tpu.memory_space<vmem>>, vector<1x16xf32>,
      %scan3A_162 = arith.constant 0 : i32
      scf.yield %scan3A_162 : i32
    }
    %scan3A_8 = arith.constant 32 : i32
    %mul3A_9 = arith.constant 640 : i32
    %mul3A_10 = arith.muli %arg1, %mul3A_9 : i32
    %scan3A_11 = arith.constant 0 : i32
    %scan3A_12 = arith.constant 0 : i32
    %scan3A_13 = arith.constant 20 : i32
    %scan3A_14 = arith.addi %scan3A_12, %scan3A_13 : i32
    %scan3A_15 = arith.constant 1 : i32
    %scan3A_16 = scf.for %scan3A_105 = %scan3A_12 to %scan3A_14 step %scan3A_15 iter_args(%scan3A_106 = %scan3A_11) -> (i32)  : i32 {
      %mul3A_107 = arith.constant 32 : i32
      %mul3A_108 = arith.muli %scan3A_105, %mul3A_107 : i32
      %add3A_109 = arith.addi %mul3A_10, %mul3A_108 : i32
      %dma_start3A_110 = arith.constant 0 : i32
      %dma_start3A_111 = tpu.memref_slice %arg18[%add3A_109, %dma_start3A_110] : memref<10240x128xf32, #tpu.memory_space<vmem_shared>> -> memref<32x128xf32, #tpu.memory_space<vmem_shared>>
      %dma_start3A_112 = arith.constant 0 : i32
      %dma_start3A_113 = tpu.memref_slice %arg18[%add3A_109, %dma_start3A_112] : memref<10240x128xf32, #tpu.memory_space<vmem_shared>> -> memref<32x128xf32, #tpu.memory_space<vmem_shared>>
      tpu.enqueue_dma source(%arg17 : memref<32x128xf32, #tpu.memory_space<vmem>>) target(%dma_start3A_113 : memref<32x128xf32, #tpu.memory_space<vmem_shared>>) target_semaphore(%arg19 : memref<!tpu.dma_semaphore, #tpu.memory_space<semaphore_mem>>)
      %scan3A_114 = arith.constant 0 : i32
      scf.yield %scan3A_114 : i32
    }
    %scan3A_17 = arith.constant 20 : i32
    "tpu.region"() ({
      %run_scoped3A = tpu.sem_alloc : memref<!tpu.dma_semaphore, #tpu.memory_space<semaphore_mem>>
      %dma_start3A_105 = tpu.memref_slice %arg3[%mul3A_2] : memref<320000xi32, #tpu.memory_space<hbm>> -> memref<10000xi32, #tpu.memory_space<hbm>>
      %dma_start3A_106 = tpu.memref_slice %arg3[%mul3A_2] : memref<320000xi32, #tpu.memory_space<hbm>> -> memref<10000xi32, #tpu.memory_space<hbm>>
      tpu.enqueue_dma source(%dma_start3A_106 : memref<10000xi32, #tpu.memory_space<hbm>>) target(%arg6 : memref<10000xi32, #tpu.memory_space<vmem>>) target_semaphore(%run_scoped3A : memref<!tpu.dma_semaphore, #tpu.memory_space<semaphore_mem>>)
      %dma_wait3A_107 = tpu.memref_slice %arg3[%mul3A_2] : memref<320000xi32, #tpu.memory_space<hbm>> -> memref<10000xi32, #tpu.memory_space<hbm>>
      %dma_wait3A_108 = tpu.memref_slice %arg3[%mul3A_2] : memref<320000xi32, #tpu.memory_space<hbm>> -> memref<10000xi32, #tpu.memory_space<hbm>>
      tpu.wait_dma2 semaphore(%run_scoped3A : memref<!tpu.dma_semaphore, #tpu.memory_space<semaphore_mem>>) src(%dma_wait3A_108 : memref<10000xi32, #tpu.memory_space<hbm>>) dst(%arg6 : memref<10000xi32, #tpu.memory_space<vmem>>)
      tpu.yield
    }) : () -> ()
    "tpu.region"() ({
      %run_scoped3A = tpu.sem_alloc : memref<!tpu.dma_semaphore, #tpu.memory_space<semaphore_mem>>
      %dma_start3A_105 = tpu.memref_slice %arg4[%mul3A_2] : memref<320000xi32, #tpu.memory_space<hbm>> -> memref<10000xi32, #tpu.memory_space<hbm>>
      %dma_start3A_106 = tpu.memref_slice %arg4[%mul3A_2] : memref<320000xi32, #tpu.memory_space<hbm>> -> memref<10000xi32, #tpu.memory_space<hbm>>
      tpu.enqueue_dma source(%dma_start3A_106 : memref<10000xi32, #tpu.memory_space<hbm>>) target(%arg7 : memref<10000xi32, #tpu.memory_space<vmem>>) target_semaphore(%run_scoped3A : memref<!tpu.dma_semaphore, #tpu.memory_space<semaphore_mem>>)
      %dma_wait3A_107 = tpu.memref_slice %arg4[%mul3A_2] : memref<320000xi32, #tpu.memory_space<hbm>> -> memref<10000xi32, #tpu.memory_space<hbm>>
      %dma_wait3A_108 = tpu.memref_slice %arg4[%mul3A_2] : memref<320000xi32, #tpu.memory_space<hbm>> -> memref<10000xi32, #tpu.memory_space<hbm>>
      tpu.wait_dma2 semaphore(%run_scoped3A : memref<!tpu.dma_semaphore, #tpu.memory_space<semaphore_mem>>) src(%dma_wait3A_108 : memref<10000xi32, #tpu.memory_space<hbm>>) dst(%arg7 : memref<10000xi32, #tpu.memory_space<vmem>>)
      tpu.yield
    }) : () -> ()
    %scan3A_18 = arith.constant 0 : i32
    %scan3A_19 = arith.constant 0 : i32
    %scan3A_20 = arith.constant 20 : i32
    %scan3A_21 = arith.addi %scan3A_19, %scan3A_20 : i32
    %scan3A_22 = arith.constant 1 : i32
    %scan3A_23 = scf.for %scan3A_105 = %scan3A_19 to %scan3A_21 step %scan3A_22 iter_args(%scan3A_106 = %scan3A_18) -> (i32)  : i32 {
      %dma_wait3A_107 = arith.constant 0 : i32
      %dma_wait3A_108 = tpu.memref_slice %arg18[%mul3A_10, %dma_wait3A_107] : memref<10240x128xf32, #tpu.memory_space<vmem_shared>> -> memref<32x128xf32, #tpu.memory_space<vmem_shared>>
      %dma_wait3A_109 = arith.constant 0 : i32
      %dma_wait3A_110 = tpu.memref_slice %arg18[%mul3A_10, %dma_wait3A_109] : memref<10240x128xf32, #tpu.memory_space<vmem_shared>> -> memref<32x128xf32, #tpu.memory_space<vmem_shared>>
      tpu.wait_dma2 semaphore(%arg19 : memref<!tpu.dma_semaphore, #tpu.memory_space<semaphore_mem>>) src(%arg17 : memref<32x128xf32, #tpu.memory_space<vmem>>) dst(%dma_wait3A_110 : memref<32x128xf32, #tpu.memory_space<vmem_shared>>)
      %scan3A_111 = arith.constant 0 : i32
      scf.yield %scan3A_111 : i32
    }
    %scan3A_24 = arith.constant 20 : i32
    %barrier3A = arith.constant 0 : index
    tpu.barrier barrier_id(%barrier3A)
    %get3A = arith.constant 0 : index
    %get3A_25 = tpu.vector_load %arg6[%get3A] {strides = array<i32>} : memref<10000xi32, #tpu.memory_space<vmem>>, vector<16xi32>,
    %get3A_26 = vector.shape_cast %get3A_25 : vector<16xi32> to vector<16xi32>
    %swap3A = arith.constant 0 : index
    %swap3A_27 = tpu.vector_load %arg8[%swap3A] {strides = array<i32>} : memref<80xi32, #tpu.memory_space<vmem>>, vector<16xi32>,
    %swap3A_28 = vector.shape_cast %swap3A_27 : vector<16xi32> to vector<16xi32>
    %swap3A_29 = vector.shape_cast %get3A_26 : vector<16xi32> to vector<16xi32>
    tpu.vector_store %arg8[%swap3A], %swap3A_29 {strides = array<i32>} : memref<80xi32, #tpu.memory_space<vmem>>, vector<16xi32>,
    %get3A_30 = arith.constant 0 : index
    %get3A_31 = tpu.vector_load %arg7[%get3A_30] {strides = array<i32>} : memref<10000xi32, #tpu.memory_space<vmem>>, vector<16xi32>,
    %get3A_32 = vector.shape_cast %get3A_31 : vector<16xi32> to vector<16xi32>
    %swap3A_33 = arith.constant 0 : index
    %swap3A_34 = tpu.vector_load %arg10[%swap3A_33] {strides = array<i32>} : memref<80xi32, #tpu.memory_space<vmem>>, vector<16xi32>,
    %swap3A_35 = vector.shape_cast %swap3A_34 : vector<16xi32> to vector<16xi32>
    %swap3A_36 = vector.shape_cast %get3A_32 : vector<16xi32> to vector<16xi32>
    tpu.vector_store %arg10[%swap3A_33], %swap3A_36 {strides = array<i32>} : memref<80xi32, #tpu.memory_space<vmem>>, vector<16xi32>,
    %get3A_37 = arith.constant 16 : index
    %get3A_38 = tpu.vector_load %arg6[%get3A_37] {strides = array<i32>} : memref<10000xi32, #tpu.memory_space<vmem>>, vector<16xi32>,
    %get3A_39 = vector.shape_cast %get3A_38 : vector<16xi32> to vector<16xi32>
    %swap3A_40 = arith.constant 16 : index
    %swap3A_41 = tpu.vector_load %arg8[%swap3A_40] {strides = array<i32>} : memref<80xi32, #tpu.memory_space<vmem>>, vector<16xi32>,
    %swap3A_42 = vector.shape_cast %swap3A_41 : vector<16xi32> to vector<16xi32>
    %swap3A_43 = vector.shape_cast %get3A_39 : vector<16xi32> to vector<16xi32>
    tpu.vector_store %arg8[%swap3A_40], %swap3A_43 {strides = array<i32>} : memref<80xi32, #tpu.memory_space<vmem>>, vector<16xi32>,
    %get3A_44 = arith.constant 16 : index
    %get3A_45 = tpu.vector_load %arg7[%get3A_44] {strides = array<i32>} : memref<10000xi32, #tpu.memory_space<vmem>>, vector<16xi32>,
    %get3A_46 = vector.shape_cast %get3A_45 : vector<16xi32> to vector<16xi32>
    %swap3A_47 = arith.constant 16 : index
    %swap3A_48 = tpu.vector_load %arg10[%swap3A_47] {strides = array<i32>} : memref<80xi32, #tpu.memory_space<vmem>>, vector<16xi32>,
    %swap3A_49 = vector.shape_cast %swap3A_48 : vector<16xi32> to vector<16xi32>
    %swap3A_50 = vector.shape_cast %get3A_46 : vector<16xi32> to vector<16xi32>
    tpu.vector_store %arg10[%swap3A_47], %swap3A_50 {strides = array<i32>} : memref<80xi32, #tpu.memory_space<vmem>>, vector<16xi32>,
    %get3A_51 = arith.constant 32 : index
    %get3A_52 = tpu.vector_load %arg6[%get3A_51] {strides = array<i32>} : memref<10000xi32, #tpu.memory_space<vmem>>, vector<16xi32>,
    %get3A_53 = vector.shape_cast %get3A_52 : vector<16xi32> to vector<16xi32>
    %swap3A_54 = arith.constant 32 : index
    %swap3A_55 = tpu.vector_load %arg8[%swap3A_54] {strides = array<i32>} : memref<80xi32, #tpu.memory_space<vmem>>, vector<16xi32>,
    %swap3A_56 = vector.shape_cast %swap3A_55 : vector<16xi32> to vector<16xi32>
    %swap3A_57 = vector.shape_cast %get3A_53 : vector<16xi32> to vector<16xi32>
    tpu.vector_store %arg8[%swap3A_54], %swap3A_57 {strides = array<i32>} : memref<80xi32, #tpu.memory_space<vmem>>, vector<16xi32>,
    %get3A_58 = arith.constant 32 : index
    %get3A_59 = tpu.vector_load %arg7[%get3A_58] {strides = array<i32>} : memref<10000xi32, #tpu.memory_space<vmem>>, vector<16xi32>,
    %get3A_60 = vector.shape_cast %get3A_59 : vector<16xi32> to vector<16xi32>
    %swap3A_61 = arith.constant 32 : index
    %swap3A_62 = tpu.vector_load %arg10[%swap3A_61] {strides = array<i32>} : memref<80xi32, #tpu.memory_space<vmem>>, vector<16xi32>,
    %swap3A_63 = vector.shape_cast %swap3A_62 : vector<16xi32> to vector<16xi32>
    %swap3A_64 = vector.shape_cast %get3A_60 : vector<16xi32> to vector<16xi32>
    tpu.vector_store %arg10[%swap3A_61], %swap3A_64 {strides = array<i32>} : memref<80xi32, #tpu.memory_space<vmem>>, vector<16xi32>,
    %get3A_65 = arith.constant 48 : index
    %get3A_66 = tpu.vector_load %arg6[%get3A_65] {strides = array<i32>} : memref<10000xi32, #tpu.memory_space<vmem>>, vector<16xi32>,
    %get3A_67 = vector.shape_cast %get3A_66 : vector<16xi32> to vector<16xi32>
    %swap3A_68 = arith.constant 48 : index
    %swap3A_69 = tpu.vector_load %arg8[%swap3A_68] {strides = array<i32>} : memref<80xi32, #tpu.memory_space<vmem>>, vector<16xi32>,
    %swap3A_70 = vector.shape_cast %swap3A_69 : vector<16xi32> to vector<16xi32>
    %swap3A_71 = vector.shape_cast %get3A_67 : vector<16xi32> to vector<16xi32>
    tpu.vector_store %arg8[%swap3A_68], %swap3A_71 {strides = array<i32>} : memref<80xi32, #tpu.memory_space<vmem>>, vector<16xi32>,
    %get3A_72 = arith.constant 48 : index
    %get3A_73 = tpu.vector_load %arg7[%get3A_72] {strides = array<i32>} : memref<10000xi32, #tpu.memory_space<vmem>>, vector<16xi32>,
    %get3A_74 = vector.shape_cast %get3A_73 : vector<16xi32> to vector<16xi32>
    %swap3A_75 = arith.constant 48 : index
    %swap3A_76 = tpu.vector_load %arg10[%swap3A_75] {strides = array<i32>} : memref<80xi32, #tpu.memory_space<vmem>>, vector<16xi32>,
    %swap3A_77 = vector.shape_cast %swap3A_76 : vector<16xi32> to vector<16xi32>
    %swap3A_78 = vector.shape_cast %get3A_74 : vector<16xi32> to vector<16xi32>
    tpu.vector_store %arg10[%swap3A_75], %swap3A_78 {strides = array<i32>} : memref<80xi32, #tpu.memory_space<vmem>>, vector<16xi32>,
    %get3A_79 = arith.constant 64 : index
    %get3A_80 = tpu.vector_load %arg6[%get3A_79] {strides = array<i32>} : memref<10000xi32, #tpu.memory_space<vmem>>, vector<16xi32>,
    %get3A_81 = vector.shape_cast %get3A_80 : vector<16xi32> to vector<16xi32>
    %swap3A_82 = arith.constant 64 : index
    %swap3A_83 = tpu.vector_load %arg8[%swap3A_82] {strides = array<i32>} : memref<80xi32, #tpu.memory_space<vmem>>, vector<16xi32>,
    %swap3A_84 = vector.shape_cast %swap3A_83 : vector<16xi32> to vector<16xi32>
    %swap3A_85 = vector.shape_cast %get3A_81 : vector<16xi32> to vector<16xi32>
    tpu.vector_store %arg8[%swap3A_82], %swap3A_85 {strides = array<i32>} : memref<80xi32, #tpu.memory_space<vmem>>, vector<16xi32>,
    %get3A_86 = arith.constant 64 : index
    %get3A_87 = tpu.vector_load %arg7[%get3A_86] {strides = array<i32>} : memref<10000xi32, #tpu.memory_space<vmem>>, vector<16xi32>,
    %get3A_88 = vector.shape_cast %get3A_87 : vector<16xi32> to vector<16xi32>
    %swap3A_89 = arith.constant 64 : index
    %swap3A_90 = tpu.vector_load %arg10[%swap3A_89] {strides = array<i32>} : memref<80xi32, #tpu.memory_space<vmem>>, vector<16xi32>,
    %swap3A_91 = vector.shape_cast %swap3A_90 : vector<16xi32> to vector<16xi32>
    %swap3A_92 = vector.shape_cast %get3A_88 : vector<16xi32> to vector<16xi32>
    tpu.vector_store %arg10[%swap3A_89], %swap3A_92 {strides = array<i32>} : memref<80xi32, #tpu.memory_space<vmem>>, vector<16xi32>,
    %dma_start3A = arith.constant 0 : i32
    %dma_start3A_93 = arith.constant 0 : i32
    %dma_start3A_94 = tpu.memref_slice %arg2[%dma_start3A, %dma_start3A_93] : memref<10240x128xf32, #tpu.memory_space<hbm>> -> memref<10240x128xf32, #tpu.memory_space<hbm>>
    tpu.enqueue_indirect_dma source(%dma_start3A_94 : memref<10240x128xf32, #tpu.memory_space<hbm>>) target(%arg12 : memref<80x128xf32, #tpu.memory_space<vmem>>) offsets(%arg8 : memref<80xi32, #tpu.memory_space<vmem>>) semaphore(%arg19 : memref<!tpu.dma_semaphore, #tpu.memory_space<semaphore_mem>>)
    %scan3A_95 = arith.constant 0 : i32
    %scan3A_96 = arith.constant 0 : i32
    %scan3A_97 = arith.constant 62 : i32
    %scan3A_98 = arith.addi %scan3A_96, %scan3A_97 : i32
    %scan3A_99 = arith.constant 1 : i32
    %scan3A_100 = scf.for %scan3A_105 = %scan3A_96 to %scan3A_98 step %scan3A_99 iter_args(%scan3A_106 = %scan3A_95) -> (i32)  : i32 {
      %mul3A_107 = arith.constant 2 : i32
      %mul3A_108 = arith.muli %mul3A_107, %scan3A_105 : i32
      %add3A_109 = arith.constant 1 : i32
      %add3A_110 = arith.addi %mul3A_108, %add3A_109 : i32
      %mul3A_111 = arith.constant 80 : i32
      %mul3A_112 = arith.muli %add3A_110, %mul3A_111 : i32
      %add3A_113 = arith.constant 0 : i32
      %add3A_114 = arith.addi %mul3A_112, %add3A_113 : i32
      %get3A_115 = arith.index_cast %add3A_114 : i32 to index
      %get3A_116 = tpu.vector_load %arg6[%get3A_115] {strides = array<i32>} : memref<10000xi32, #tpu.memory_space<vmem>>, vector<16xi32>,
      %get3A_117 = vector.shape_cast %get3A_116 : vector<16xi32> to vector<16xi32>
      %swap3A_118 = arith.constant 0 : index
      %swap3A_119 = tpu.vector_load %arg9[%swap3A_118] {strides = array<i32>} : memref<80xi32, #tpu.memory_space<vmem>>, vector<16xi32>,
      %swap3A_120 = vector.shape_cast %swap3A_119 : vector<16xi32> to vector<16xi32>
      %swap3A_121 = vector.shape_cast %get3A_117 : vector<16xi32> to vector<16xi32>
      tpu.vector_store %arg9[%swap3A_118], %swap3A_121 {strides = array<i32>} : memref<80xi32, #tpu.memory_space<vmem>>, vector<16xi32>,
      %add3A_122 = arith.constant 0 : i32
      %add3A_123 = arith.addi %mul3A_112, %add3A_122 : i32
      %get3A_124 = arith.index_cast %add3A_123 : i32 to index
      %get3A_125 = tpu.vector_load %arg7[%get3A_124] {strides = array<i32>} : memref<10000xi32, #tpu.memory_space<vmem>>, vector<16xi32>,
      %get3A_126 = vector.shape_cast %get3A_125 : vector<16xi32> to vector<16xi32>
      %swap3A_127 = arith.constant 0 : index
      %swap3A_128 = tpu.vector_load %arg11[%swap3A_127] {strides = array<i32>} : memref<80xi32, #tpu.memory_space<vmem>>, vector<16xi32>,
      %swap3A_129 = vector.shape_cast %swap3A_128 : vector<16xi32> to vector<16xi32>
      %swap3A_130 = vector.shape_cast %get3A_126 : vector<16xi32> to vector<16xi32>
      tpu.vector_store %arg11[%swap3A_127], %swap3A_130 {strides = array<i32>} : memref<80xi32, #tpu.memory_space<vmem>>, vector<16xi32>,
      %add3A_131 = arith.constant 16 : i32
      %add3A_132 = arith.addi %mul3A_112, %add3A_131 : i32
      %get3A_133 = arith.index_cast %add3A_132 : i32 to index
      %get3A_134 = tpu.vector_load %arg6[%get3A_133] {strides = array<i32>} : memref<10000xi32, #tpu.memory_space<vmem>>, vector<16xi32>,
      %get3A_135 = vector.shape_cast %get3A_134 : vector<16xi32> to vector<16xi32>
      %swap3A_136 = arith.constant 16 : index
      %swap3A_137 = tpu.vector_load %arg9[%swap3A_136] {strides = array<i32>} : memref<80xi32, #tpu.memory_space<vmem>>, vector<16xi32>,
      %swap3A_138 = vector.shape_cast %swap3A_137 : vector<16xi32> to vector<16xi32>
      %swap3A_139 = vector.shape_cast %get3A_135 : vector<16xi32> to vector<16xi32>
      tpu.vector_store %arg9[%swap3A_136], %swap3A_139 {strides = array<i32>} : memref<80xi32, #tpu.memory_space<vmem>>, vector<16xi32>,
      %add3A_140 = arith.constant 16 : i32
      %add3A_141 = arith.addi %mul3A_112, %add3A_140 : i32
      %get3A_142 = arith.index_cast %add3A_141 : i32 to index
      %get3A_143 = tpu.vector_load %arg7[%get3A_142] {strides = array<i32>} : memref<10000xi32, #tpu.memory_space<vmem>>, vector<16xi32>,
      %get3A_144 = vector.shape_cast %get3A_143 : vector<16xi32> to vector<16xi32>
      %swap3A_145 = arith.constant 16 : index
      %swap3A_146 = tpu.vector_load %arg11[%swap3A_145] {strides = array<i32>} : memref<80xi32, #tpu.memory_space<vmem>>, vector<16xi32>,
      %swap3A_147 = vector.shape_cast %swap3A_146 : vector<16xi32> to vector<16xi32>
      %swap3A_148 = vector.shape_cast %get3A_144 : vector<16xi32> to vector<16xi32>
      tpu.vector_store %arg11[%swap3A_145], %swap3A_148 {strides = array<i32>} : memref<80xi32, #tpu.memory_space<vmem>>, vector<16xi32>,
      %add3A_149 = arith.constant 32 : i32
      %add3A_150 = arith.addi %mul3A_112, %add3A_149 : i32
      %get3A_151 = arith.index_cast %add3A_150 : i32 to index
      %get3A_152 = tpu.vector_load %arg6[%get3A_151] {strides = array<i32>} : memref<10000xi32, #tpu.memory_space<vmem>>, vector<16xi32>,
      %get3A_153 = vector.shape_cast %get3A_152 : vector<16xi32> to vector<16xi32>
      %swap3A_154 = arith.constant 32 : index
      %swap3A_155 = tpu.vector_load %arg9[%swap3A_154] {strides = array<i32>} : memref<80xi32, #tpu.memory_space<vmem>>, vector<16xi32>,
      %swap3A_156 = vector.shape_cast %swap3A_155 : vector<16xi32> to vector<16xi32>
      %swap3A_157 = vector.shape_cast %get3A_153 : vector<16xi32> to vector<16xi32>
      tpu.vector_store %arg9[%swap3A_154], %swap3A_157 {strides = array<i32>} : memref<80xi32, #tpu.memory_space<vmem>>, vector<16xi32>,
      %add3A_158 = arith.constant 32 : i32
      %add3A_159 = arith.addi %mul3A_112, %add3A_158 : i32
      %get3A_160 = arith.index_cast %add3A_159 : i32 to index
      %get3A_161 = tpu.vector_load %arg7[%get3A_160] {strides = array<i32>} : memref<10000xi32, #tpu.memory_space<vmem>>, vector<16xi32>,
      %get3A_162 = vector.shape_cast %get3A_161 : vector<16xi32> to vector<16xi32>
      %swap3A_163 = arith.constant 32 : index
      %swap3A_164 = tpu.vector_load %arg11[%swap3A_163] {strides = array<i32>} : memref<80xi32, #tpu.memory_space<vmem>>, vector<16xi32>,
      %swap3A_165 = vector.shape_cast %swap3A_164 : vector<16xi32> to vector<16xi32>
      %swap3A_166 = vector.shape_cast %get3A_162 : vector<16xi32> to vector<16xi32>
      tpu.vector_store %arg11[%swap3A_163], %swap3A_166 {strides = array<i32>} : memref<80xi32, #tpu.memory_space<vmem>>, vector<16xi32>,
      %add3A_167 = arith.constant 48 : i32
      %add3A_168 = arith.addi %mul3A_112, %add3A_167 : i32
      %get3A_169 = arith.index_cast %add3A_168 : i32 to index
      %get3A_170 = tpu.vector_load %arg6[%get3A_169] {strides = array<i32>} : memref<10000xi32, #tpu.memory_space<vmem>>, vector<16xi32>,
      %get3A_171 = vector.shape_cast %get3A_170 : vector<16xi32> to vector<16xi32>
      %swap3A_172 = arith.constant 48 : index
      %swap3A_173 = tpu.vector_load %arg9[%swap3A_172] {strides = array<i32>} : memref<80xi32, #tpu.memory_space<vmem>>, vector<16xi32>,
      %swap3A_174 = vector.shape_cast %swap3A_173 : vector<16xi32> to vector<16xi32>
      %swap3A_175 = vector.shape_cast %get3A_171 : vector<16xi32> to vector<16xi32>
      tpu.vector_store %arg9[%swap3A_172], %swap3A_175 {strides = array<i32>} : memref<80xi32, #tpu.memory_space<vmem>>, vector<16xi32>,
      %add3A_176 = arith.constant 48 : i32
      %add3A_177 = arith.addi %mul3A_112, %add3A_176 : i32
      %get3A_178 = arith.index_cast %add3A_177 : i32 to index
      %get3A_179 = tpu.vector_load %arg7[%get3A_178] {strides = array<i32>} : memref<10000xi32, #tpu.memory_space<vmem>>, vector<16xi32>,
      %get3A_180 = vector.shape_cast %get3A_179 : vector<16xi32> to vector<16xi32>
      %swap3A_181 = arith.constant 48 : index
      %swap3A_182 = tpu.vector_load %arg11[%swap3A_181] {strides = array<i32>} : memref<80xi32, #tpu.memory_space<vmem>>, vector<16xi32>,
      %swap3A_183 = vector.shape_cast %swap3A_182 : vector<16xi32> to vector<16xi32>
      %swap3A_184 = vector.shape_cast %get3A_180 : vector<16xi32> to vector<16xi32>
      tpu.vector_store %arg11[%swap3A_181], %swap3A_184 {strides = array<i32>} : memref<80xi32, #tpu.memory_space<vmem>>, vector<16xi32>,
      %add3A_185 = arith.constant 64 : i32
      %add3A_186 = arith.addi %mul3A_112, %add3A_185 : i32
      %get3A_187 = arith.index_cast %add3A_186 : i32 to index
      %get3A_188 = tpu.vector_load %arg6[%get3A_187] {strides = array<i32>} : memref<10000xi32, #tpu.memory_space<vmem>>, vector<16xi32>,
      %get3A_189 = vector.shape_cast %get3A_188 : vector<16xi32> to vector<16xi32>
      %swap3A_190 = arith.constant 64 : index
      %swap3A_191 = tpu.vector_load %arg9[%swap3A_190] {strides = array<i32>} : memref<80xi32, #tpu.memory_space<vmem>>, vector<16xi32>,
      %swap3A_192 = vector.shape_cast %swap3A_191 : vector<16xi32> to vector<16xi32>
      %swap3A_193 = vector.shape_cast %get3A_189 : vector<16xi32> to vector<16xi32>
      tpu.vector_store %arg9[%swap3A_190], %swap3A_193 {strides = array<i32>} : memref<80xi32, #tpu.memory_space<vmem>>, vector<16xi32>,
      %add3A_194 = arith.constant 64 : i32
      %add3A_195 = arith.addi %mul3A_112, %add3A_194 : i32
      %get3A_196 = arith.index_cast %add3A_195 : i32 to index
      %get3A_197 = tpu.vector_load %arg7[%get3A_196] {strides = array<i32>} : memref<10000xi32, #tpu.memory_space<vmem>>, vector<16xi32>,
      %get3A_198 = vector.shape_cast %get3A_197 : vector<16xi32> to vector<16xi32>
      %swap3A_199 = arith.constant 64 : index
      %swap3A_200 = tpu.vector_load %arg11[%swap3A_199] {strides = array<i32>} : memref<80xi32, #tpu.memory_space<vmem>>, vector<16xi32>,
      %swap3A_201 = vector.shape_cast %swap3A_200 : vector<16xi32> to vector<16xi32>
      %swap3A_202 = vector.shape_cast %get3A_198 : vector<16xi32> to vector<16xi32>
      tpu.vector_store %arg11[%swap3A_199], %swap3A_202 {strides = array<i32>} : memref<80xi32, #tpu.memory_space<vmem>>, vector<16xi32>,
      %dma_start3A_203 = arith.constant 0 : i32
      %dma_start3A_204 = arith.constant 0 : i32
      %dma_start3A_205 = tpu.memref_slice %arg2[%dma_start3A_203, %dma_start3A_204] : memref<10240x128xf32, #tpu.memory_space<hbm>> -> memref<10240x128xf32, #tpu.memory_space<hbm>>
      tpu.enqueue_indirect_dma source(%dma_start3A_205 : memref<10240x128xf32, #tpu.memory_space<hbm>>) target(%arg13 : memref<80x128xf32, #tpu.memory_space<vmem>>) offsets(%arg9 : memref<80xi32, #tpu.memory_space<vmem>>) semaphore(%arg20 : memref<!tpu.dma_semaphore, #tpu.memory_space<semaphore_mem>>)
      %dma_wait3A_206 = arith.constant 0 : i32
      %dma_wait3A_207 = arith.constant 0 : i32
      %dma_wait3A_208 = tpu.memref_slice %arg2[%dma_wait3A_206, %dma_wait3A_207] : memref<10240x128xf32, #tpu.memory_space<hbm>> -> memref<10240x128xf32, #tpu.memory_space<hbm>>
      tpu.wait_indirect_dma semaphore(%arg19 : memref<!tpu.dma_semaphore, #tpu.memory_space<semaphore_mem>>) src(%dma_wait3A_208 : memref<10240x128xf32, #tpu.memory_space<hbm>>) dst(%arg12 : memref<80x128xf32, #tpu.memory_space<vmem>>)
      "tpu.region"() ({
        %run_scoped3A = tpu.sem_alloc : memref<!tpu.dma_semaphore, #tpu.memory_space<semaphore_mem>>
        %dma_start3A_312 = arith.constant 0 : i32
        %dma_start3A_313 = arith.constant 0 : i32
        %dma_start3A_314 = tpu.memref_slice %arg18[%dma_start3A_312, %dma_start3A_313] : memref<10240x128xf32, #tpu.memory_space<vmem_shared>> -> memref<10240x128xf32, #tpu.memory_space<vmem_shared>>
        tpu.enqueue_indirect_dma source(%arg12 : memref<80x128xf32, #tpu.memory_space<vmem>>) target(%dma_start3A_314 : memref<10240x128xf32, #tpu.memory_space<vmem_shared>>) offsets(%arg10 : memref<80xi32, #tpu.memory_space<vmem>>) semaphore(%run_scoped3A : memref<!tpu.dma_semaphore, #tpu.memory_space<semaphore_mem>>) {add = true}
        %dma_wait3A_315 = arith.constant 0 : i32
        %dma_wait3A_316 = arith.constant 0 : i32
        %dma_wait3A_317 = tpu.memref_slice %arg18[%dma_wait3A_315, %dma_wait3A_316] : memref<10240x128xf32, #tpu.memory_space<vmem_shared>> -> memref<10240x128xf32, #tpu.memory_space<vmem_shared>>
        tpu.wait_indirect_dma semaphore(%run_scoped3A : memref<!tpu.dma_semaphore, #tpu.memory_space<semaphore_mem>>) src(%arg12 : memref<80x128xf32, #tpu.memory_space<vmem>>) dst(%dma_wait3A_317 : memref<10240x128xf32, #tpu.memory_space<vmem_shared>>)
        tpu.yield
      }) : () -> ()
      %mul3A_209 = arith.constant 2 : i32
      %mul3A_210 = arith.muli %mul3A_209, %scan3A_105 : i32
      %add3A_211 = arith.constant 2 : i32
      %add3A_212 = arith.addi %mul3A_210, %add3A_211 : i32
      %mul3A_213 = arith.constant 80 : i32
      %mul3A_214 = arith.muli %add3A_212, %mul3A_213 : i32
      %add3A_215 = arith.constant 0 : i32
      %add3A_216 = arith.addi %mul3A_214, %add3A_215 : i32
      %get3A_217 = arith.index_cast %add3A_216 : i32 to index
      %get3A_218 = tpu.vector_load %arg6[%get3A_217] {strides = array<i32>} : memref<10000xi32, #tpu.memory_space<vmem>>, vector<16xi32>,
      %get3A_219 = vector.shape_cast %get3A_218 : vector<16xi32> to vector<16xi32>
      %swap3A_220 = arith.constant 0 : index
      %swap3A_221 = tpu.vector_load %arg8[%swap3A_220] {strides = array<i32>} : memref<80xi32, #tpu.memory_space<vmem>>, vector<16xi32>,
      %swap3A_222 = vector.shape_cast %swap3A_221 : vector<16xi32> to vector<16xi32>
      %swap3A_223 = vector.shape_cast %get3A_219 : vector<16xi32> to vector<16xi32>
      tpu.vector_store %arg8[%swap3A_220], %swap3A_223 {strides = array<i32>} : memref<80xi32, #tpu.memory_space<vmem>>, vector<16xi32>,
      %add3A_224 = arith.constant 0 : i32
      %add3A_225 = arith.addi %mul3A_214, %add3A_224 : i32
      %get3A_226 = arith.index_cast %add3A_225 : i32 to index
      %get3A_227 = tpu.vector_load %arg7[%get3A_226] {strides = array<i32>} : memref<10000xi32, #tpu.memory_space<vmem>>, vector<16xi32>,
      %get3A_228 = vector.shape_cast %get3A_227 : vector<16xi32> to vector<16xi32>
      %swap3A_229 = arith.constant 0 : index
      %swap3A_230 = tpu.vector_load %arg10[%swap3A_229] {strides = array<i32>} : memref<80xi32, #tpu.memory_space<vmem>>, vector<16xi32>,
      %swap3A_231 = vector.shape_cast %swap3A_230 : vector<16xi32> to vector<16xi32>
      %swap3A_232 = vector.shape_cast %get3A_228 : vector<16xi32> to vector<16xi32>
      tpu.vector_store %arg10[%swap3A_229], %swap3A_232 {strides = array<i32>} : memref<80xi32, #tpu.memory_space<vmem>>, vector<16xi32>,
      %add3A_233 = arith.constant 16 : i32
      %add3A_234 = arith.addi %mul3A_214, %add3A_233 : i32
      %get3A_235 = arith.index_cast %add3A_234 : i32 to index
      %get3A_236 = tpu.vector_load %arg6[%get3A_235] {strides = array<i32>} : memref<10000xi32, #tpu.memory_space<vmem>>, vector<16xi32>,
      %get3A_237 = vector.shape_cast %get3A_236 : vector<16xi32> to vector<16xi32>
      %swap3A_238 = arith.constant 16 : index
      %swap3A_239 = tpu.vector_load %arg8[%swap3A_238] {strides = array<i32>} : memref<80xi32, #tpu.memory_space<vmem>>, vector<16xi32>,
      %swap3A_240 = vector.shape_cast %swap3A_239 : vector<16xi32> to vector<16xi32>
      %swap3A_241 = vector.shape_cast %get3A_237 : vector<16xi32> to vector<16xi32>
      tpu.vector_store %arg8[%swap3A_238], %swap3A_241 {strides = array<i32>} : memref<80xi32, #tpu.memory_space<vmem>>, vector<16xi32>,
      %add3A_242 = arith.constant 16 : i32
      %add3A_243 = arith.addi %mul3A_214, %add3A_242 : i32
      %get3A_244 = arith.index_cast %add3A_243 : i32 to index
      %get3A_245 = tpu.vector_load %arg7[%get3A_244] {strides = array<i32>} : memref<10000xi32, #tpu.memory_space<vmem>>, vector<16xi32>,
      %get3A_246 = vector.shape_cast %get3A_245 : vector<16xi32> to vector<16xi32>
      %swap3A_247 = arith.constant 16 : index
      %swap3A_248 = tpu.vector_load %arg10[%swap3A_247] {strides = array<i32>} : memref<80xi32, #tpu.memory_space<vmem>>, vector<16xi32>,
      %swap3A_249 = vector.shape_cast %swap3A_248 : vector<16xi32> to vector<16xi32>
      %swap3A_250 = vector.shape_cast %get3A_246 : vector<16xi32> to vector<16xi32>
      tpu.vector_store %arg10[%swap3A_247], %swap3A_250 {strides = array<i32>} : memref<80xi32, #tpu.memory_space<vmem>>, vector<16xi32>,
      %add3A_251 = arith.constant 32 : i32
      %add3A_252 = arith.addi %mul3A_214, %add3A_251 : i32
      %get3A_253 = arith.index_cast %add3A_252 : i32 to index
      %get3A_254 = tpu.vector_load %arg6[%get3A_253] {strides = array<i32>} : memref<10000xi32, #tpu.memory_space<vmem>>, vector<16xi32>,
      %get3A_255 = vector.shape_cast %get3A_254 : vector<16xi32> to vector<16xi32>
      %swap3A_256 = arith.constant 32 : index
      %swap3A_257 = tpu.vector_load %arg8[%swap3A_256] {strides = array<i32>} : memref<80xi32, #tpu.memory_space<vmem>>, vector<16xi32>,
      %swap3A_258 = vector.shape_cast %swap3A_257 : vector<16xi32> to vector<16xi32>
      %swap3A_259 = vector.shape_cast %get3A_255 : vector<16xi32> to vector<16xi32>
      tpu.vector_store %arg8[%swap3A_256], %swap3A_259 {strides = array<i32>} : memref<80xi32, #tpu.memory_space<vmem>>, vector<16xi32>,
      %add3A_260 = arith.constant 32 : i32
      %add3A_261 = arith.addi %mul3A_214, %add3A_260 : i32
      %get3A_262 = arith.index_cast %add3A_261 : i32 to index
      %get3A_263 = tpu.vector_load %arg7[%get3A_262] {strides = array<i32>} : memref<10000xi32, #tpu.memory_space<vmem>>, vector<16xi32>,
      %get3A_264 = vector.shape_cast %get3A_263 : vector<16xi32> to vector<16xi32>
      %swap3A_265 = arith.constant 32 : index
      %swap3A_266 = tpu.vector_load %arg10[%swap3A_265] {strides = array<i32>} : memref<80xi32, #tpu.memory_space<vmem>>, vector<16xi32>,
      %swap3A_267 = vector.shape_cast %swap3A_266 : vector<16xi32> to vector<16xi32>
      %swap3A_268 = vector.shape_cast %get3A_264 : vector<16xi32> to vector<16xi32>
      tpu.vector_store %arg10[%swap3A_265], %swap3A_268 {strides = array<i32>} : memref<80xi32, #tpu.memory_space<vmem>>, vector<16xi32>,
      %add3A_269 = arith.constant 48 : i32
      %add3A_270 = arith.addi %mul3A_214, %add3A_269 : i32
      %get3A_271 = arith.index_cast %add3A_270 : i32 to index
      %get3A_272 = tpu.vector_load %arg6[%get3A_271] {strides = array<i32>} : memref<10000xi32, #tpu.memory_space<vmem>>, vector<16xi32>,
      %get3A_273 = vector.shape_cast %get3A_272 : vector<16xi32> to vector<16xi32>
      %swap3A_274 = arith.constant 48 : index
      %swap3A_275 = tpu.vector_load %arg8[%swap3A_274] {strides = array<i32>} : memref<80xi32, #tpu.memory_space<vmem>>, vector<16xi32>,
      %swap3A_276 = vector.shape_cast %swap3A_275 : vector<16xi32> to vector<16xi32>
      %swap3A_277 = vector.shape_cast %get3A_273 : vector<16xi32> to vector<16xi32>
      tpu.vector_store %arg8[%swap3A_274], %swap3A_277 {strides = array<i32>} : memref<80xi32, #tpu.memory_space<vmem>>, vector<16xi32>,
      %add3A_278 = arith.constant 48 : i32
      %add3A_279 = arith.addi %mul3A_214, %add3A_278 : i32
      %get3A_280 = arith.index_cast %add3A_279 : i32 to index
      %get3A_281 = tpu.vector_load %arg7[%get3A_280] {strides = array<i32>} : memref<10000xi32, #tpu.memory_space<vmem>>, vector<16xi32>,
      %get3A_282 = vector.shape_cast %get3A_281 : vector<16xi32> to vector<16xi32>
      %swap3A_283 = arith.constant 48 : index
      %swap3A_284 = tpu.vector_load %arg10[%swap3A_283] {strides = array<i32>} : memref<80xi32, #tpu.memory_space<vmem>>, vector<16xi32>,
      %swap3A_285 = vector.shape_cast %swap3A_284 : vector<16xi32> to vector<16xi32>
      %swap3A_286 = vector.shape_cast %get3A_282 : vector<16xi32> to vector<16xi32>
      tpu.vector_store %arg10[%swap3A_283], %swap3A_286 {strides = array<i32>} : memref<80xi32, #tpu.memory_space<vmem>>, vector<16xi32>,
      %add3A_287 = arith.constant 64 : i32
      %add3A_288 = arith.addi %mul3A_214, %add3A_287 : i32
      %get3A_289 = arith.index_cast %add3A_288 : i32 to index
      %get3A_290 = tpu.vector_load %arg6[%get3A_289] {strides = array<i32>} : memref<10000xi32, #tpu.memory_space<vmem>>, vector<16xi32>,
      %get3A_291 = vector.shape_cast %get3A_290 : vector<16xi32> to vector<16xi32>
      %swap3A_292 = arith.constant 64 : index
      %swap3A_293 = tpu.vector_load %arg8[%swap3A_292] {strides = array<i32>} : memref<80xi32, #tpu.memory_space<vmem>>, vector<16xi32>,
      %swap3A_294 = vector.shape_cast %swap3A_293 : vector<16xi32> to vector<16xi32>
      %swap3A_295 = vector.shape_cast %get3A_291 : vector<16xi32> to vector<16xi32>
      tpu.vector_store %arg8[%swap3A_292], %swap3A_295 {strides = array<i32>} : memref<80xi32, #tpu.memory_space<vmem>>, vector<16xi32>,
      %add3A_296 = arith.constant 64 : i32
      %add3A_297 = arith.addi %mul3A_214, %add3A_296 : i32
      %get3A_298 = arith.index_cast %add3A_297 : i32 to index
      %get3A_299 = tpu.vector_load %arg7[%get3A_298] {strides = array<i32>} : memref<10000xi32, #tpu.memory_space<vmem>>, vector<16xi32>,
      %get3A_300 = vector.shape_cast %get3A_299 : vector<16xi32> to vector<16xi32>
      %swap3A_301 = arith.constant 64 : index
      %swap3A_302 = tpu.vector_load %arg10[%swap3A_301] {strides = array<i32>} : memref<80xi32, #tpu.memory_space<vmem>>, vector<16xi32>,
      %swap3A_303 = vector.shape_cast %swap3A_302 : vector<16xi32> to vector<16xi32>
      %swap3A_304 = vector.shape_cast %get3A_300 : vector<16xi32> to vector<16xi32>
      tpu.vector_store %arg10[%swap3A_301], %swap3A_304 {strides = array<i32>} : memref<80xi32, #tpu.memory_space<vmem>>, vector<16xi32>,
      %dma_start3A_305 = arith.constant 0 : i32
      %dma_start3A_306 = arith.constant 0 : i32
      %dma_start3A_307 = tpu.memref_slice %arg2[%dma_start3A_305, %dma_start3A_306] : memref<10240x128xf32, #tpu.memory_space<hbm>> -> memref<10240x128xf32, #tpu.memory_space<hbm>>
      tpu.enqueue_indirect_dma source(%dma_start3A_307 : memref<10240x128xf32, #tpu.memory_space<hbm>>) target(%arg12 : memref<80x128xf32, #tpu.memory_space<vmem>>) offsets(%arg8 : memref<80xi32, #tpu.memory_space<vmem>>) semaphore(%arg19 : memref<!tpu.dma_semaphore, #tpu.memory_space<semaphore_mem>>)
      %dma_wait3A_308 = arith.constant 0 : i32
      %dma_wait3A_309 = arith.constant 0 : i32
      %dma_wait3A_310 = tpu.memref_slice %arg2[%dma_wait3A_308, %dma_wait3A_309] : memref<10240x128xf32, #tpu.memory_space<hbm>> -> memref<10240x128xf32, #tpu.memory_space<hbm>>
      tpu.wait_indirect_dma semaphore(%arg20 : memref<!tpu.dma_semaphore, #tpu.memory_space<semaphore_mem>>) src(%dma_wait3A_310 : memref<10240x128xf32, #tpu.memory_space<hbm>>) dst(%arg13 : memref<80x128xf32, #tpu.memory_space<vmem>>)
      "tpu.region"() ({
        %run_scoped3A = tpu.sem_alloc : memref<!tpu.dma_semaphore, #tpu.memory_space<semaphore_mem>>
        %dma_start3A_312 = arith.constant 0 : i32
        %dma_start3A_313 = arith.constant 0 : i32
        %dma_start3A_314 = tpu.memref_slice %arg18[%dma_start3A_312, %dma_start3A_313] : memref<10240x128xf32, #tpu.memory_space<vmem_shared>> -> memref<10240x128xf32, #tpu.memory_space<vmem_shared>>
        tpu.enqueue_indirect_dma source(%arg13 : memref<80x128xf32, #tpu.memory_space<vmem>>) target(%dma_start3A_314 : memref<10240x128xf32, #tpu.memory_space<vmem_shared>>) offsets(%arg11 : memref<80xi32, #tpu.memory_space<vmem>>) semaphore(%run_scoped3A : memref<!tpu.dma_semaphore, #tpu.memory_space<semaphore_mem>>) {add = true}
        %dma_wait3A_315 = arith.constant 0 : i32
        %dma_wait3A_316 = arith.constant 0 : i32
        %dma_wait3A_317 = tpu.memref_slice %arg18[%dma_wait3A_315, %dma_wait3A_316] : memref<10240x128xf32, #tpu.memory_space<vmem_shared>> -> memref<10240x128xf32, #tpu.memory_space<vmem_shared>>
        tpu.wait_indirect_dma semaphore(%run_scoped3A : memref<!tpu.dma_semaphore, #tpu.memory_space<semaphore_mem>>) src(%arg13 : memref<80x128xf32, #tpu.memory_space<vmem>>) dst(%dma_wait3A_317 : memref<10240x128xf32, #tpu.memory_space<vmem_shared>>)
        tpu.yield
      }) : () -> ()
      %scan3A_311 = arith.constant 0 : i32
      scf.yield %scan3A_311 : i32
    }
    %scan3A_101 = arith.constant 62 : i32
    %dma_wait3A = arith.constant 0 : i32
    %dma_wait3A_102 = arith.constant 0 : i32
    %dma_wait3A_103 = tpu.memref_slice %arg2[%dma_wait3A, %dma_wait3A_102] : memref<10240x128xf32, #tpu.memory_space<hbm>> -> memref<10240x128xf32, #tpu.memory_space<hbm>>
    tpu.wait_indirect_dma semaphore(%arg19 : memref<!tpu.dma_semaphore, #tpu.memory_space<semaphore_mem>>) src(%dma_wait3A_103 : memref<10240x128xf32, #tpu.memory_space<hbm>>) dst(%arg12 : memref<80x128xf32, #tpu.memory_space<vmem>>)
    "tpu.region"() ({
      %run_scoped3A = tpu.sem_alloc : memref<!tpu.dma_semaphore, #tpu.memory_space<semaphore_mem>>
      %dma_start3A_105 = arith.constant 0 : i32
      %dma_start3A_106 = arith.constant 0 : i32
      %dma_start3A_107 = tpu.memref_slice %arg18[%dma_start3A_105, %dma_start3A_106] : memref<10240x128xf32, #tpu.memory_space<vmem_shared>> -> memref<10240x128xf32, #tpu.memory_space<vmem_shared>>
      tpu.enqueue_indirect_dma source(%arg12 : memref<80x128xf32, #tpu.memory_space<vmem>>) target(%dma_start3A_107 : memref<10240x128xf32, #tpu.memory_space<vmem_shared>>) offsets(%arg10 : memref<80xi32, #tpu.memory_space<vmem>>) semaphore(%run_scoped3A : memref<!tpu.dma_semaphore, #tpu.memory_space<semaphore_mem>>) {add = true}
      %dma_wait3A_108 = arith.constant 0 : i32
      %dma_wait3A_109 = arith.constant 0 : i32
      %dma_wait3A_110 = tpu.memref_slice %arg18[%dma_wait3A_108, %dma_wait3A_109] : memref<10240x128xf32, #tpu.memory_space<vmem_shared>> -> memref<10240x128xf32, #tpu.memory_space<vmem_shared>>
      tpu.wait_indirect_dma semaphore(%run_scoped3A : memref<!tpu.dma_semaphore, #tpu.memory_space<semaphore_mem>>) src(%arg12 : memref<80x128xf32, #tpu.memory_space<vmem>>) dst(%dma_wait3A_110 : memref<10240x128xf32, #tpu.memory_space<vmem_shared>>)
      tpu.yield
    }) : () -> ()
    %barrier3A_104 = arith.constant 0 : index
    tpu.barrier barrier_id(%barrier3A_104)
    "tpu.region"() ({
      %run_scoped3A = tpu.sem_alloc : memref<!tpu.dma_semaphore, #tpu.memory_space<semaphore_mem>>
      %dma_start3A_105 = arith.constant 0 : i32
      %dma_start3A_106 = tpu.memref_slice %arg5[%arg0, %mul3A_10, %dma_start3A_105] : memref<2x10240x128xf32, #tpu.memory_space<hbm>> -> memref<1x640x128xf32, #tpu.memory_space<hbm>>
      %dma_start3A_107 = tpu.memref_squeeze %dma_start3A_106 : memref<1x640x128xf32, #tpu.memory_space<hbm>> -> memref<640x128xf32, #tpu.memory_space<hbm>>
      %dma_start3A_108 = arith.constant 0 : i32
      %dma_start3A_109 = tpu.memref_slice %arg18[%mul3A_10, %dma_start3A_108] : memref<10240x128xf32, #tpu.memory_space<vmem_shared>> -> memref<640x128xf32, #tpu.memory_space<vmem_shared>>
      tpu.enqueue_dma source(%dma_start3A_109 : memref<640x128xf32, #tpu.memory_space<vmem_shared>>) target(%dma_start3A_107 : memref<640x128xf32, #tpu.memory_space<hbm>>) target_semaphore(%run_scoped3A : memref<!tpu.dma_semaphore, #tpu.memory_space<semaphore_mem>>)
      %dma_wait3A_110 = arith.constant 0 : i32
      %dma_wait3A_111 = tpu.memref_slice %arg5[%arg0, %mul3A_10, %dma_wait3A_110] : memref<2x10240x128xf32, #tpu.memory_space<hbm>> -> memref<1x640x128xf32, #tpu.memory_space<hbm>>
      %dma_wait3A_112 = tpu.memref_squeeze %dma_wait3A_111 : memref<1x640x128xf32, #tpu.memory_space<hbm>> -> memref<640x128xf32, #tpu.memory_space<hbm>>
      %dma_wait3A_113 = arith.constant 0 : i32
      %dma_wait3A_114 = tpu.memref_slice %arg18[%mul3A_10, %dma_wait3A_113] : memref<10240x128xf32, #tpu.memory_space<vmem_shared>> -> memref<640x128xf32, #tpu.memory_space<vmem_shared>>
      tpu.wait_dma2 semaphore(%run_scoped3A : memref<!tpu.dma_semaphore, #tpu.memory_space<semaphore_mem>>) src(%dma_wait3A_114 : memref<640x128xf32, #tpu.memory_space<vmem_shared>>) dst(%dma_wait3A_112 : memref<640x128xf32, #tpu.memory_space<hbm>>)
      tpu.yield
    }) : () -> ()
    return
  }
}

#map = affine_map<(d0, d1) -> (0, 0)>
#map1 = affine_map<(d0, d1) -> (0)>
#map2 = affine_map<(d0, d1) -> (0, 0, 0)>
module attributes {stable_mosaic.version = 14 : i64} {
  func.func @seg(%arg0: i32, %arg1: i32, %arg2: memref<10240x128xf32, #tpu.memory_space<hbm>>, %arg3: memref<320000xi32, #tpu.memory_space<hbm>>, %arg4: memref<320000xi32, #tpu.memory_space<hbm>>, %arg5: memref<2x10240x128xf32, #tpu.memory_space<hbm>>, %arg6: memref<10000xi32, #tpu.memory_space<vmem>>, %arg7: memref<10000xi32, #tpu.memory_space<vmem>>, %arg8: memref<80xi32, #tpu.memory_space<vmem>>, %arg9: memref<80xi32, #tpu.memory_space<vmem>>, %arg10: memref<80xi32, #tpu.memory_space<vmem>>, %arg11: memref<80xi32, #tpu.memory_space<vmem>>, %arg12: memref<80x128xf32, #tpu.memory_space<vmem>>, %arg13: memref<80x128xf32, #tpu.memory_space<vmem>>, %arg14: memref<16xi32, #tpu.memory_space<vmem>>, %arg15: memref<16xi32, #tpu.memory_space<vmem>>, %arg16: memref<16x128xf32, #tpu.memory_space<vmem>>, %arg17: memref<32x128xf32, #tpu.memory_space<vmem>>, %arg18: memref<10240x128xf32, #tpu.memory_space<vmem_shared>>, %arg19: memref<!tpu.dma_semaphore, #tpu.memory_space<semaphore_mem>>, %arg20: memref<!tpu.dma_semaphore, #tpu.memory_space<semaphore_mem>>) attributes {dimension_semantics = [#tpu.dimension_semantics<core_parallel>, #tpu.dimension_semantics<subcore_parallel>], iteration_bounds = array<i64: 2, 16>, scalar_prefetch = 0 : i64, scratch_operands = 15 : i64, tpu.core_type = #tpu.core_type<sc_vector_subcore>, window_params = [{transform_indices = #map}, {transform_indices = #map1}, {transform_indices = #map1}, {transform_indices = #map2}]} {
    %mul3A = arith.constant 16 : i32
    %mul3A_0 = arith.muli %arg0, %mul3A : i32
    %add3A = arith.addi %mul3A_0, %arg1 : i32
    %mul3A_1 = arith.constant 10000 : i32
    %mul3A_2 = arith.muli %add3A, %mul3A_1 : i32
    %scan3A = arith.constant 0 : i32
    %scan3A_3 = arith.constant 0 : i32
    %scan3A_4 = arith.constant 32 : i32
    %scan3A_5 = arith.addi %scan3A_3, %scan3A_4 : i32
    %scan3A_6 = arith.constant 1 : i32
    %scan3A_7 = scf.for %scan3A_105 = %scan3A_3 to %scan3A_5 step %scan3A_6 iter_args(%scan3A_106 = %scan3A) -> (i32)  : i32 {
      %broadcast_in_dim3A = arith.constant 0.000000e+00 : f32
      %broadcast_in_dim3A_107 = vector.broadcast %broadcast_in_dim3A : f32 to vector<16xf32>
      %swap3A_108 = arith.index_cast %scan3A_105 : i32 to index
      %swap3A_109 = arith.constant 0 : index
      %swap3A_110 = tpu.vector_load %arg17[%swap3A_108, %swap3A_109] {strides = array<i32>} : memref<32x128xf32, #tpu.memory_space<vmem>>, vector<1x16xf32>,
      %swap3A_111 = vector.shape_cast %swap3A_110 : vector<1x16xf32> to vector<16xf32>
      %swap3A_112 = vector.shape_cast %broadcast_in_dim3A_107 : vector<16xf32> to vector<1x16xf32>
      tpu.vector_store %arg17[%swap3A_108, %swap3A_109], %swap3A_112 {strides = array<i32>} : memref<32x128xf32, #tpu.memory_space<vmem>>, vector<1x16xf32>,
      %broadcast_in_dim3A_113 = arith.constant 0.000000e+00 : f32
      %broadcast_in_dim3A_114 = vector.broadcast %broadcast_in_dim3A_113 : f32 to vector<16xf32>
      %swap3A_115 = arith.index_cast %scan3A_105 : i32 to index
      %swap3A_116 = arith.constant 16 : index
      %swap3A_117 = tpu.vector_load %arg17[%swap3A_115, %swap3A_116] {strides = array<i32>} : memref<32x128xf32, #tpu.memory_space<vmem>>, vector<1x16xf32>,
      %swap3A_118 = vector.shape_cast %swap3A_117 : vector<1x16xf32> to vector<16xf32>
      %swap3A_119 = vector.shape_cast %broadcast_in_dim3A_114 : vector<16xf32> to vector<1x16xf32>
      tpu.vector_store %arg17[%swap3A_115, %swap3A_116], %swap3A_119 {strides = array<i32>} : memref<32x128xf32, #tpu.memory_space<vmem>>, vector<1x16xf32>,
      %broadcast_in_dim3A_120 = arith.constant 0.000000e+00 : f32
      %broadcast_in_dim3A_121 = vector.broadcast %broadcast_in_dim3A_120 : f32 to vector<16xf32>
      %swap3A_122 = arith.index_cast %scan3A_105 : i32 to index
      %swap3A_123 = arith.constant 32 : index
      %swap3A_124 = tpu.vector_load %arg17[%swap3A_122, %swap3A_123] {strides = array<i32>} : memref<32x128xf32, #tpu.memory_space<vmem>>, vector<1x16xf32>,
      %swap3A_125 = vector.shape_cast %swap3A_124 : vector<1x16xf32> to vector<16xf32>
      %swap3A_126 = vector.shape_cast %broadcast_in_dim3A_121 : vector<16xf32> to vector<1x16xf32>
      tpu.vector_store %arg17[%swap3A_122, %swap3A_123], %swap3A_126 {strides = array<i32>} : memref<32x128xf32, #tpu.memory_space<vmem>>, vector<1x16xf32>,
      %broadcast_in_dim3A_127 = arith.constant 0.000000e+00 : f32
      %broadcast_in_dim3A_128 = vector.broadcast %broadcast_in_dim3A_127 : f32 to vector<16xf32>
      %swap3A_129 = arith.index_cast %scan3A_105 : i32 to index
      %swap3A_130 = arith.constant 48 : index
      %swap3A_131 = tpu.vector_load %arg17[%swap3A_129, %swap3A_130] {strides = array<i32>} : memref<32x128xf32, #tpu.memory_space<vmem>>, vector<1x16xf32>,
      %swap3A_132 = vector.shape_cast %swap3A_131 : vector<1x16xf32> to vector<16xf32>
      %swap3A_133 = vector.shape_cast %broadcast_in_dim3A_128 : vector<16xf32> to vector<1x16xf32>
      tpu.vector_store %arg17[%swap3A_129, %swap3A_130], %swap3A_133 {strides = array<i32>} : memref<32x128xf32, #tpu.memory_space<vmem>>, vector<1x16xf32>,
      %broadcast_in_dim3A_134 = arith.constant 0.000000e+00 : f32
      %broadcast_in_dim3A_135 = vector.broadcast %broadcast_in_dim3A_134 : f32 to vector<16xf32>
      %swap3A_136 = arith.index_cast %scan3A_105 : i32 to index
      %swap3A_137 = arith.constant 64 : index
      %swap3A_138 = tpu.vector_load %arg17[%swap3A_136, %swap3A_137] {strides = array<i32>} : memref<32x128xf32, #tpu.memory_space<vmem>>, vector<1x16xf32>,
      %swap3A_139 = vector.shape_cast %swap3A_138 : vector<1x16xf32> to vector<16xf32>
      %swap3A_140 = vector.shape_cast %broadcast_in_dim3A_135 : vector<16xf32> to vector<1x16xf32>
      tpu.vector_store %arg17[%swap3A_136, %swap3A_137], %swap3A_140 {strides = array<i32>} : memref<32x128xf32, #tpu.memory_space<vmem>>, vector<1x16xf32>,
      %broadcast_in_dim3A_141 = arith.constant 0.000000e+00 : f32
      %broadcast_in_dim3A_142 = vector.broadcast %broadcast_in_dim3A_141 : f32 to vector<16xf32>
      %swap3A_143 = arith.index_cast %scan3A_105 : i32 to index
      %swap3A_144 = arith.constant 80 : index
      %swap3A_145 = tpu.vector_load %arg17[%swap3A_143, %swap3A_144] {strides = array<i32>} : memref<32x128xf32, #tpu.memory_space<vmem>>, vector<1x16xf32>,
      %swap3A_146 = vector.shape_cast %swap3A_145 : vector<1x16xf32> to vector<16xf32>
      %swap3A_147 = vector.shape_cast %broadcast_in_dim3A_142 : vector<16xf32> to vector<1x16xf32>
      tpu.vector_store %arg17[%swap3A_143, %swap3A_144], %swap3A_147 {strides = array<i32>} : memref<32x128xf32, #tpu.memory_space<vmem>>, vector<1x16xf32>,
      %broadcast_in_dim3A_148 = arith.constant 0.000000e+00 : f32
      %broadcast_in_dim3A_149 = vector.broadcast %broadcast_in_dim3A_148 : f32 to vector<16xf32>
      %swap3A_150 = arith.index_cast %scan3A_105 : i32 to index
      %swap3A_151 = arith.constant 96 : index
      %swap3A_152 = tpu.vector_load %arg17[%swap3A_150, %swap3A_151] {strides = array<i32>} : memref<32x128xf32, #tpu.memory_space<vmem>>, vector<1x16xf32>,
      %swap3A_153 = vector.shape_cast %swap3A_152 : vector<1x16xf32> to vector<16xf32>
      %swap3A_154 = vector.shape_cast %broadcast_in_dim3A_149 : vector<16xf32> to vector<1x16xf32>
      tpu.vector_store %arg17[%swap3A_150, %swap3A_151], %swap3A_154 {strides = array<i32>} : memref<32x128xf32, #tpu.memory_space<vmem>>, vector<1x16xf32>,
      %broadcast_in_dim3A_155 = arith.constant 0.000000e+00 : f32
      %broadcast_in_dim3A_156 = vector.broadcast %broadcast_in_dim3A_155 : f32 to vector<16xf32>
      %swap3A_157 = arith.index_cast %scan3A_105 : i32 to index
      %swap3A_158 = arith.constant 112 : index
      %swap3A_159 = tpu.vector_load %arg17[%swap3A_157, %swap3A_158] {strides = array<i32>} : memref<32x128xf32, #tpu.memory_space<vmem>>, vector<1x16xf32>,
      %swap3A_160 = vector.shape_cast %swap3A_159 : vector<1x16xf32> to vector<16xf32>
      %swap3A_161 = vector.shape_cast %broadcast_in_dim3A_156 : vector<16xf32> to vector<1x16xf32>
      tpu.vector_store %arg17[%swap3A_157, %swap3A_158], %swap3A_161 {strides = array<i32>} : memref<32x128xf32, #tpu.memory_space<vmem>>, vector<1x16xf32>,
      %scan3A_162 = arith.constant 0 : i32
      scf.yield %scan3A_162 : i32
    }
    %scan3A_8 = arith.constant 32 : i32
    %mul3A_9 = arith.constant 640 : i32
    %mul3A_10 = arith.muli %arg1, %mul3A_9 : i32
    %scan3A_11 = arith.constant 0 : i32
    %scan3A_12 = arith.constant 0 : i32
    %scan3A_13 = arith.constant 20 : i32
    %scan3A_14 = arith.addi %scan3A_12, %scan3A_13 : i32
    %scan3A_15 = arith.constant 1 : i32
    %scan3A_16 = scf.for %scan3A_105 = %scan3A_12 to %scan3A_14 step %scan3A_15 iter_args(%scan3A_106 = %scan3A_11) -> (i32)  : i32 {
      %mul3A_107 = arith.constant 32 : i32
      %mul3A_108 = arith.muli %scan3A_105, %mul3A_107 : i32
      %add3A_109 = arith.addi %mul3A_10, %mul3A_108 : i32
      %dma_start3A_110 = arith.constant 0 : i32
      %dma_start3A_111 = tpu.memref_slice %arg18[%add3A_109, %dma_start3A_110] : memref<10240x128xf32, #tpu.memory_space<vmem_shared>> -> memref<32x128xf32, #tpu.memory_space<vmem_shared>>
      %dma_start3A_112 = arith.constant 0 : i32
      %dma_start3A_113 = tpu.memref_slice %arg18[%add3A_109, %dma_start3A_112] : memref<10240x128xf32, #tpu.memory_space<vmem_shared>> -> memref<32x128xf32, #tpu.memory_space<vmem_shared>>
      tpu.enqueue_dma source(%arg17 : memref<32x128xf32, #tpu.memory_space<vmem>>) target(%dma_start3A_113 : memref<32x128xf32, #tpu.memory_space<vmem_shared>>) target_semaphore(%arg19 : memref<!tpu.dma_semaphore, #tpu.memory_space<semaphore_mem>>)
      %scan3A_114 = arith.constant 0 : i32
      scf.yield %scan3A_114 : i32
    }
    %scan3A_17 = arith.constant 20 : i32
    "tpu.region"() ({
      %run_scoped3A = tpu.sem_alloc : memref<!tpu.dma_semaphore, #tpu.memory_space<semaphore_mem>>
      %dma_start3A_105 = tpu.memref_slice %arg3[%mul3A_2] : memref<320000xi32, #tpu.memory_space<hbm>> -> memref<10000xi32, #tpu.memory_space<hbm>>
      %dma_start3A_106 = tpu.memref_slice %arg3[%mul3A_2] : memref<320000xi32, #tpu.memory_space<hbm>> -> memref<10000xi32, #tpu.memory_space<hbm>>
      tpu.enqueue_dma source(%dma_start3A_106 : memref<10000xi32, #tpu.memory_space<hbm>>) target(%arg6 : memref<10000xi32, #tpu.memory_space<vmem>>) target_semaphore(%run_scoped3A : memref<!tpu.dma_semaphore, #tpu.memory_space<semaphore_mem>>)
      %dma_wait3A_107 = tpu.memref_slice %arg3[%mul3A_2] : memref<320000xi32, #tpu.memory_space<hbm>> -> memref<10000xi32, #tpu.memory_space<hbm>>
      %dma_wait3A_108 = tpu.memref_slice %arg3[%mul3A_2] : memref<320000xi32, #tpu.memory_space<hbm>> -> memref<10000xi32, #tpu.memory_space<hbm>>
      tpu.wait_dma2 semaphore(%run_scoped3A : memref<!tpu.dma_semaphore, #tpu.memory_space<semaphore_mem>>) src(%dma_wait3A_108 : memref<10000xi32, #tpu.memory_space<hbm>>) dst(%arg6 : memref<10000xi32, #tpu.memory_space<vmem>>)
      tpu.yield
    }) : () -> ()
    "tpu.region"() ({
      %run_scoped3A = tpu.sem_alloc : memref<!tpu.dma_semaphore, #tpu.memory_space<semaphore_mem>>
      %dma_start3A_105 = tpu.memref_slice %arg4[%mul3A_2] : memref<320000xi32, #tpu.memory_space<hbm>> -> memref<10000xi32, #tpu.memory_space<hbm>>
      %dma_start3A_106 = tpu.memref_slice %arg4[%mul3A_2] : memref<320000xi32, #tpu.memory_space<hbm>> -> memref<10000xi32, #tpu.memory_space<hbm>>
      tpu.enqueue_dma source(%dma_start3A_106 : memref<10000xi32, #tpu.memory_space<hbm>>) target(%arg7 : memref<10000xi32, #tpu.memory_space<vmem>>) target_semaphore(%run_scoped3A : memref<!tpu.dma_semaphore, #tpu.memory_space<semaphore_mem>>)
      %dma_wait3A_107 = tpu.memref_slice %arg4[%mul3A_2] : memref<320000xi32, #tpu.memory_space<hbm>> -> memref<10000xi32, #tpu.memory_space<hbm>>
      %dma_wait3A_108 = tpu.memref_slice %arg4[%mul3A_2] : memref<320000xi32, #tpu.memory_space<hbm>> -> memref<10000xi32, #tpu.memory_space<hbm>>
      tpu.wait_dma2 semaphore(%run_scoped3A : memref<!tpu.dma_semaphore, #tpu.memory_space<semaphore_mem>>) src(%dma_wait3A_108 : memref<10000xi32, #tpu.memory_space<hbm>>) dst(%arg7 : memref<10000xi32, #tpu.memory_space<vmem>>)
      tpu.yield
    }) : () -> ()
    %scan3A_18 = arith.constant 0 : i32
    %scan3A_19 = arith.constant 0 : i32
    %scan3A_20 = arith.constant 20 : i32
    %scan3A_21 = arith.addi %scan3A_19, %scan3A_20 : i32
    %scan3A_22 = arith.constant 1 : i32
    %scan3A_23 = scf.for %scan3A_105 = %scan3A_19 to %scan3A_21 step %scan3A_22 iter_args(%scan3A_106 = %scan3A_18) -> (i32)  : i32 {
      %dma_wait3A_107 = arith.constant 0 : i32
      %dma_wait3A_108 = tpu.memref_slice %arg18[%mul3A_10, %dma_wait3A_107] : memref<10240x128xf32, #tpu.memory_space<vmem_shared>> -> memref<32x128xf32, #tpu.memory_space<vmem_shared>>
      %dma_wait3A_109 = arith.constant 0 : i32
      %dma_wait3A_110 = tpu.memref_slice %arg18[%mul3A_10, %dma_wait3A_109] : memref<10240x128xf32, #tpu.memory_space<vmem_shared>> -> memref<32x128xf32, #tpu.memory_space<vmem_shared>>
      tpu.wait_dma2 semaphore(%arg19 : memref<!tpu.dma_semaphore, #tpu.memory_space<semaphore_mem>>) src(%arg17 : memref<32x128xf32, #tpu.memory_space<vmem>>) dst(%dma_wait3A_110 : memref<32x128xf32, #tpu.memory_space<vmem_shared>>)
      %scan3A_111 = arith.constant 0 : i32
      scf.yield %scan3A_111 : i32
    }
    %scan3A_24 = arith.constant 20 : i32
    %barrier3A = arith.constant 0 : index
    tpu.barrier barrier_id(%barrier3A)
    %get3A = arith.constant 0 : index
    %get3A_25 = tpu.vector_load %arg6[%get3A] {strides = array<i32>} : memref<10000xi32, #tpu.memory_space<vmem>>, vector<16xi32>,
    %get3A_26 = vector.shape_cast %get3A_25 : vector<16xi32> to vector<16xi32>
    %swap3A = arith.constant 0 : index
    %swap3A_27 = tpu.vector_load %arg8[%swap3A] {strides = array<i32>} : memref<80xi32, #tpu.memory_space<vmem>>, vector<16xi32>,
    %swap3A_28 = vector.shape_cast %swap3A_27 : vector<16xi32> to vector<16xi32>
    %swap3A_29 = vector.shape_cast %get3A_26 : vector<16xi32> to vector<16xi32>
    tpu.vector_store %arg8[%swap3A], %swap3A_29 {strides = array<i32>} : memref<80xi32, #tpu.memory_space<vmem>>, vector<16xi32>,
    %get3A_30 = arith.constant 0 : index
    %get3A_31 = tpu.vector_load %arg7[%get3A_30] {strides = array<i32>} : memref<10000xi32, #tpu.memory_space<vmem>>, vector<16xi32>,
    %get3A_32 = vector.shape_cast %get3A_31 : vector<16xi32> to vector<16xi32>
    %swap3A_33 = arith.constant 0 : index
    %swap3A_34 = tpu.vector_load %arg10[%swap3A_33] {strides = array<i32>} : memref<80xi32, #tpu.memory_space<vmem>>, vector<16xi32>,
    %swap3A_35 = vector.shape_cast %swap3A_34 : vector<16xi32> to vector<16xi32>
    %swap3A_36 = vector.shape_cast %get3A_32 : vector<16xi32> to vector<16xi32>
    tpu.vector_store %arg10[%swap3A_33], %swap3A_36 {strides = array<i32>} : memref<80xi32, #tpu.memory_space<vmem>>, vector<16xi32>,
    %get3A_37 = arith.constant 16 : index
    %get3A_38 = tpu.vector_load %arg6[%get3A_37] {strides = array<i32>} : memref<10000xi32, #tpu.memory_space<vmem>>, vector<16xi32>,
    %get3A_39 = vector.shape_cast %get3A_38 : vector<16xi32> to vector<16xi32>
    %swap3A_40 = arith.constant 16 : index
    %swap3A_41 = tpu.vector_load %arg8[%swap3A_40] {strides = array<i32>} : memref<80xi32, #tpu.memory_space<vmem>>, vector<16xi32>,
    %swap3A_42 = vector.shape_cast %swap3A_41 : vector<16xi32> to vector<16xi32>
    %swap3A_43 = vector.shape_cast %get3A_39 : vector<16xi32> to vector<16xi32>
    tpu.vector_store %arg8[%swap3A_40], %swap3A_43 {strides = array<i32>} : memref<80xi32, #tpu.memory_space<vmem>>, vector<16xi32>,
    %get3A_44 = arith.constant 16 : index
    %get3A_45 = tpu.vector_load %arg7[%get3A_44] {strides = array<i32>} : memref<10000xi32, #tpu.memory_space<vmem>>, vector<16xi32>,
    %get3A_46 = vector.shape_cast %get3A_45 : vector<16xi32> to vector<16xi32>
    %swap3A_47 = arith.constant 16 : index
    %swap3A_48 = tpu.vector_load %arg10[%swap3A_47] {strides = array<i32>} : memref<80xi32, #tpu.memory_space<vmem>>, vector<16xi32>,
    %swap3A_49 = vector.shape_cast %swap3A_48 : vector<16xi32> to vector<16xi32>
    %swap3A_50 = vector.shape_cast %get3A_46 : vector<16xi32> to vector<16xi32>
    tpu.vector_store %arg10[%swap3A_47], %swap3A_50 {strides = array<i32>} : memref<80xi32, #tpu.memory_space<vmem>>, vector<16xi32>,
    %get3A_51 = arith.constant 32 : index
    %get3A_52 = tpu.vector_load %arg6[%get3A_51] {strides = array<i32>} : memref<10000xi32, #tpu.memory_space<vmem>>, vector<16xi32>,
    %get3A_53 = vector.shape_cast %get3A_52 : vector<16xi32> to vector<16xi32>
    %swap3A_54 = arith.constant 32 : index
    %swap3A_55 = tpu.vector_load %arg8[%swap3A_54] {strides = array<i32>} : memref<80xi32, #tpu.memory_space<vmem>>, vector<16xi32>,
    %swap3A_56 = vector.shape_cast %swap3A_55 : vector<16xi32> to vector<16xi32>
    %swap3A_57 = vector.shape_cast %get3A_53 : vector<16xi32> to vector<16xi32>
    tpu.vector_store %arg8[%swap3A_54], %swap3A_57 {strides = array<i32>} : memref<80xi32, #tpu.memory_space<vmem>>, vector<16xi32>,
    %get3A_58 = arith.constant 32 : index
    %get3A_59 = tpu.vector_load %arg7[%get3A_58] {strides = array<i32>} : memref<10000xi32, #tpu.memory_space<vmem>>, vector<16xi32>,
    %get3A_60 = vector.shape_cast %get3A_59 : vector<16xi32> to vector<16xi32>
    %swap3A_61 = arith.constant 32 : index
    %swap3A_62 = tpu.vector_load %arg10[%swap3A_61] {strides = array<i32>} : memref<80xi32, #tpu.memory_space<vmem>>, vector<16xi32>,
    %swap3A_63 = vector.shape_cast %swap3A_62 : vector<16xi32> to vector<16xi32>
    %swap3A_64 = vector.shape_cast %get3A_60 : vector<16xi32> to vector<16xi32>
    tpu.vector_store %arg10[%swap3A_61], %swap3A_64 {strides = array<i32>} : memref<80xi32, #tpu.memory_space<vmem>>, vector<16xi32>,
    %get3A_65 = arith.constant 48 : index
    %get3A_66 = tpu.vector_load %arg6[%get3A_65] {strides = array<i32>} : memref<10000xi32, #tpu.memory_space<vmem>>, vector<16xi32>,
    %get3A_67 = vector.shape_cast %get3A_66 : vector<16xi32> to vector<16xi32>
    %swap3A_68 = arith.constant 48 : index
    %swap3A_69 = tpu.vector_load %arg8[%swap3A_68] {strides = array<i32>} : memref<80xi32, #tpu.memory_space<vmem>>, vector<16xi32>,
    %swap3A_70 = vector.shape_cast %swap3A_69 : vector<16xi32> to vector<16xi32>
    %swap3A_71 = vector.shape_cast %get3A_67 : vector<16xi32> to vector<16xi32>
    tpu.vector_store %arg8[%swap3A_68], %swap3A_71 {strides = array<i32>} : memref<80xi32, #tpu.memory_space<vmem>>, vector<16xi32>,
    %get3A_72 = arith.constant 48 : index
    %get3A_73 = tpu.vector_load %arg7[%get3A_72] {strides = array<i32>} : memref<10000xi32, #tpu.memory_space<vmem>>, vector<16xi32>,
    %get3A_74 = vector.shape_cast %get3A_73 : vector<16xi32> to vector<16xi32>
    %swap3A_75 = arith.constant 48 : index
    %swap3A_76 = tpu.vector_load %arg10[%swap3A_75] {strides = array<i32>} : memref<80xi32, #tpu.memory_space<vmem>>, vector<16xi32>,
    %swap3A_77 = vector.shape_cast %swap3A_76 : vector<16xi32> to vector<16xi32>
    %swap3A_78 = vector.shape_cast %get3A_74 : vector<16xi32> to vector<16xi32>
    tpu.vector_store %arg10[%swap3A_75], %swap3A_78 {strides = array<i32>} : memref<80xi32, #tpu.memory_space<vmem>>, vector<16xi32>,
    %get3A_79 = arith.constant 64 : index
    %get3A_80 = tpu.vector_load %arg6[%get3A_79] {strides = array<i32>} : memref<10000xi32, #tpu.memory_space<vmem>>, vector<16xi32>,
    %get3A_81 = vector.shape_cast %get3A_80 : vector<16xi32> to vector<16xi32>
    %swap3A_82 = arith.constant 64 : index
    %swap3A_83 = tpu.vector_load %arg8[%swap3A_82] {strides = array<i32>} : memref<80xi32, #tpu.memory_space<vmem>>, vector<16xi32>,
    %swap3A_84 = vector.shape_cast %swap3A_83 : vector<16xi32> to vector<16xi32>
    %swap3A_85 = vector.shape_cast %get3A_81 : vector<16xi32> to vector<16xi32>
    tpu.vector_store %arg8[%swap3A_82], %swap3A_85 {strides = array<i32>} : memref<80xi32, #tpu.memory_space<vmem>>, vector<16xi32>,
    %get3A_86 = arith.constant 64 : index
    %get3A_87 = tpu.vector_load %arg7[%get3A_86] {strides = array<i32>} : memref<10000xi32, #tpu.memory_space<vmem>>, vector<16xi32>,
    %get3A_88 = vector.shape_cast %get3A_87 : vector<16xi32> to vector<16xi32>
    %swap3A_89 = arith.constant 64 : index
    %swap3A_90 = tpu.vector_load %arg10[%swap3A_89] {strides = array<i32>} : memref<80xi32, #tpu.memory_space<vmem>>, vector<16xi32>,
    %swap3A_91 = vector.shape_cast %swap3A_90 : vector<16xi32> to vector<16xi32>
    %swap3A_92 = vector.shape_cast %get3A_88 : vector<16xi32> to vector<16xi32>
    tpu.vector_store %arg10[%swap3A_89], %swap3A_92 {strides = array<i32>} : memref<80xi32, #tpu.memory_space<vmem>>, vector<16xi32>,
    %dma_start3A = arith.constant 0 : i32
    %dma_start3A_93 = arith.constant 0 : i32
    %dma_start3A_94 = tpu.memref_slice %arg2[%dma_start3A, %dma_start3A_93] : memref<10240x128xf32, #tpu.memory_space<hbm>> -> memref<10240x128xf32, #tpu.memory_space<hbm>>
    tpu.enqueue_indirect_dma source(%dma_start3A_94 : memref<10240x128xf32, #tpu.memory_space<hbm>>) target(%arg12 : memref<80x128xf32, #tpu.memory_space<vmem>>) offsets(%arg8 : memref<80xi32, #tpu.memory_space<vmem>>) semaphore(%arg19 : memref<!tpu.dma_semaphore, #tpu.memory_space<semaphore_mem>>)
    %scan3A_95 = arith.constant 0 : i32
    %scan3A_96 = arith.constant 0 : i32
    %scan3A_97 = arith.constant 62 : i32
    %scan3A_98 = arith.addi %scan3A_96, %scan3A_97 : i32
    %scan3A_99 = arith.constant 1 : i32
    %scan3A_100 = scf.for %scan3A_105 = %scan3A_96 to %scan3A_98 step %scan3A_99 iter_args(%scan3A_106 = %scan3A_95) -> (i32)  : i32 {
      %mul3A_107 = arith.constant 2 : i32
      %mul3A_108 = arith.muli %mul3A_107, %scan3A_105 : i32
      %add3A_109 = arith.constant 1 : i32
      %add3A_110 = arith.addi %mul3A_108, %add3A_109 : i32
      %mul3A_111 = arith.constant 80 : i32
      %mul3A_112 = arith.muli %add3A_110, %mul3A_111 : i32
      %add3A_113 = arith.constant 0 : i32
      %add3A_114 = arith.addi %mul3A_112, %add3A_113 : i32
      %get3A_115 = arith.index_cast %add3A_114 : i32 to index
      %get3A_116 = tpu.vector_load %arg6[%get3A_115] {strides = array<i32>} : memref<10000xi32, #tpu.memory_space<vmem>>, vector<16xi32>,
      %get3A_117 = vector.shape_cast %get3A_116 : vector<16xi32> to vector<16xi32>
      %swap3A_118 = arith.constant 0 : index
      %swap3A_119 = tpu.vector_load %arg9[%swap3A_118] {strides = array<i32>} : memref<80xi32, #tpu.memory_space<vmem>>, vector<16xi32>,
      %swap3A_120 = vector.shape_cast %swap3A_119 : vector<16xi32> to vector<16xi32>
      %swap3A_121 = vector.shape_cast %get3A_117 : vector<16xi32> to vector<16xi32>
      tpu.vector_store %arg9[%swap3A_118], %swap3A_121 {strides = array<i32>} : memref<80xi32, #tpu.memory_space<vmem>>, vector<16xi32>,
      %add3A_122 = arith.constant 0 : i32
      %add3A_123 = arith.addi %mul3A_112, %add3A_122 : i32
      %get3A_124 = arith.index_cast %add3A_123 : i32 to index
      %get3A_125 = tpu.vector_load %arg7[%get3A_124] {strides = array<i32>} : memref<10000xi32, #tpu.memory_space<vmem>>, vector<16xi32>,
      %get3A_126 = vector.shape_cast %get3A_125 : vector<16xi32> to vector<16xi32>
      %swap3A_127 = arith.constant 0 : index
      %swap3A_128 = tpu.vector_load %arg11[%swap3A_127] {strides = array<i32>} : memref<80xi32, #tpu.memory_space<vmem>>, vector<16xi32>,
      %swap3A_129 = vector.shape_cast %swap3A_128 : vector<16xi32> to vector<16xi32>
      %swap3A_130 = vector.shape_cast %get3A_126 : vector<16xi32> to vector<16xi32>
      tpu.vector_store %arg11[%swap3A_127], %swap3A_130 {strides = array<i32>} : memref<80xi32, #tpu.memory_space<vmem>>, vector<16xi32>,
      %add3A_131 = arith.constant 16 : i32
      %add3A_132 = arith.addi %mul3A_112, %add3A_131 : i32
      %get3A_133 = arith.index_cast %add3A_132 : i32 to index
      %get3A_134 = tpu.vector_load %arg6[%get3A_133] {strides = array<i32>} : memref<10000xi32, #tpu.memory_space<vmem>>, vector<16xi32>,
      %get3A_135 = vector.shape_cast %get3A_134 : vector<16xi32> to vector<16xi32>
      %swap3A_136 = arith.constant 16 : index
      %swap3A_137 = tpu.vector_load %arg9[%swap3A_136] {strides = array<i32>} : memref<80xi32, #tpu.memory_space<vmem>>, vector<16xi32>,
      %swap3A_138 = vector.shape_cast %swap3A_137 : vector<16xi32> to vector<16xi32>
      %swap3A_139 = vector.shape_cast %get3A_135 : vector<16xi32> to vector<16xi32>
      tpu.vector_store %arg9[%swap3A_136], %swap3A_139 {strides = array<i32>} : memref<80xi32, #tpu.memory_space<vmem>>, vector<16xi32>,
      %add3A_140 = arith.constant 16 : i32
      %add3A_141 = arith.addi %mul3A_112, %add3A_140 : i32
      %get3A_142 = arith.index_cast %add3A_141 : i32 to index
      %get3A_143 = tpu.vector_load %arg7[%get3A_142] {strides = array<i32>} : memref<10000xi32, #tpu.memory_space<vmem>>, vector<16xi32>,
      %get3A_144 = vector.shape_cast %get3A_143 : vector<16xi32> to vector<16xi32>
      %swap3A_145 = arith.constant 16 : index
      %swap3A_146 = tpu.vector_load %arg11[%swap3A_145] {strides = array<i32>} : memref<80xi32, #tpu.memory_space<vmem>>, vector<16xi32>,
      %swap3A_147 = vector.shape_cast %swap3A_146 : vector<16xi32> to vector<16xi32>
      %swap3A_148 = vector.shape_cast %get3A_144 : vector<16xi32> to vector<16xi32>
      tpu.vector_store %arg11[%swap3A_145], %swap3A_148 {strides = array<i32>} : memref<80xi32, #tpu.memory_space<vmem>>, vector<16xi32>,
      %add3A_149 = arith.constant 32 : i32
      %add3A_150 = arith.addi %mul3A_112, %add3A_149 : i32
      %get3A_151 = arith.index_cast %add3A_150 : i32 to index
      %get3A_152 = tpu.vector_load %arg6[%get3A_151] {strides = array<i32>} : memref<10000xi32, #tpu.memory_space<vmem>>, vector<16xi32>,
      %get3A_153 = vector.shape_cast %get3A_152 : vector<16xi32> to vector<16xi32>
      %swap3A_154 = arith.constant 32 : index
      %swap3A_155 = tpu.vector_load %arg9[%swap3A_154] {strides = array<i32>} : memref<80xi32, #tpu.memory_space<vmem>>, vector<16xi32>,
      %swap3A_156 = vector.shape_cast %swap3A_155 : vector<16xi32> to vector<16xi32>
      %swap3A_157 = vector.shape_cast %get3A_153 : vector<16xi32> to vector<16xi32>
      tpu.vector_store %arg9[%swap3A_154], %swap3A_157 {strides = array<i32>} : memref<80xi32, #tpu.memory_space<vmem>>, vector<16xi32>,
      %add3A_158 = arith.constant 32 : i32
      %add3A_159 = arith.addi %mul3A_112, %add3A_158 : i32
      %get3A_160 = arith.index_cast %add3A_159 : i32 to index
      %get3A_161 = tpu.vector_load %arg7[%get3A_160] {strides = array<i32>} : memref<10000xi32, #tpu.memory_space<vmem>>, vector<16xi32>,
      %get3A_162 = vector.shape_cast %get3A_161 : vector<16xi32> to vector<16xi32>
      %swap3A_163 = arith.constant 32 : index
      %swap3A_164 = tpu.vector_load %arg11[%swap3A_163] {strides = array<i32>} : memref<80xi32, #tpu.memory_space<vmem>>, vector<16xi32>,
      %swap3A_165 = vector.shape_cast %swap3A_164 : vector<16xi32> to vector<16xi32>
      %swap3A_166 = vector.shape_cast %get3A_162 : vector<16xi32> to vector<16xi32>
      tpu.vector_store %arg11[%swap3A_163], %swap3A_166 {strides = array<i32>} : memref<80xi32, #tpu.memory_space<vmem>>, vector<16xi32>,
      %add3A_167 = arith.constant 48 : i32
      %add3A_168 = arith.addi %mul3A_112, %add3A_167 : i32
      %get3A_169 = arith.index_cast %add3A_168 : i32 to index
      %get3A_170 = tpu.vector_load %arg6[%get3A_169] {strides = array<i32>} : memref<10000xi32, #tpu.memory_space<vmem>>, vector<16xi32>,
      %get3A_171 = vector.shape_cast %get3A_170 : vector<16xi32> to vector<16xi32>
      %swap3A_172 = arith.constant 48 : index
      %swap3A_173 = tpu.vector_load %arg9[%swap3A_172] {strides = array<i32>} : memref<80xi32, #tpu.memory_space<vmem>>, vector<16xi32>,
      %swap3A_174 = vector.shape_cast %swap3A_173 : vector<16xi32> to vector<16xi32>
      %swap3A_175 = vector.shape_cast %get3A_171 : vector<16xi32> to vector<16xi32>
      tpu.vector_store %arg9[%swap3A_172], %swap3A_175 {strides = array<i32>} : memref<80xi32, #tpu.memory_space<vmem>>, vector<16xi32>,
      %add3A_176 = arith.constant 48 : i32
      %add3A_177 = arith.addi %mul3A_112, %add3A_176 : i32
      %get3A_178 = arith.index_cast %add3A_177 : i32 to index
      %get3A_179 = tpu.vector_load %arg7[%get3A_178] {strides = array<i32>} : memref<10000xi32, #tpu.memory_space<vmem>>, vector<16xi32>,
      %get3A_180 = vector.shape_cast %get3A_179 : vector<16xi32> to vector<16xi32>
      %swap3A_181 = arith.constant 48 : index
      %swap3A_182 = tpu.vector_load %arg11[%swap3A_181] {strides = array<i32>} : memref<80xi32, #tpu.memory_space<vmem>>, vector<16xi32>,
      %swap3A_183 = vector.shape_cast %swap3A_182 : vector<16xi32> to vector<16xi32>
      %swap3A_184 = vector.shape_cast %get3A_180 : vector<16xi32> to vector<16xi32>
      tpu.vector_store %arg11[%swap3A_181], %swap3A_184 {strides = array<i32>} : memref<80xi32, #tpu.memory_space<vmem>>, vector<16xi32>,
      %add3A_185 = arith.constant 64 : i32
      %add3A_186 = arith.addi %mul3A_112, %add3A_185 : i32
      %get3A_187 = arith.index_cast %add3A_186 : i32 to index
      %get3A_188 = tpu.vector_load %arg6[%get3A_187] {strides = array<i32>} : memref<10000xi32, #tpu.memory_space<vmem>>, vector<16xi32>,
      %get3A_189 = vector.shape_cast %get3A_188 : vector<16xi32> to vector<16xi32>
      %swap3A_190 = arith.constant 64 : index
      %swap3A_191 = tpu.vector_load %arg9[%swap3A_190] {strides = array<i32>} : memref<80xi32, #tpu.memory_space<vmem>>, vector<16xi32>,
      %swap3A_192 = vector.shape_cast %swap3A_191 : vector<16xi32> to vector<16xi32>
      %swap3A_193 = vector.shape_cast %get3A_189 : vector<16xi32> to vector<16xi32>
      tpu.vector_store %arg9[%swap3A_190], %swap3A_193 {strides = array<i32>} : memref<80xi32, #tpu.memory_space<vmem>>, vector<16xi32>,
      %add3A_194 = arith.constant 64 : i32
      %add3A_195 = arith.addi %mul3A_112, %add3A_194 : i32
      %get3A_196 = arith.index_cast %add3A_195 : i32 to index
      %get3A_197 = tpu.vector_load %arg7[%get3A_196] {strides = array<i32>} : memref<10000xi32, #tpu.memory_space<vmem>>, vector<16xi32>,
      %get3A_198 = vector.shape_cast %get3A_197 : vector<16xi32> to vector<16xi32>
      %swap3A_199 = arith.constant 64 : index
      %swap3A_200 = tpu.vector_load %arg11[%swap3A_199] {strides = array<i32>} : memref<80xi32, #tpu.memory_space<vmem>>, vector<16xi32>,
      %swap3A_201 = vector.shape_cast %swap3A_200 : vector<16xi32> to vector<16xi32>
      %swap3A_202 = vector.shape_cast %get3A_198 : vector<16xi32> to vector<16xi32>
      tpu.vector_store %arg11[%swap3A_199], %swap3A_202 {strides = array<i32>} : memref<80xi32, #tpu.memory_space<vmem>>, vector<16xi32>,
      %dma_start3A_203 = arith.constant 0 : i32
      %dma_start3A_204 = arith.constant 0 : i32
      %dma_start3A_205 = tpu.memref_slice %arg2[%dma_start3A_203, %dma_start3A_204] : memref<10240x128xf32, #tpu.memory_space<hbm>> -> memref<10240x128xf32, #tpu.memory_space<hbm>>
      tpu.enqueue_indirect_dma source(%dma_start3A_205 : memref<10240x128xf32, #tpu.memory_space<hbm>>) target(%arg13 : memref<80x128xf32, #tpu.memory_space<vmem>>) offsets(%arg9 : memref<80xi32, #tpu.memory_space<vmem>>) semaphore(%arg20 : memref<!tpu.dma_semaphore, #tpu.memory_space<semaphore_mem>>)
      %dma_wait3A_206 = arith.constant 0 : i32
      %dma_wait3A_207 = arith.constant 0 : i32
      %dma_wait3A_208 = tpu.memref_slice %arg2[%dma_wait3A_206, %dma_wait3A_207] : memref<10240x128xf32, #tpu.memory_space<hbm>> -> memref<10240x128xf32, #tpu.memory_space<hbm>>
      tpu.wait_indirect_dma semaphore(%arg19 : memref<!tpu.dma_semaphore, #tpu.memory_space<semaphore_mem>>) src(%dma_wait3A_208 : memref<10240x128xf32, #tpu.memory_space<hbm>>) dst(%arg12 : memref<80x128xf32, #tpu.memory_space<vmem>>)
      "tpu.region"() ({
        %run_scoped3A = tpu.sem_alloc : memref<!tpu.dma_semaphore, #tpu.memory_space<semaphore_mem>>
        %dma_start3A_312 = arith.constant 0 : i32
        %dma_start3A_313 = arith.constant 0 : i32
        %dma_start3A_314 = tpu.memref_slice %arg18[%dma_start3A_312, %dma_start3A_313] : memref<10240x128xf32, #tpu.memory_space<vmem_shared>> -> memref<10240x128xf32, #tpu.memory_space<vmem_shared>>
        tpu.enqueue_indirect_dma source(%arg12 : memref<80x128xf32, #tpu.memory_space<vmem>>) target(%dma_start3A_314 : memref<10240x128xf32, #tpu.memory_space<vmem_shared>>) offsets(%arg10 : memref<80xi32, #tpu.memory_space<vmem>>) semaphore(%run_scoped3A : memref<!tpu.dma_semaphore, #tpu.memory_space<semaphore_mem>>) {add = true}
        %dma_wait3A_315 = arith.constant 0 : i32
        %dma_wait3A_316 = arith.constant 0 : i32
        %dma_wait3A_317 = tpu.memref_slice %arg18[%dma_wait3A_315, %dma_wait3A_316] : memref<10240x128xf32, #tpu.memory_space<vmem_shared>> -> memref<10240x128xf32, #tpu.memory_space<vmem_shared>>
        tpu.wait_indirect_dma semaphore(%run_scoped3A : memref<!tpu.dma_semaphore, #tpu.memory_space<semaphore_mem>>) src(%arg12 : memref<80x128xf32, #tpu.memory_space<vmem>>) dst(%dma_wait3A_317 : memref<10240x128xf32, #tpu.memory_space<vmem_shared>>)
        tpu.yield
      }) : () -> ()
      %mul3A_209 = arith.constant 2 : i32
      %mul3A_210 = arith.muli %mul3A_209, %scan3A_105 : i32
      %add3A_211 = arith.constant 2 : i32
      %add3A_212 = arith.addi %mul3A_210, %add3A_211 : i32
      %mul3A_213 = arith.constant 80 : i32
      %mul3A_214 = arith.muli %add3A_212, %mul3A_213 : i32
      %add3A_215 = arith.constant 0 : i32
      %add3A_216 = arith.addi %mul3A_214, %add3A_215 : i32
      %get3A_217 = arith.index_cast %add3A_216 : i32 to index
      %get3A_218 = tpu.vector_load %arg6[%get3A_217] {strides = array<i32>} : memref<10000xi32, #tpu.memory_space<vmem>>, vector<16xi32>,
      %get3A_219 = vector.shape_cast %get3A_218 : vector<16xi32> to vector<16xi32>
      %swap3A_220 = arith.constant 0 : index
      %swap3A_221 = tpu.vector_load %arg8[%swap3A_220] {strides = array<i32>} : memref<80xi32, #tpu.memory_space<vmem>>, vector<16xi32>,
      %swap3A_222 = vector.shape_cast %swap3A_221 : vector<16xi32> to vector<16xi32>
      %swap3A_223 = vector.shape_cast %get3A_219 : vector<16xi32> to vector<16xi32>
      tpu.vector_store %arg8[%swap3A_220], %swap3A_223 {strides = array<i32>} : memref<80xi32, #tpu.memory_space<vmem>>, vector<16xi32>,
      %add3A_224 = arith.constant 0 : i32
      %add3A_225 = arith.addi %mul3A_214, %add3A_224 : i32
      %get3A_226 = arith.index_cast %add3A_225 : i32 to index
      %get3A_227 = tpu.vector_load %arg7[%get3A_226] {strides = array<i32>} : memref<10000xi32, #tpu.memory_space<vmem>>, vector<16xi32>,
      %get3A_228 = vector.shape_cast %get3A_227 : vector<16xi32> to vector<16xi32>
      %swap3A_229 = arith.constant 0 : index
      %swap3A_230 = tpu.vector_load %arg10[%swap3A_229] {strides = array<i32>} : memref<80xi32, #tpu.memory_space<vmem>>, vector<16xi32>,
      %swap3A_231 = vector.shape_cast %swap3A_230 : vector<16xi32> to vector<16xi32>
      %swap3A_232 = vector.shape_cast %get3A_228 : vector<16xi32> to vector<16xi32>
      tpu.vector_store %arg10[%swap3A_229], %swap3A_232 {strides = array<i32>} : memref<80xi32, #tpu.memory_space<vmem>>, vector<16xi32>,
      %add3A_233 = arith.constant 16 : i32
      %add3A_234 = arith.addi %mul3A_214, %add3A_233 : i32
      %get3A_235 = arith.index_cast %add3A_234 : i32 to index
      %get3A_236 = tpu.vector_load %arg6[%get3A_235] {strides = array<i32>} : memref<10000xi32, #tpu.memory_space<vmem>>, vector<16xi32>,
      %get3A_237 = vector.shape_cast %get3A_236 : vector<16xi32> to vector<16xi32>
      %swap3A_238 = arith.constant 16 : index
      %swap3A_239 = tpu.vector_load %arg8[%swap3A_238] {strides = array<i32>} : memref<80xi32, #tpu.memory_space<vmem>>, vector<16xi32>,
      %swap3A_240 = vector.shape_cast %swap3A_239 : vector<16xi32> to vector<16xi32>
      %swap3A_241 = vector.shape_cast %get3A_237 : vector<16xi32> to vector<16xi32>
      tpu.vector_store %arg8[%swap3A_238], %swap3A_241 {strides = array<i32>} : memref<80xi32, #tpu.memory_space<vmem>>, vector<16xi32>,
      %add3A_242 = arith.constant 16 : i32
      %add3A_243 = arith.addi %mul3A_214, %add3A_242 : i32
      %get3A_244 = arith.index_cast %add3A_243 : i32 to index
      %get3A_245 = tpu.vector_load %arg7[%get3A_244] {strides = array<i32>} : memref<10000xi32, #tpu.memory_space<vmem>>, vector<16xi32>,
      %get3A_246 = vector.shape_cast %get3A_245 : vector<16xi32> to vector<16xi32>
      %swap3A_247 = arith.constant 16 : index
      %swap3A_248 = tpu.vector_load %arg10[%swap3A_247] {strides = array<i32>} : memref<80xi32, #tpu.memory_space<vmem>>, vector<16xi32>,
      %swap3A_249 = vector.shape_cast %swap3A_248 : vector<16xi32> to vector<16xi32>
      %swap3A_250 = vector.shape_cast %get3A_246 : vector<16xi32> to vector<16xi32>
      tpu.vector_store %arg10[%swap3A_247], %swap3A_250 {strides = array<i32>} : memref<80xi32, #tpu.memory_space<vmem>>, vector<16xi32>,
      %add3A_251 = arith.constant 32 : i32
      %add3A_252 = arith.addi %mul3A_214, %add3A_251 : i32
      %get3A_253 = arith.index_cast %add3A_252 : i32 to index
      %get3A_254 = tpu.vector_load %arg6[%get3A_253] {strides = array<i32>} : memref<10000xi32, #tpu.memory_space<vmem>>, vector<16xi32>,
      %get3A_255 = vector.shape_cast %get3A_254 : vector<16xi32> to vector<16xi32>
      %swap3A_256 = arith.constant 32 : index
      %swap3A_257 = tpu.vector_load %arg8[%swap3A_256] {strides = array<i32>} : memref<80xi32, #tpu.memory_space<vmem>>, vector<16xi32>,
      %swap3A_258 = vector.shape_cast %swap3A_257 : vector<16xi32> to vector<16xi32>
      %swap3A_259 = vector.shape_cast %get3A_255 : vector<16xi32> to vector<16xi32>
      tpu.vector_store %arg8[%swap3A_256], %swap3A_259 {strides = array<i32>} : memref<80xi32, #tpu.memory_space<vmem>>, vector<16xi32>,
      %add3A_260 = arith.constant 32 : i32
      %add3A_261 = arith.addi %mul3A_214, %add3A_260 : i32
      %get3A_262 = arith.index_cast %add3A_261 : i32 to index
      %get3A_263 = tpu.vector_load %arg7[%get3A_262] {strides = array<i32>} : memref<10000xi32, #tpu.memory_space<vmem>>, vector<16xi32>,
      %get3A_264 = vector.shape_cast %get3A_263 : vector<16xi32> to vector<16xi32>
      %swap3A_265 = arith.constant 32 : index
      %swap3A_266 = tpu.vector_load %arg10[%swap3A_265] {strides = array<i32>} : memref<80xi32, #tpu.memory_space<vmem>>, vector<16xi32>,
      %swap3A_267 = vector.shape_cast %swap3A_266 : vector<16xi32> to vector<16xi32>
      %swap3A_268 = vector.shape_cast %get3A_264 : vector<16xi32> to vector<16xi32>
      tpu.vector_store %arg10[%swap3A_265], %swap3A_268 {strides = array<i32>} : memref<80xi32, #tpu.memory_space<vmem>>, vector<16xi32>,
      %add3A_269 = arith.constant 48 : i32
      %add3A_270 = arith.addi %mul3A_214, %add3A_269 : i32
      %get3A_271 = arith.index_cast %add3A_270 : i32 to index
      %get3A_272 = tpu.vector_load %arg6[%get3A_271] {strides = array<i32>} : memref<10000xi32, #tpu.memory_space<vmem>>, vector<16xi32>,
      %get3A_273 = vector.shape_cast %get3A_272 : vector<16xi32> to vector<16xi32>
      %swap3A_274 = arith.constant 48 : index
      %swap3A_275 = tpu.vector_load %arg8[%swap3A_274] {strides = array<i32>} : memref<80xi32, #tpu.memory_space<vmem>>, vector<16xi32>,
      %swap3A_276 = vector.shape_cast %swap3A_275 : vector<16xi32> to vector<16xi32>
      %swap3A_277 = vector.shape_cast %get3A_273 : vector<16xi32> to vector<16xi32>
      tpu.vector_store %arg8[%swap3A_274], %swap3A_277 {strides = array<i32>} : memref<80xi32, #tpu.memory_space<vmem>>, vector<16xi32>,
      %add3A_278 = arith.constant 48 : i32
      %add3A_279 = arith.addi %mul3A_214, %add3A_278 : i32
      %get3A_280 = arith.index_cast %add3A_279 : i32 to index
      %get3A_281 = tpu.vector_load %arg7[%get3A_280] {strides = array<i32>} : memref<10000xi32, #tpu.memory_space<vmem>>, vector<16xi32>,
      %get3A_282 = vector.shape_cast %get3A_281 : vector<16xi32> to vector<16xi32>
      %swap3A_283 = arith.constant 48 : index
      %swap3A_284 = tpu.vector_load %arg10[%swap3A_283] {strides = array<i32>} : memref<80xi32, #tpu.memory_space<vmem>>, vector<16xi32>,
      %swap3A_285 = vector.shape_cast %swap3A_284 : vector<16xi32> to vector<16xi32>
      %swap3A_286 = vector.shape_cast %get3A_282 : vector<16xi32> to vector<16xi32>
      tpu.vector_store %arg10[%swap3A_283], %swap3A_286 {strides = array<i32>} : memref<80xi32, #tpu.memory_space<vmem>>, vector<16xi32>,
      %add3A_287 = arith.constant 64 : i32
      %add3A_288 = arith.addi %mul3A_214, %add3A_287 : i32
      %get3A_289 = arith.index_cast %add3A_288 : i32 to index
      %get3A_290 = tpu.vector_load %arg6[%get3A_289] {strides = array<i32>} : memref<10000xi32, #tpu.memory_space<vmem>>, vector<16xi32>,
      %get3A_291 = vector.shape_cast %get3A_290 : vector<16xi32> to vector<16xi32>
      %swap3A_292 = arith.constant 64 : index
      %swap3A_293 = tpu.vector_load %arg8[%swap3A_292] {strides = array<i32>} : memref<80xi32, #tpu.memory_space<vmem>>, vector<16xi32>,
      %swap3A_294 = vector.shape_cast %swap3A_293 : vector<16xi32> to vector<16xi32>
      %swap3A_295 = vector.shape_cast %get3A_291 : vector<16xi32> to vector<16xi32>
      tpu.vector_store %arg8[%swap3A_292], %swap3A_295 {strides = array<i32>} : memref<80xi32, #tpu.memory_space<vmem>>, vector<16xi32>,
      %add3A_296 = arith.constant 64 : i32
      %add3A_297 = arith.addi %mul3A_214, %add3A_296 : i32
      %get3A_298 = arith.index_cast %add3A_297 : i32 to index
      %get3A_299 = tpu.vector_load %arg7[%get3A_298] {strides = array<i32>} : memref<10000xi32, #tpu.memory_space<vmem>>, vector<16xi32>,
      %get3A_300 = vector.shape_cast %get3A_299 : vector<16xi32> to vector<16xi32>
      %swap3A_301 = arith.constant 64 : index
      %swap3A_302 = tpu.vector_load %arg10[%swap3A_301] {strides = array<i32>} : memref<80xi32, #tpu.memory_space<vmem>>, vector<16xi32>,
      %swap3A_303 = vector.shape_cast %swap3A_302 : vector<16xi32> to vector<16xi32>
      %swap3A_304 = vector.shape_cast %get3A_300 : vector<16xi32> to vector<16xi32>
      tpu.vector_store %arg10[%swap3A_301], %swap3A_304 {strides = array<i32>} : memref<80xi32, #tpu.memory_space<vmem>>, vector<16xi32>,
      %dma_start3A_305 = arith.constant 0 : i32
      %dma_start3A_306 = arith.constant 0 : i32
      %dma_start3A_307 = tpu.memref_slice %arg2[%dma_start3A_305, %dma_start3A_306] : memref<10240x128xf32, #tpu.memory_space<hbm>> -> memref<10240x128xf32, #tpu.memory_space<hbm>>
      tpu.enqueue_indirect_dma source(%dma_start3A_307 : memref<10240x128xf32, #tpu.memory_space<hbm>>) target(%arg12 : memref<80x128xf32, #tpu.memory_space<vmem>>) offsets(%arg8 : memref<80xi32, #tpu.memory_space<vmem>>) semaphore(%arg19 : memref<!tpu.dma_semaphore, #tpu.memory_space<semaphore_mem>>)
      %dma_wait3A_308 = arith.constant 0 : i32
      %dma_wait3A_309 = arith.constant 0 : i32
      %dma_wait3A_310 = tpu.memref_slice %arg2[%dma_wait3A_308, %dma_wait3A_309] : memref<10240x128xf32, #tpu.memory_space<hbm>> -> memref<10240x128xf32, #tpu.memory_space<hbm>>
      tpu.wait_indirect_dma semaphore(%arg20 : memref<!tpu.dma_semaphore, #tpu.memory_space<semaphore_mem>>) src(%dma_wait3A_310 : memref<10240x128xf32, #tpu.memory_space<hbm>>) dst(%arg13 : memref<80x128xf32, #tpu.memory_space<vmem>>)
      "tpu.region"() ({
        %run_scoped3A = tpu.sem_alloc : memref<!tpu.dma_semaphore, #tpu.memory_space<semaphore_mem>>
        %dma_start3A_312 = arith.constant 0 : i32
        %dma_start3A_313 = arith.constant 0 : i32
        %dma_start3A_314 = tpu.memref_slice %arg18[%dma_start3A_312, %dma_start3A_313] : memref<10240x128xf32, #tpu.memory_space<vmem_shared>> -> memref<10240x128xf32, #tpu.memory_space<vmem_shared>>
        tpu.enqueue_indirect_dma source(%arg13 : memref<80x128xf32, #tpu.memory_space<vmem>>) target(%dma_start3A_314 : memref<10240x128xf32, #tpu.memory_space<vmem_shared>>) offsets(%arg11 : memref<80xi32, #tpu.memory_space<vmem>>) semaphore(%run_scoped3A : memref<!tpu.dma_semaphore, #tpu.memory_space<semaphore_mem>>) {add = true}
        %dma_wait3A_315 = arith.constant 0 : i32
        %dma_wait3A_316 = arith.constant 0 : i32
        %dma_wait3A_317 = tpu.memref_slice %arg18[%dma_wait3A_315, %dma_wait3A_316] : memref<10240x128xf32, #tpu.memory_space<vmem_shared>> -> memref<10240x128xf32, #tpu.memory_space<vmem_shared>>
        tpu.wait_indirect_dma semaphore(%run_scoped3A : memref<!tpu.dma_semaphore, #tpu.memory_space<semaphore_mem>>) src(%arg13 : memref<80x128xf32, #tpu.memory_space<vmem>>) dst(%dma_wait3A_317 : memref<10240x128xf32, #tpu.memory_space<vmem_shared>>)
        tpu.yield
      }) : () -> ()
      %scan3A_311 = arith.constant 0 : i32
      scf.yield %scan3A_311 : i32
    }
    %scan3A_101 = arith.constant 62 : i32
    %dma_wait3A = arith.constant 0 : i32
    %dma_wait3A_102 = arith.constant 0 : i32
    %dma_wait3A_103 = tpu.memref_slice %arg2[%dma_wait3A, %dma_wait3A_102] : memref<10240x128xf32, #tpu.memory_space<hbm>> -> memref<10240x128xf32, #tpu.memory_space<hbm>>
    tpu.wait_indirect_dma semaphore(%arg19 : memref<!tpu.dma_semaphore, #tpu.memory_space<semaphore_mem>>) src(%dma_wait3A_103 : memref<10240x128xf32, #tpu.memory_space<hbm>>) dst(%arg12 : memref<80x128xf32, #tpu.memory_space<vmem>>)
    "tpu.region"() ({
      %run_scoped3A = tpu.sem_alloc : memref<!tpu.dma_semaphore, #tpu.memory_space<semaphore_mem>>
      %dma_start3A_105 = arith.constant 0 : i32
      %dma_start3A_106 = arith.constant 0 : i32
      %dma_start3A_107 = tpu.memref_slice %arg18[%dma_start3A_105, %dma_start3A_106] : memref<10240x128xf32, #tpu.memory_space<vmem_shared>> -> memref<10240x128xf32, #tpu.memory_space<vmem_shared>>
      tpu.enqueue_indirect_dma source(%arg12 : memref<80x128xf32, #tpu.memory_space<vmem>>) target(%dma_start3A_107 : memref<10240x128xf32, #tpu.memory_space<vmem_shared>>) offsets(%arg10 : memref<80xi32, #tpu.memory_space<vmem>>) semaphore(%run_scoped3A : memref<!tpu.dma_semaphore, #tpu.memory_space<semaphore_mem>>) {add = true}
      %dma_wait3A_108 = arith.constant 0 : i32
      %dma_wait3A_109 = arith.constant 0 : i32
      %dma_wait3A_110 = tpu.memref_slice %arg18[%dma_wait3A_108, %dma_wait3A_109] : memref<10240x128xf32, #tpu.memory_space<vmem_shared>> -> memref<10240x128xf32, #tpu.memory_space<vmem_shared>>
      tpu.wait_indirect_dma semaphore(%run_scoped3A : memref<!tpu.dma_semaphore, #tpu.memory_space<semaphore_mem>>) src(%arg12 : memref<80x128xf32, #tpu.memory_space<vmem>>) dst(%dma_wait3A_110 : memref<10240x128xf32, #tpu.memory_space<vmem_shared>>)
      tpu.yield
    }) : () -> ()
    %barrier3A_104 = arith.constant 0 : index
    tpu.barrier barrier_id(%barrier3A_104)
    "tpu.region"() ({
      %run_scoped3A = tpu.sem_alloc : memref<!tpu.dma_semaphore, #tpu.memory_space<semaphore_mem>>
      %dma_start3A_105 = arith.constant 0 : i32
      %dma_start3A_106 = tpu.memref_slice %arg5[%arg0, %mul3A_10, %dma_start3A_105] : memref<2x10240x128xf32, #tpu.memory_space<hbm>> -> memref<1x640x128xf32, #tpu.memory_space<hbm>>
      %dma_start3A_107 = tpu.memref_squeeze %dma_start3A_106 : memref<1x640x128xf32, #tpu.memory_space<hbm>> -> memref<640x128xf32, #tpu.memory_space<hbm>>
      %dma_start3A_108 = arith.constant 0 : i32
      %dma_start3A_109 = tpu.memref_slice %arg18[%mul3A_10, %dma_start3A_108] : memref<10240x128xf32, #tpu.memory_space<vmem_shared>> -> memref<640x128xf32, #tpu.memory_space<vmem_shared>>
      tpu.enqueue_dma source(%dma_start3A_109 : memref<640x128xf32, #tpu.memory_space<vmem_shared>>) target(%dma_start3A_107 : memref<640x128xf32, #tpu.memory_space<hbm>>) target_semaphore(%run_scoped3A : memref<!tpu.dma_semaphore, #tpu.memory_space<semaphore_mem>>)
      %dma_wait3A_110 = arith.constant 0 : i32
      %dma_wait3A_111 = tpu.memref_slice %arg5[%arg0, %mul3A_10, %dma_wait3A_110] : memref<2x10240x128xf32, #tpu.memory_space<hbm>> -> memref<1x640x128xf32, #tpu.memory_space<hbm>>
      %dma_wait3A_112 = tpu.memref_squeeze %dma_wait3A_111 : memref<1x640x128xf32, #tpu.memory_space<hbm>> -> memref<640x128xf32, #tpu.memory_space<hbm>>
      %dma_wait3A_113 = arith.constant 0 : i32
      %dma_wait3A_114 = tpu.memref_slice %arg18[%mul3A_10, %dma_wait3A_113] : memref<10240x128xf32, #tpu.memory_space<vmem_shared>> -> memref<640x128xf32, #tpu.memory_space<vmem_shared>>
      tpu.wait_dma2 semaphore(%run_scoped3A : memref<!tpu.dma_semaphore, #tpu.memory_space<semaphore_mem>>) src(%dma_wait3A_114 : memref<640x128xf32, #tpu.memory_space<vmem_shared>>) dst(%dma_wait3A_112 : memref<640x128xf32, #tpu.memory_space<hbm>>)
      tpu.yield
    }) : () -> ()
    return
  }
}

</mosaic_0001>

<sc_bundles>
// kernel: kernel.11.cloned.1.call-start
scs
__scs_entry_jumppad:
0x0: {  	(pc) =	sbr.rel $0x88, $3  }
0x1: {  	(tag) =	ssettag $0x0;
	lr =	simm.s32 $0x1  }
0x2: {  	[smem:$0x3F8D] =	sst lr;
	_ =	strace $0xD0000000  }
0x3: {  	_ = 	snop  }
0x4: {  	_ = 	snop  }
0x5: {  	_ = 	snop  }
0x6: {  	_ = 	snop  }
0x7: {  	_ = 	snop  }
__scs_overlays_trampoline_lowered:
0x8: {  	[smem:$0x3F9C] =	sst s0  }
0x9: {  	[smem:$0x3F9D] =	sst s1  }
0xa: {  	[smem:$0x3F9E] =	sst s2  }
0xb: {  	[smem:$0x3F9F] =	sst s3  }
0xc: {  	[smem:$0x3FA0] =	sst s4  }
0xd: {  	[smem:$0x3FA1] =	sst s5  }
0xe: {  	[smem:$0x3FA2] =	sst s6  }
0xf: {  	[smem:$0x3FA3] =	sst s7  }
0x10: {  	[smem:$0x3FA4] =	sst s8  }
0x11: {  	[smem:$0x3FA5] =	sst s9;
	s0 =	simm.s32 @!p0 $0x0  }
0x12: {  	s1 =	sld [smem:$0x3F8B];
	s0 =	simm.s32 @p0 $0x1  }
0x13: {  	[smem:$0x3FA6] =	sst s0;
	s0 =	simm.s32 @!p1 $0x0  }
0x14: {  	s2 =	sld [smem:$0x3F8A];
	s0 =	simm.s32 @p1 $0x1  }
0x15: {  	[smem:$0x3FA7] =	sst s0;
	s0 =	simm.s32 @!p2 $0x0  }
0x16: {  	s3 =	sld [smem:$0x3FDB];
	s0 =	simm.s32 @p2 $0x1  }
0x17: {  	s4 =	simm.s32 $0x1BF5;
	[smem:$0x3FA9] =	sst s0  }
0x18: {  	s0 =	sld [smem:$0x3F8C];
	_ =	swait.ge [sflag:s4], $0x0  }
0x19: {  	s7 =	sld [smem:$0x3F8D]  }
0x1a: {  	s8 =	sadd.s32 $0xFFFFE003, lr  }
0x1b: {  	s9 =	sadd.s32 $0xFFFFFEF7, lr;
	s5 =	simm.s32 $0xFFFFFFFF;
	p2 =	slt.u32 s8, $0xFFFFF086  }
0x1c: {  	p1 =	slt.u32 s9, $0xF7A;
	s5 =	simm.s32 @!p2 $0x0  }
0x1d: {  	s5 =	simm.s32 @p1 $0x1;
	p0 =	seq.s32 s7, s2  }
0x1e: {  	s7 =	smul.u32 @!p0 $0xF7A, s2;
	p2 =	seq.s32 @!p0 s5, $0x0  }
0x1f: {  	s9 =	smul.u32 $0xF7A, s1;
	s8 =	simm.s32 @!p0 $0x1BF5;
	p2 =	por !p2, p0  }
0x20: {  	[sflag:s8] =	ssyncset.s32 @!p0 $0xFFFFF086;
	s6 =	sadd.s32 @!p0 s3, s7;
	s7 =	simm.s32 @!p0 $0x108  }
0x21: {  	s3 =	sadd.s32 s3, s9;
	s6 =	sadd.s32 @!p0 $0x88, s6;
	s7 =	simm.s32 @p2 $0x1082  }
0x22: {  	[simem:s7], [sflag:s8] =	dma.local @!p0 [hbm:s6], $0xF7A  }
0x23: {  	s9 =	sor.u32 $0xD0000000, s2;
	s6 =	simm.s32 $0x108;
	_ =	swait.ge @!p0 [sflag:s8], $0x0  }
0x24: {  	s3 =	sadd.s32 $0x88, s3;
	s6 =	simm.s32 @!p1 $0x1082;
	[sflag:s4] =	ssyncset.s32 $0xFFFFF086  }
0x25: {  	[simem:s6], [sflag:s4] =	dma.local [hbm:s3], $0xF7A  }
0x26: {  	[smem:$0x3F8D] =	sst s1;
	(tag) =	ssettag s2;
	_ =	strace s9  }
0x27: {  	s1 =	sld [smem:$0x3F9D]  }
0x28: {  	s2 =	sld [smem:$0x3F9E]  }
0x29: {  	s4 =	sld [smem:$0x3FA0]  }
0x2a: {  	p0 =	seq.s32 s5, $0x0;
	s5 =	sld [smem:$0x3FA1]  }
0x2b: {  	s6 =	sld [smem:$0x3FA2]  }
0x2c: {  	s7 =	sld [smem:$0x3FA3]  }
0x2d: {  	s3 =	simm.s32 $0x108;
	s8 =	sld [smem:$0x3FA4]  }
0x2e: {  	s3 =	simm.s32 @!p0 $0x1082;
	s9 =	sld [smem:$0x3FA5]  }
0x2f: {  	lr =	sadd.s32 s0, s3;
	s0 =	sld [smem:$0x3F9C]  }
0x30: {  	s3 =	sld [smem:$0x3F9F]  }
0x31: {  	[smem:$0x3FA8] =	sst s10  }
0x32: {  	s10 =	sld [smem:$0x3FA6];
	_ =	sdelay $0x3  }
0x33: {  	p0 =	seq.s32 s10, $0x1;
	s10 =	sld [smem:$0x3FA8];
	_ =	sdelay $0x3  }
0x34: {  	[smem:$0x3FA8] =	sst s10  }
0x35: {  	s10 =	sld [smem:$0x3FA7];
	_ =	sdelay $0x3  }
0x36: {  	p1 =	seq.s32 s10, $0x1;
	s10 =	sld [smem:$0x3FA8];
	_ =	sdelay $0x3  }
0x37: {  	[smem:$0x3FA8] =	sst s10  }
0x38: {  	s10 =	sld [smem:$0x3FA9]  }
0x39: {  	_ = 	snop;
	(pc) =	sbr.ind lr, $3  }
0x3a: {  	_ = 	snop  }
0x3b: {  	_ = 	snop  }
0x3c: {  	p2 =	seq.s32 s10, $0x1;
	s10 =	sld [smem:$0x3FA8]  }
0x3d: {  	_ =	shalt  }
0x3e: {  	_ =	shalt  }
0x3f: {  	_ =	shalt  }
0x40: {  	_ =	shalt  }
0x41: {  	_ =	shalt  }
0x42: {  	_ =	shalt  }
0x43: {  	_ =	shalt  }
0x44: {  	_ =	shalt  }
0x45: {  	_ =	shalt  }
0x46: {  	_ =	shalt  }
0x47: {  	_ =	shalt  }
0x48: {  	_ =	shalt  }
0x49: {  	_ =	shalt  }
0x4a: {  	_ =	shalt  }
0x4b: {  	_ =	shalt  }
0x4c: {  	_ =	shalt  }
0x4d: {  	_ =	shalt  }
0x4e: {  	_ =	shalt  }
0x4f: {  	_ =	shalt  }
0x50: {  	_ =	shalt  }
0x51: {  	_ =	shalt  }
0x52: {  	_ =	shalt  }
0x53: {  	_ =	shalt  }
0x54: {  	_ =	shalt  }
0x55: {  	_ =	shalt  }
0x56: {  	_ =	shalt  }
0x57: {  	_ =	shalt  }
0x58: {  	_ =	shalt  }
0x59: {  	_ =	shalt  }
0x5a: {  	_ =	shalt  }
0x5b: {  	_ =	shalt  }
0x5c: {  	_ =	shalt  }
0x5d: {  	_ =	shalt  }
0x5e: {  	_ =	shalt  }
0x5f: {  	_ =	shalt  }
0x60: {  	_ =	shalt  }
0x61: {  	_ =	shalt  }
0x62: {  	_ =	shalt  }
0x63: {  	_ =	shalt  }
0x64: {  	_ =	shalt  }
0x65: {  	_ =	shalt  }
0x66: {  	_ =	shalt  }
0x67: {  	_ =	shalt  }
0x68: {  	_ =	shalt  }
0x69: {  	_ =	shalt  }
0x6a: {  	_ =	shalt  }
0x6b: {  	_ =	shalt  }
0x6c: {  	_ =	shalt  }
0x6d: {  	_ =	shalt  }
0x6e: {  	_ =	shalt  }
0x6f: {  	_ =	shalt  }
0x70: {  	_ =	shalt  }
0x71: {  	_ =	shalt  }
0x72: {  	_ =	shalt  }
0x73: {  	_ =	shalt  }
0x74: {  	_ =	shalt  }
0x75: {  	_ =	shalt  }
0x76: {  	_ =	shalt  }
0x77: {  	_ =	shalt  }
0x78: {  	_ =	shalt  }
0x79: {  	_ =	shalt  }
0x7a: {  	_ =	shalt  }
0x7b: {  	_ =	shalt  }
0x7c: {  	_ =	shalt  }
0x7d: {  	_ =	shalt  }
0x7e: {  	_ =	shalt  }
0x7f: {  	_ =	shalt  }
0x80: {  	_ =	shalt  }
0x81: {  	_ =	shalt  }
0x82: {  	_ =	shalt  }
0x83: {  	_ =	shalt  }
0x84: {  	_ =	shalt  }
0x85: {  	_ =	shalt  }
0x86: {  	_ =	shalt  }
0x87: {  	_ =	shalt  }
.Lfunc_end0:
.L_simem_size_0:
called_computation.2_lowered:
.L_overlay_start_0:
0x88: {  	s2 =	sld [smem:$0x3FD9]  }
0x89: {  	s3 =	sld [smem:$0x3FFE];
	_ =	sdelay $0x1  }
0x8a: {  	s1 =	srdreg.scid  }
0x8b: {  	s0 =	sand.u32 $0x1, s1  }
0x8c: {  	s16 =	sshll.u32 s0, $0xA;
	s2 =	sadd.s32 s3, s2  }
0x8d: {  	s2 =	sadd.s32 s2, s16  }
0x8e: {  	[smem:$0x3FB4] =	sst s2  }
0x8f: {  	_ = 	snop  }
0x90: {  	(tm) =	ssettm $0x1  }
0x91: {  	s17 =	sld [smem:$0x3FFB];
	_ =	sdelay $0x3  }
0x92: {  	_ =	strace s17  }
0x93: {  	s2 =	sld [smem:$0x3FFC];
	_ =	sdelay $0x3  }
0x94: {  	_ =	strace s2  }
0x95: {  	s2 =	sld [smem:$0x3FFD];
	_ =	sdelay $0x3  }
0x96: {  	_ =	strace s2  }
0x97: {  	_ =	strace $0x8FFFFFFF  }
0x98: {  	s18 =	sld [smem:$0x3FDB];
	_ =	sdelay $0x1  }
0x99: {  	s19 =	simm.s32 $_scs_section_size  }
0x9a: {  	s4 =	simm.s32 $_size__tile_overlayer_lowered;
	s5 =	simm.s32 $_tile_overlayer_lowered  }
0x9b: {  	s22 =	simm.s32 $0x1BFF;
	s21 =	sshll.u32 s5, $0x1;
	s2 =	sadd.s32 s19, s18  }
0x9c: {  	s6 =	simm.s32 $0x0;
	s20 =	sshll.u32 s4, $0x1;
	s4 =	sadd.s32 s21, s2  }
0x9d: {  	[timem:s6], [sflag:s22] =	dma.local [hbm:s4], s20  }
0x9e: {  	_ =	swait.ge [sflag:s22], s20  }
0x9f: {  	s3 =	ssub.s32 $0x0, s20;
	[sflag:s22] =	ssyncset.done $0x0  }
0xa0: {  	[sflag:s22] =	ssyncadd.s32 s3;
	_ =	sdelay $0x1  }
0xa1: {  	s23 =	simm.s32 $0x1B8B  }
0xa2: {  	_ =	swait.ge [sflag:s23], $0x1  }
0xa3: {  	[sflag:s23] =	ssyncset.done $0x0  }
0xa4: {  	s25 =	simm.s32 $0x1B8E;
	s24 =	sld [smem:$0x3FFE];
	[sflag:s23] =	ssyncadd.s32 $0xFFFFFFFF  }
0xa5: {  	s26 =	simm.s32 $execute0_lowered;
	[smem:$0x3FD2] =	sst s25  }
0xa6: {  	s4 =	sshll.u32 s26, $0x1;
	_ =	strace $0x8000004C;
	[dreg:$0x1] =	wrdreg $0xFFFFFFFF  }
0xa7: {  	s28 =	simm.s32 $_size_execute0_lowered;
	s2 =	sadd.s32 s2, s4;
	[dreg:$0x0] =	wrdreg $0x0  }
0xa8: {  	s4 =	sshll.u32 s28, $0x1;
	[dreg:$0x2] =	wrdreg s2  }
0xa9: {  	[dreg:$0x3] =	wrdreg s4  }
0xaa: {  	[dreg:$0x4] =	wrdreg $0xC0  }
0xab: {  	_ =	task [dreg:s6], $0x5FFFF  }
0xac: {  	[dreg:$0x1] =	wrdreg $0xFFFFFFFF  }
0xad: {  	[dreg:$0x0] =	wrdreg $0x60  }
0xae: {  	[dreg:$0x2] =	wrdreg s24  }
0xaf: {  	[dreg:$0x3] =	wrdreg $0xB1000  }
0xb0: {  	[dreg:$0x4] =	wrdreg $0x9  }
0xb1: {  	_ =	task.clear_ibuf [dreg:s6], $0x5FFFF;
	_ =	strace $0x9000004C  }
0xb2: {  	s29 =	simm.s32 $0x9;
	_ =	strace $0x8000004E  }
0xb3: {  	_ =	swait.ge [sflag:s29], $0x1  }
0xb4: {  	[sflag:s29] =	ssyncadd.s32 $0xFFFFFFFF  }
0xb5: {  	_ =	strace $0x9000004E  }
0xb6: {  	_ =	sfence  }
0xb7: {  	s30 =	sld [smem:$0x0];
	_ =	sdelay $0x2  }
0xb8: {  	s31 =	sshll.u32 s1, $0xD;
	s1 =	sshrl.u32 s1, $0x2  }
0xb9: {  	s3 =	sand.u32 $0x4000, s31;
	s1 =	sadd.s32 s1, s30  }
0xba: {  	s0 =	sor.u32 s3, s0;
	s1 =	sshll.u32 s1, $0x11  }
0xbb: {  	s0 =	sor.u32 s1, s0  }
0xbc: {  	s0 =	sadd.s32 $0x8F2B, s0  }
0xbd: {  	[sflag:s0] =	ssyncadd.remote.s32 $0x1  }
0xbe: {  	_ =	sfence.sel $0xFFFF  }
0xbf: {  	[dreg:$0x0] =	wrdreg $0xFFFFFFFF;
	(pc) =	sbr.abs _section_cstart, $3  }
0xc0: {  	[dreg:$0x1] =	wrdreg $0xFFFFFFFF  }
0xc1: {  	_ =	task.clear_ibuf [dreg:s6], $0x2FFFF;
	_ =	strace $0x9FFFFFFF  }
0xc2: {  	(tm) =	ssettm $0x7FFFFFFF  }
0xc3: {  	_ =	shalt  }
tec
execute0_lowered:
.L_overlay_start_1:
0x0: {  	(tag) =	ssettag $0x1  }
0x1: {  	s0 =	rddreg [dreg:$0x0];
	s1 =	srdreg.scid  }
0x2: {  	s2 =	rddreg [dreg:$0x1];
	s7 =	stileid.u32;
	s3 =	simm.s32 $0x0  }
0x3: {  	s30 =	simm.s32 $0xA100;
	s31 =	simm.s32 $0x3;
	s9 =	simm.s32 $0x4F80  }
0x4: {  	s10 =	simm.s32 $0x7900;
	s11 =	simm.s32 $0x5000;
	s5 =	smul.u32 $0x14000, s7  }
0x5: {  	s12 =	simm.s32 $0x2;
	s1 =	sand.u32 $0x1, s1;
	s14 =	smul.u32 $0x50000, s7  }
0x6: {  	[smem:$0x7FF] =	sst s3;
	s4 =	smul.u32 $0x140000, s1;
	s6 =	sshll.u32 s1, $0x4  }
0x7: {  	_ =	strace $0x8000004D;
	s1 =	ssub.s32 $0x2, s1;
	s13 =	sor.u32 s7, s6  }
0x8: {  	s8 =	sshrl.u32 s1, $0x1;
	s6 =	sshrl.u32 s14, $0x2;
	s4 =	sadd.s32 s5, s4  }
0x9: {  	s5 =	smul.u32 $0x4E2, s13;
	s16 =	ssub.s32 s1, s8;
	s6 =	sadd.s32 s6, s2  }
0xa: {  	s1 =	simm.s32 $0x50;
	s8 =	simm.s32 $0x5100;
	s19 =	sadd.s32 $0x1000, s6  }
0xb: {  	s13 =	simm.s32 $0x5080;
	s20 =	sadd.s32 $0x2000, s6;
	[dreg:$0x6] =	wrdreg s19  }
0xc: {  	s15 =	sshrl.u32 s4, $0x3;
	s21 =	sadd.s32 $0x3000, s6;
	[dreg:$0x7] =	wrdreg s20  }
0xd: {  	s4 =	sadd.s32 $0x13C00, s0;
	s22 =	sadd.s32 $0x4000, s6;
	[dreg:$0x8] =	wrdreg s21  }
0xe: {  	s23 =	sadd.s32 $0x5000, s6;
	s24 =	sadd.s32 $0x6000, s6;
	[dreg:$0x9] =	wrdreg s22  }
0xf: {  	s25 =	sadd.s32 $0x7000, s6;
	s26 =	sadd.s32 $0x8000, s6;
	[dreg:$0xa] =	wrdreg s23  }
0x10: {  	s28 =	sadd.s32 $0x12000, s6;
	s29 =	sadd.s32 $0x13000, s6;
	[dreg:$0xb] =	wrdreg s24  }
0x11: {  	s7 =	sadd.s32 s15, s0;
	s5 =	sadd.s32 s0, s5;
	[dreg:$0xc] =	wrdreg s25  }
0x12: {  	s0 =	smax.u32 s16, $0x1;
	[dreg:$0xd] =	wrdreg s26;
	s19 =	sadd.s32 $0xA000, s6  }
0x13: {  	s20 =	sadd.s32 $0xB000, s6;
	s21 =	sadd.s32 $0xC000, s6;
	s22 =	sadd.s32 $0xD000, s6  }
0x14: {  	s23 =	sadd.s32 $0xE000, s6;
	s24 =	sadd.s32 $0xF000, s6;
	s25 =	sadd.s32 $0x10000, s6  }
0x15: {  	s26 =	sadd.s32 $0x11000, s6;
	s17 =	sadd.s32 $0x9E00, s5;
	[dreg:$0x5] =	wrdreg s0  }
0x16: {  	s18 =	sadd.s32 $0x3BC00, s7;
	s0 =	simm.s32 $0x1;
	[dreg:$0x3] =	wrdreg s17  }
0x17: {  	v0 =	vimm.f32 $0.0e+00;
	s7 =	simm.s32 $0x4F00;
	[dreg:$0x4] =	wrdreg s18;
	s18 =	sadd.s32 $0x9000, s6  }
.LBB2_1:
0x18: {  	s14 =	simm.s32 $0x0;
	s15 =	simm.s32 $0x200  }
.LBB2_2:
0x19: {  	p0 =	sne.s32 s15, $0x3E00;
	[tilespmem:s14+$0xA170] =	vst v0  }
0x1a: {  	[tilespmem:s14+$0xA100] =	vst v0  }
0x1b: {  	[tilespmem:s14+$0xA110] =	vst v0  }
.Ltmp0:
0x1c: {  	[tilespmem:s14+$0xA120] =	vst v0;
	(pc) =	sbr.rel @p0 .LBB2_2-.Ltmp0, $4  }
0x1d: {  	[tilespmem:s14+$0xA130] =	vst v0  }
0x1e: {  	[tilespmem:s14+$0xA140] =	vst v0  }
0x1f: {  	[tilespmem:s14+$0xA150] =	vst v0  }
0x20: {  	[tilespmem:s14+$0xA160] =	vst v0;
	s14 =	sshra.s32 s15, $0x2;
	s15 =	sadd.s32 $0x200, s15  }
0x21: {  	[tilespmem:s14+$0xA170] =	vst v0  }
0x22: {  	[tilespmem:s14+$0xA100] =	vst v0  }
0x23: {  	[tilespmem:s14+$0xA110] =	vst v0  }
0x24: {  	[tilespmem:s14+$0xA120] =	vst v0  }
0x25: {  	[tilespmem:s14+$0xA130] =	vst v0  }
0x26: {  	[tilespmem:s14+$0xA140] =	vst v0  }
0x27: {  	[tilespmem:s14+$0xA150] =	vst v0  }
0x28: {  	[tilespmem:s14+$0xA160] =	vst v0  }
0x29: {  	[spmem:s6] =	stream.linear.scatter [tilespmem:s30], [sflag:$0x1], $0x1000, $0x38;
	[tilespmem:$0x1F100] =	vst v63  }
0x2a: {  	s16 =	rddreg [dreg:$0x6]  }
0x2b: {  	[spmem:s16] =	stream.linear.scatter [tilespmem:s30], [sflag:$0x1], $0x1000, $0x38;
	[tilespmem:$0x1F100] =	vst v63  }
0x2c: {  	s17 =	rddreg [dreg:$0x7]  }
0x2d: {  	[spmem:s17] =	stream.linear.scatter [tilespmem:s30], [sflag:$0x1], $0x1000, $0x38;
	[tilespmem:$0x1F100] =	vst v63  }
0x2e: {  	s15 =	rddreg [dreg:$0x8]  }
0x2f: {  	[spmem:s15] =	stream.linear.scatter [tilespmem:s30], [sflag:$0x1], $0x1000, $0x38;
	[tilespmem:$0x1F100] =	vst v63  }
0x30: {  	s16 =	rddreg [dreg:$0x9]  }
0x31: {  	[spmem:s16] =	stream.linear.scatter [tilespmem:s30], [sflag:$0x1], $0x1000, $0x38;
	[tilespmem:$0x1F100] =	vst v63  }
0x32: {  	s17 =	rddreg [dreg:$0xa]  }
0x33: {  	[spmem:s17] =	stream.linear.scatter [tilespmem:s30], [sflag:$0x1], $0x1000, $0x38;
	[tilespmem:$0x1F100] =	vst v63  }
0x34: {  	s15 =	rddreg [dreg:$0xb]  }
0x35: {  	[spmem:s15] =	stream.linear.scatter [tilespmem:s30], [sflag:$0x1], $0x1000, $0x38;
	[tilespmem:$0x1F100] =	vst v63  }
0x36: {  	s16 =	rddreg [dreg:$0xc]  }
0x37: {  	[spmem:s16] =	stream.linear.scatter [tilespmem:s30], [sflag:$0x1], $0x1000, $0x38;
	[tilespmem:$0x1F100] =	vst v63  }
0x38: {  	s17 =	rddreg [dreg:$0xd]  }
0x39: {  	[spmem:s17] =	stream.linear.scatter [tilespmem:s30], [sflag:$0x1], $0x1000, $0x38;
	[tilespmem:$0x1F100] =	vst v63  }
0x3a: {  	_ = 	snop  }
0x3b: {  	[spmem:s18] =	stream.linear.scatter [tilespmem:s30], [sflag:$0x1], $0x1000, $0x38;
	[tilespmem:$0x1F100] =	vst v63  }
0x3c: {  	_ = 	snop  }
0x3d: {  	[spmem:s19] =	stream.linear.scatter [tilespmem:s30], [sflag:$0x1], $0x1000, $0x38;
	[tilespmem:$0x1F100] =	vst v63  }
0x3e: {  	_ = 	snop  }
0x3f: {  	[spmem:s20] =	stream.linear.scatter [tilespmem:s30], [sflag:$0x1], $0x1000, $0x38;
	[tilespmem:$0x1F100] =	vst v63  }
0x40: {  	_ = 	snop  }
0x41: {  	[spmem:s21] =	stream.linear.scatter [tilespmem:s30], [sflag:$0x1], $0x1000, $0x38;
	[tilespmem:$0x1F100] =	vst v63  }
0x42: {  	_ = 	snop  }
0x43: {  	[spmem:s22] =	stream.linear.scatter [tilespmem:s30], [sflag:$0x1], $0x1000, $0x38;
	[tilespmem:$0x1F100] =	vst v63  }
0x44: {  	_ = 	snop  }
0x45: {  	[spmem:s23] =	stream.linear.scatter [tilespmem:s30], [sflag:$0x1], $0x1000, $0x38;
	[tilespmem:$0x1F100] =	vst v63  }
0x46: {  	_ = 	snop  }
0x47: {  	[spmem:s24] =	stream.linear.scatter [tilespmem:s30], [sflag:$0x1], $0x1000, $0x38;
	[tilespmem:$0x1F100] =	vst v63  }
0x48: {  	_ = 	snop  }
0x49: {  	[spmem:s25] =	stream.linear.scatter [tilespmem:s30], [sflag:$0x1], $0x1000, $0x38;
	[tilespmem:$0x1F100] =	vst v63  }
0x4a: {  	_ = 	snop  }
0x4b: {  	[spmem:s26] =	stream.linear.scatter [tilespmem:s30], [sflag:$0x1], $0x1000, $0x38;
	[tilespmem:$0x1F100] =	vst v63  }
0x4c: {  	_ = 	snop  }
0x4d: {  	[spmem:s28] =	stream.linear.scatter [tilespmem:s30], [sflag:$0x1], $0x1000, $0x38;
	[tilespmem:$0x1F100] =	vst v63  }
0x4e: {  	_ = 	snop  }
0x4f: {  	[spmem:s29] =	stream.linear.scatter [tilespmem:s30], [sflag:$0x1], $0x1000, $0x38;
	[tilespmem:$0x1F100] =	vst v63  }
0x50: {  	s15 =	rddreg [dreg:$0x3];
	s16 =	simm.s32 $0x0  }
0x51: {  	[tilespmem:s16], [sflag:$0x3] =	stream.linear.gather [hbm4b:s15+s16], $0x2710, $0x38;
	[tilespmem:$0x1F100] =	vst v63  }
0x52: {  	_ =	swait.ge [sflag:s31], $0x2710  }
0x53: {  	[sflag:s31] =	ssyncset.done $0x0  }
0x54: {  	s17 =	simm.s32 $0x2780;
	[sflag:s31] =	ssyncadd.s32 $0xFFFFD8F0  }
0x55: {  	[tilespmem:s17], [sflag:$0x3] =	stream.linear.gather [hbm4b:s5+s16], $0x2710, $0x38;
	[tilespmem:$0x1F100] =	vst v63  }
0x56: {  	_ =	swait.ge [sflag:s31], $0x2710  }
0x57: {  	[sflag:s31] =	ssyncset.done $0x0  }
0x58: {  	[sflag:s31] =	ssyncadd.s32 $0xFFFFD8F0  }
0x59: {  	_ =	swait.ge [sflag:s0], $0x1000  }
0x5a: {  	[sflag:s0] =	ssyncset.done $0x0  }
0x5b: {  	[sflag:s0] =	ssyncadd.s32 $0xFFFFF000  }
0x5c: {  	_ =	swait.ge [sflag:s0], $0x1000  }
0x5d: {  	[sflag:s0] =	ssyncset.done $0x0  }
0x5e: {  	[sflag:s0] =	ssyncadd.s32 $0xFFFFF000  }
0x5f: {  	_ =	swait.ge [sflag:s0], $0x1000  }
0x60: {  	[sflag:s0] =	ssyncset.done $0x0  }
0x61: {  	[sflag:s0] =	ssyncadd.s32 $0xFFFFF000  }
0x62: {  	_ =	swait.ge [sflag:s0], $0x1000  }
0x63: {  	[sflag:s0] =	ssyncset.done $0x0  }
0x64: {  	[sflag:s0] =	ssyncadd.s32 $0xFFFFF000  }
0x65: {  	_ =	swait.ge [sflag:s0], $0x1000  }
0x66: {  	[sflag:s0] =	ssyncset.done $0x0  }
0x67: {  	[sflag:s0] =	ssyncadd.s32 $0xFFFFF000  }
0x68: {  	_ =	swait.ge [sflag:s0], $0x1000  }
0x69: {  	[sflag:s0] =	ssyncset.done $0x0  }
0x6a: {  	[sflag:s0] =	ssyncadd.s32 $0xFFFFF000  }
0x6b: {  	_ =	swait.ge [sflag:s0], $0x1000  }
0x6c: {  	[sflag:s0] =	ssyncset.done $0x0  }
0x6d: {  	[sflag:s0] =	ssyncadd.s32 $0xFFFFF000  }
0x6e: {  	_ =	swait.ge [sflag:s0], $0x1000  }
0x6f: {  	[sflag:s0] =	ssyncset.done $0x0  }
0x70: {  	[sflag:s0] =	ssyncadd.s32 $0xFFFFF000  }
0x71: {  	_ =	swait.ge [sflag:s0], $0x1000  }
0x72: {  	[sflag:s0] =	ssyncset.done $0x0  }
0x73: {  	[sflag:s0] =	ssyncadd.s32 $0xFFFFF000  }
0x74: {  	_ =	swait.ge [sflag:s0], $0x1000  }
0x75: {  	[sflag:s0] =	ssyncset.done $0x0  }
0x76: {  	[sflag:s0] =	ssyncadd.s32 $0xFFFFF000  }
0x77: {  	_ =	swait.ge [sflag:s0], $0x1000  }
0x78: {  	[sflag:s0] =	ssyncset.done $0x0  }
0x79: {  	[sflag:s0] =	ssyncadd.s32 $0xFFFFF000  }
0x7a: {  	_ =	swait.ge [sflag:s0], $0x1000  }
0x7b: {  	[sflag:s0] =	ssyncset.done $0x0  }
0x7c: {  	[sflag:s0] =	ssyncadd.s32 $0xFFFFF000  }
0x7d: {  	_ =	swait.ge [sflag:s0], $0x1000  }
0x7e: {  	[sflag:s0] =	ssyncset.done $0x0  }
0x7f: {  	[sflag:s0] =	ssyncadd.s32 $0xFFFFF000  }
0x80: {  	_ =	swait.ge [sflag:s0], $0x1000  }
0x81: {  	[sflag:s0] =	ssyncset.done $0x0  }
0x82: {  	[sflag:s0] =	ssyncadd.s32 $0xFFFFF000  }
0x83: {  	_ =	swait.ge [sflag:s0], $0x1000  }
0x84: {  	[sflag:s0] =	ssyncset.done $0x0  }
0x85: {  	[sflag:s0] =	ssyncadd.s32 $0xFFFFF000  }
0x86: {  	_ =	swait.ge [sflag:s0], $0x1000  }
0x87: {  	[sflag:s0] =	ssyncset.done $0x0  }
0x88: {  	[sflag:s0] =	ssyncadd.s32 $0xFFFFF000  }
0x89: {  	_ =	swait.ge [sflag:s0], $0x1000  }
0x8a: {  	[sflag:s0] =	ssyncset.done $0x0  }
0x8b: {  	[sflag:s0] =	ssyncadd.s32 $0xFFFFF000  }
0x8c: {  	_ =	swait.ge [sflag:s0], $0x1000  }
0x8d: {  	[sflag:s0] =	ssyncset.done $0x0  }
0x8e: {  	[sflag:s0] =	ssyncadd.s32 $0xFFFFF000  }
0x8f: {  	_ =	swait.ge [sflag:s0], $0x1000  }
0x90: {  	[sflag:s0] =	ssyncset.done $0x0  }
0x91: {  	[sflag:s0] =	ssyncadd.s32 $0xFFFFF000  }
0x92: {  	_ =	swait.ge [sflag:s0], $0x1000  }
0x93: {  	[sflag:s0] =	ssyncset.done $0x0  }
0x94: {  	[sflag:s0] =	ssyncadd.s32 $0xFFFFF000  }
0x95: {  	[bflag:$0x0] =	sbarrier.arrive $0xFFFF  }
0x96: {  	v1 =	vld [tilespmem:$0x0]  }
0x97: {  	v2 =	vld [tilespmem:$0x2780]  }
0x98: {  	v3 =	vld [tilespmem:$0x10]  }
0x99: {  	v4 =	vld [tilespmem:$0x2790]  }
0x9a: {  	v5 =	vld [tilespmem:$0x20]  }
0x9b: {  	v62 =	vld [tilespmem:$0x40];
	[tilespmem:$0x4F00] =	vst v1  }
0x9c: {  	v63 =	vld [tilespmem:$0x27C0];
	[tilespmem:$0x5000] =	vst v2  }
0x9d: {  	v1 =	vld [tilespmem:$0x27A0];
	[tilespmem:$0x4F10] =	vst v3  }
0x9e: {  	v2 =	vld [tilespmem:$0x30];
	[tilespmem:$0x5010] =	vst v4  }
0x9f: {  	v3 =	vld [tilespmem:$0x27B0];
	[tilespmem:$0x4F20] =	vst v5  }
0xa0: {  	[tilespmem:$0x4F40] =	vst v62  }
0xa1: {  	[tilespmem:$0x5040] =	vst v63  }
0xa2: {  	[tilespmem:$0x5020] =	vst v1  }
0xa3: {  	[tilespmem:$0x4F30] =	vst v2  }
0xa4: {  	s14 =	simm.s32 $0x70;
	[tilespmem:$0x5030] =	vst v3  }
0xa5: {  	[tilespmem:s8], [sflag:$0x1] =	stream.indirect.gather [hbm4b:s4+s1], $0x80, s7, s1, $0xb8;
	[tilespmem:$0x1F100] =	vst v63  }
0xa6: {  	v1 =	vld [tilespmem:s14+$0xFFFFFFE0];
	_ =	sdelay $0x4  }
0xa7: {  	s15 =	simm.s32 $0x27F0;
	[tilespmem:$0x4F80] =	vst v1  }
0xa8: {  	v1 =	vld [tilespmem:s15+$0xFFFFFFE0];
	_ =	sdelay $0x4  }
0xa9: {  	[tilespmem:$0x5080] =	vst v1  }
0xaa: {  	v1 =	vld [tilespmem:s14+$0xFFFFFFF0];
	_ =	sdelay $0x4  }
0xab: {  	[tilespmem:$0x4F90] =	vst v1  }
0xac: {  	v1 =	vld [tilespmem:s15+$0xFFFFFFF0];
	_ =	sdelay $0x4  }
0xad: {  	[tilespmem:$0x5090] =	vst v1  }
0xae: {  	v1 =	vld [tilespmem:s14+$0x0];
	_ =	sdelay $0x4  }
0xaf: {  	[tilespmem:$0x4FA0] =	vst v1  }
0xb0: {  	v1 =	vld [tilespmem:s15+$0x0];
	_ =	sdelay $0x4  }
0xb1: {  	s16 =	sand.u32 $0x3FE0, s16;
	[tilespmem:$0x50A0] =	vst v1  }
0xb2: {  	v1 =	vld [tilespmem:s16+$0x80];
	_ =	sdelay $0x4  }
0xb3: {  	[tilespmem:$0x4FB0] =	vst v1  }
0xb4: {  	v1 =	vld [tilespmem:s16+$0x2800];
	_ =	sdelay $0x4  }
0xb5: {  	[tilespmem:$0x50B0] =	vst v1  }
0xb6: {  	v1 =	vld [tilespmem:s14+$0x20];
	_ =	sdelay $0x4  }
0xb7: {  	[tilespmem:$0x4FC0] =	vst v1  }
0xb8: {  	v1 =	vld [tilespmem:s15+$0x20];
	_ =	sdelay $0x4  }
0xb9: {  	[tilespmem:$0x50C0] =	vst v1  }
0xba: {  	[tilespmem:s10], [sflag:$0x2] =	stream.indirect.gather [hbm4b:s4+s1], $0x80, s9, s1, $0xb8;
	[tilespmem:$0x1F100] =	vst v63  }
0xbb: {  	_ =	swait.ge [sflag:s0], $0x2800  }
0xbc: {  	[sflag:s0] =	ssyncset.done $0x0  }
0xbd: {  	[sflag:s0] =	ssyncadd.s32 $0xFFFFD800  }
0xbe: {  	[spmem:s2] =	stream.indirect.scatter.add.f32 [tilespmem:s8], [sflag:$0x3], $0x80, s11, s1, $0xb8;
	[tilespmem:$0x1F100] =	vst v63  }
0xbf: {  	_ =	swait.ge [sflag:s31], $0x2800  }
0xc0: {  	[sflag:s31] =	ssyncset.done $0x0  }
0xc1: {  	[sflag:s31] =	ssyncadd.s32 $0xFFFFD800  }
0xc2: {  	v1 =	vld [tilespmem:s14+$0x30];
	_ =	sdelay $0x4  }
0xc3: {  	[tilespmem:$0x4F00] =	vst v1  }
0xc4: {  	v1 =	vld [tilespmem:s15+$0x30];
	_ =	sdelay $0x4  }
0xc5: {  	[tilespmem:$0x5000] =	vst v1  }
0xc6: {  	v1 =	vld [tilespmem:s14+$0x40];
	_ =	sdelay $0x4  }
0xc7: {  	[tilespmem:$0x4F10] =	vst v1  }
0xc8: {  	v1 =	vld [tilespmem:s15+$0x40];
	_ =	sdelay $0x4  }
0xc9: {  	[tilespmem:$0x5010] =	vst v1  }
0xca: {  	v1 =	vld [tilespmem:s14+$0x50];
	_ =	sdelay $0x4  }
0xcb: {  	[tilespmem:$0x4F20] =	vst v1  }
0xcc: {  	v1 =	vld [tilespmem:s15+$0x50];
	_ =	sdelay $0x4  }
0xcd: {  	[tilespmem:$0x5020] =	vst v1  }
0xce: {  	v1 =	vld [tilespmem:s14+$0x60];
	_ =	sdelay $0x4  }
0xcf: {  	[tilespmem:$0x4F30] =	vst v1  }
0xd0: {  	v1 =	vld [tilespmem:s15+$0x60];
	_ =	sdelay $0x4  }
0xd1: {  	[tilespmem:$0x5030] =	vst v1  }
0xd2: {  	v1 =	vld [tilespmem:s14+$0x70];
	_ =	sdelay $0x4  }
0xd3: {  	[tilespmem:$0x4F40] =	vst v1  }
0xd4: {  	v1 =	vld [tilespmem:s15+$0x70];
	_ =	sdelay $0x4  }
0xd5: {  	[tilespmem:$0x5040] =	vst v1  }
0xd6: {  	[tilespmem:s8], [sflag:$0x1] =	stream.indirect.gather [hbm4b:s4+s1], $0x80, s7, s1, $0xb8;
	[tilespmem:$0x1F100] =	vst v63  }
0xd7: {  	_ =	swait.ge [sflag:s12], $0x2800  }
0xd8: {  	[sflag:s12] =	ssyncset.done $0x0  }
0xd9: {  	[sflag:s12] =	ssyncadd.s32 $0xFFFFD800  }
0xda: {  	[spmem:s2] =	stream.indirect.scatter.add.f32 [tilespmem:s10], [sflag:$0x3], $0x80, s13, s1, $0xb8;
	[tilespmem:$0x1F100] =	vst v63  }
0xdb: {  	_ =	swait.ge [sflag:s31], $0x2800  }
0xdc: {  	s16 =	simm.s32 $0xA0;
	[sflag:s31] =	ssyncset.done $0x0  }
.LBB2_4:
0xdd: {  	[sflag:s31] =	ssyncadd.s32 $0xFFFFD800;
	s15 =	sadd.s32 $0xA0, s15;
	s14 =	sadd.s32 $0xA0, s14  }
0xde: {  	p0 =	sne.s32 s16, $0x2620;
	s17 =	smov.u32 s16;
	s16 =	sadd.s32 $0xA0, s16;
	v1 =	vld [tilespmem:s14+$0xFFFFFFE0]  }
0xdf: {  	_ =	sdelay $0x3  }
0xe0: {  	[tilespmem:$0x4F80] =	vst v1  }
0xe1: {  	v1 =	vld [tilespmem:s15+$0xFFFFFFE0];
	_ =	sdelay $0x4  }
0xe2: {  	[tilespmem:$0x5080] =	vst v1  }
0xe3: {  	v1 =	vld [tilespmem:s14+$0xFFFFFFF0];
	_ =	sdelay $0x4  }
0xe4: {  	[tilespmem:$0x4F90] =	vst v1  }
0xe5: {  	v1 =	vld [tilespmem:s15+$0xFFFFFFF0];
	_ =	sdelay $0x4  }
0xe6: {  	[tilespmem:$0x5090] =	vst v1  }
0xe7: {  	v1 =	vld [tilespmem:s14+$0x0];
	_ =	sdelay $0x4  }
0xe8: {  	[tilespmem:$0x4FA0] =	vst v1  }
0xe9: {  	v1 =	vld [tilespmem:s15+$0x0];
	_ =	sdelay $0x4  }
0xea: {  	s17 =	sand.u32 $0x3FE0, s17;
	[tilespmem:$0x50A0] =	vst v1  }
0xeb: {  	v1 =	vld [tilespmem:s17+$0x80];
	_ =	sdelay $0x4  }
0xec: {  	[tilespmem:$0x4FB0] =	vst v1  }
0xed: {  	v1 =	vld [tilespmem:s17+$0x2800];
	_ =	sdelay $0x4  }
0xee: {  	[tilespmem:$0x50B0] =	vst v1  }
0xef: {  	v1 =	vld [tilespmem:s14+$0x20];
	_ =	sdelay $0x4  }
0xf0: {  	[tilespmem:$0x4FC0] =	vst v1  }
0xf1: {  	v1 =	vld [tilespmem:s15+$0x20];
	_ =	sdelay $0x4  }
0xf2: {  	[tilespmem:$0x50C0] =	vst v1  }
0xf3: {  	[tilespmem:s10], [sflag:$0x2] =	stream.indirect.gather [hbm4b:s4+s1], $0x80, s9, s1, $0xb8;
	[tilespmem:$0x1F100] =	vst v63  }
0xf4: {  	_ =	swait.ge [sflag:s0], $0x2800  }
0xf5: {  	[sflag:s0] =	ssyncset.done $0x0  }
0xf6: {  	[sflag:s0] =	ssyncadd.s32 $0xFFFFD800  }
0xf7: {  	[spmem:s2] =	stream.indirect.scatter.add.f32 [tilespmem:s8], [sflag:$0x3], $0x80, s11, s1, $0xb8;
	[tilespmem:$0x1F100] =	vst v63  }
0xf8: {  	_ =	swait.ge [sflag:s31], $0x2800  }
0xf9: {  	[sflag:s31] =	ssyncset.done $0x0  }
0xfa: {  	[sflag:s31] =	ssyncadd.s32 $0xFFFFD800  }
0xfb: {  	v1 =	vld [tilespmem:s14+$0x30];
	_ =	sdelay $0x4  }
0xfc: {  	[tilespmem:$0x4F00] =	vst v1  }
0xfd: {  	v1 =	vld [tilespmem:s15+$0x30];
	_ =	sdelay $0x4  }
0xfe: {  	[tilespmem:$0x5000] =	vst v1  }
0xff: {  	v1 =	vld [tilespmem:s14+$0x40];
	_ =	sdelay $0x4  }
0x100: {  	[tilespmem:$0x4F10] =	vst v1  }
0x101: {  	v1 =	vld [tilespmem:s15+$0x40];
	_ =	sdelay $0x4  }
0x102: {  	[tilespmem:$0x5010] =	vst v1  }
0x103: {  	v1 =	vld [tilespmem:s14+$0x50];
	_ =	sdelay $0x4  }
0x104: {  	[tilespmem:$0x4F20] =	vst v1  }
0x105: {  	v1 =	vld [tilespmem:s15+$0x50];
	_ =	sdelay $0x4  }
0x106: {  	[tilespmem:$0x5020] =	vst v1  }
0x107: {  	v1 =	vld [tilespmem:s14+$0x60];
	_ =	sdelay $0x4  }
0x108: {  	[tilespmem:$0x4F30] =	vst v1  }
0x109: {  	v1 =	vld [tilespmem:s15+$0x60];
	_ =	sdelay $0x4  }
0x10a: {  	[tilespmem:$0x5030] =	vst v1  }
0x10b: {  	v1 =	vld [tilespmem:s14+$0x70];
	_ =	sdelay $0x4  }
0x10c: {  	[tilespmem:$0x4F40] =	vst v1  }
0x10d: {  	v1 =	vld [tilespmem:s15+$0x70];
	_ =	sdelay $0x4  }
0x10e: {  	[tilespmem:$0x5040] =	vst v1  }
0x10f: {  	[tilespmem:s8], [sflag:$0x1] =	stream.indirect.gather [hbm4b:s4+s1], $0x80, s7, s1, $0xb8;
	[tilespmem:$0x1F100] =	vst v63  }
0x110: {  	_ =	swait.ge [sflag:s12], $0x2800  }
.Ltmp1:
0x111: {  	[sflag:s12] =	ssyncset.done $0x0;
	(pc) =	sbr.rel @p0 .LBB2_4-.Ltmp1, $4  }
0x112: {  	[sflag:s12] =	ssyncadd.s32 $0xFFFFD800  }
0x113: {  	[spmem:s2] =	stream.indirect.scatter.add.f32 [tilespmem:s10], [sflag:$0x3], $0x80, s13, s1, $0xb8;
	[tilespmem:$0x1F100] =	vst v63  }
0x114: {  	_ =	swait.ge [sflag:s31], $0x2800  }
0x115: {  	[sflag:s31] =	ssyncset.done $0x0  }
0x116: {  	[sflag:s31] =	ssyncadd.s32 $0xFFFFD800  }
0x117: {  	_ =	swait.ge [sflag:s0], $0x2800  }
0x118: {  	[sflag:s0] =	ssyncset.done $0x0  }
0x119: {  	[sflag:s0] =	ssyncadd.s32 $0xFFFFD800  }
0x11a: {  	[spmem:s2] =	stream.indirect.scatter.add.f32 [tilespmem:s8], [sflag:$0x3], $0x80, s11, s1, $0xb8;
	[tilespmem:$0x1F100] =	vst v63  }
0x11b: {  	_ =	swait.ge [sflag:s31], $0x2800  }
0x11c: {  	[sflag:s31] =	ssyncset.done $0x0  }
0x11d: {  	s14 =	stileid.u32;
	[sflag:s31] =	ssyncadd.s32 $0xFFFFD800  }
0x11e: {  	s14 =	sshll.u32 s14, $0x6;
	[bflag:$0x0] =	sbarrier.arrive $0xFFFF  }
0x11f: {  	s15 =	sshrl.u32 s6, $0x3;
	s14 =	sor.u32 $0x1C03, s14;
	s16 =	rddreg [dreg:$0x4]  }
0x120: {  	[hbm:s16], [sflag:s14] =	dma.local [spmem:s15], $0x2800  }
0x121: {  	_ =	swait.ge [sflag:s31], $0x2800  }
0x122: {  	s3 =	sadd.s32 $0x1, s3;
	s17 =	rddreg [dreg:$0x5]  }
0x123: {  	p0 =	sne.s32 s3, s17  }
.Ltmp2:
0x124: {  	_ = 	snop;
	(pc) =	sbr.rel @p0 .LBB2_1-.Ltmp2, $3  }
0x125: {  	_ =	sdelay $0x1  }
0x126: {  	[sflag:s31] =	ssyncset.done $0x0  }
0x127: {  	[sflag:s31] =	ssyncadd.s32 $0xFFFFD800  }
0x128: {  	_ =	sfence.sel $0x180000  }
0x129: {  	[bflag:$0x0] =	sbarrier.arrive $0xFFFF  }
0x12a: {  	_ =	strace $0x9000004D  }
0x12b: {  	s0 =	stileid.u32;
	[bflag:$0x2] =	sbarrier.arrive $0xFFFF  }
0x12c: {  	p0 =	sne.s32 s0, $0x0;
	s0 =	rddreg [dreg:$0x2]  }
0x12d: {  	s0 =	sadd.s32 @!p0 $0x100000, s0  }
0x12e: {  	[sflag:s0] =	ssyncadd.tile.s32 @!p0 $0x1;
	_ =	shalt  }
.Lfunc_end2:
_tile_overlayer_lowered:
.L_overlay_start_2:
0x12f: {  	(tag) =	ssettag $0x2  }
0x130: {  	s0 =	rddreg [dreg:$0x0];
	s2 =	stileid.u32  }
0x131: {  	s1 =	rddreg [dreg:$0x1];
	p0 =	sne.s32 s2, $0x0  }
0x132: {  	s3 =	rddreg [dreg:$0x2];
	[bflag:$0x3] =	sbarrier.arrive $0xFFFF;
	s2 =	simm.s32 @!p0 $0x1C03  }
0x133: {  	[timem:s3], [sflag:s2] =	dma.local @!p0 [hbm:s0], s1  }
0x134: {  	s0 =	simm.s32 @!p0 $0x3  }
0x135: {  	_ =	swait.ge @!p0 [sflag:s0], s1  }
0x136: {  	s1 =	ssub.s32 @!p0 $0x0, s1;
	[sflag:s0] =	ssyncset.done @!p0 $0x0  }
0x137: {  	[sflag:s0] =	ssyncadd.s32 @!p0 s1  }
0x138: {  	[bflag:$0x3] =	sbarrier.arrive $0xFFFF  }
0x139: {  	_ =	shalt  }

// kernel: kernel.5.cloned.1.call-start
scs
__scs_entry_jumppad:
0x0: {  	(pc) =	sbr.rel $0x88, $3  }
0x1: {  	(tag) =	ssettag $0x0;
	lr =	simm.s32 $0x1  }
0x2: {  	[smem:$0x3F8D] =	sst lr;
	_ =	strace $0xD0000000  }
0x3: {  	_ = 	snop  }
0x4: {  	_ = 	snop  }
0x5: {  	_ = 	snop  }
0x6: {  	_ = 	snop  }
0x7: {  	_ = 	snop  }
__scs_overlays_trampoline_lowered:
0x8: {  	[smem:$0x3F9C] =	sst s0  }
0x9: {  	[smem:$0x3F9D] =	sst s1  }
0xa: {  	[smem:$0x3F9E] =	sst s2  }
0xb: {  	[smem:$0x3F9F] =	sst s3  }
0xc: {  	[smem:$0x3FA0] =	sst s4  }
0xd: {  	[smem:$0x3FA1] =	sst s5  }
0xe: {  	[smem:$0x3FA2] =	sst s6  }
0xf: {  	[smem:$0x3FA3] =	sst s7  }
0x10: {  	[smem:$0x3FA4] =	sst s8  }
0x11: {  	[smem:$0x3FA5] =	sst s9;
	s0 =	simm.s32 @!p0 $0x0  }
0x12: {  	s1 =	sld [smem:$0x3F8B];
	s0 =	simm.s32 @p0 $0x1  }
0x13: {  	[smem:$0x3FA6] =	sst s0;
	s0 =	simm.s32 @!p1 $0x0  }
0x14: {  	s2 =	sld [smem:$0x3F8A];
	s0 =	simm.s32 @p1 $0x1  }
0x15: {  	[smem:$0x3FA7] =	sst s0;
	s0 =	simm.s32 @!p2 $0x0  }
0x16: {  	s3 =	sld [smem:$0x3FDB];
	s0 =	simm.s32 @p2 $0x1  }
0x17: {  	s4 =	simm.s32 $0x1BF5;
	[smem:$0x3FA9] =	sst s0  }
0x18: {  	s0 =	sld [smem:$0x3F8C];
	_ =	swait.ge [sflag:s4], $0x0  }
0x19: {  	s7 =	sld [smem:$0x3F8D]  }
0x1a: {  	s8 =	sadd.s32 $0xFFFFE003, lr  }
0x1b: {  	s9 =	sadd.s32 $0xFFFFFEF7, lr;
	s5 =	simm.s32 $0xFFFFFFFF;
	p2 =	slt.u32 s8, $0xFFFFF086  }
0x1c: {  	p1 =	slt.u32 s9, $0xF7A;
	s5 =	simm.s32 @!p2 $0x0  }
0x1d: {  	s5 =	simm.s32 @p1 $0x1;
	p0 =	seq.s32 s7, s2  }
0x1e: {  	s7 =	smul.u32 @!p0 $0xF7A, s2;
	p2 =	seq.s32 @!p0 s5, $0x0  }
0x1f: {  	s9 =	smul.u32 $0xF7A, s1;
	s8 =	simm.s32 @!p0 $0x1BF5;
	p2 =	por !p2, p0  }
0x20: {  	[sflag:s8] =	ssyncset.s32 @!p0 $0xFFFFF086;
	s6 =	sadd.s32 @!p0 s3, s7;
	s7 =	simm.s32 @!p0 $0x108  }
0x21: {  	s3 =	sadd.s32 s3, s9;
	s6 =	sadd.s32 @!p0 $0x88, s6;
	s7 =	simm.s32 @p2 $0x1082  }
0x22: {  	[simem:s7], [sflag:s8] =	dma.local @!p0 [hbm:s6], $0xF7A  }
0x23: {  	s9 =	sor.u32 $0xD0000000, s2;
	s6 =	simm.s32 $0x108;
	_ =	swait.ge @!p0 [sflag:s8], $0x0  }
0x24: {  	s3 =	sadd.s32 $0x88, s3;
	s6 =	simm.s32 @!p1 $0x1082;
	[sflag:s4] =	ssyncset.s32 $0xFFFFF086  }
0x25: {  	[simem:s6], [sflag:s4] =	dma.local [hbm:s3], $0xF7A  }
0x26: {  	[smem:$0x3F8D] =	sst s1;
	(tag) =	ssettag s2;
	_ =	strace s9  }
0x27: {  	s1 =	sld [smem:$0x3F9D]  }
0x28: {  	s2 =	sld [smem:$0x3F9E]  }
0x29: {  	s4 =	sld [smem:$0x3FA0]  }
0x2a: {  	p0 =	seq.s32 s5, $0x0;
	s5 =	sld [smem:$0x3FA1]  }
0x2b: {  	s6 =	sld [smem:$0x3FA2]  }
0x2c: {  	s7 =	sld [smem:$0x3FA3]  }
0x2d: {  	s3 =	simm.s32 $0x108;
	s8 =	sld [smem:$0x3FA4]  }
0x2e: {  	s3 =	simm.s32 @!p0 $0x1082;
	s9 =	sld [smem:$0x3FA5]  }
0x2f: {  	lr =	sadd.s32 s0, s3;
	s0 =	sld [smem:$0x3F9C]  }
0x30: {  	s3 =	sld [smem:$0x3F9F]  }
0x31: {  	[smem:$0x3FA8] =	sst s10  }
0x32: {  	s10 =	sld [smem:$0x3FA6];
	_ =	sdelay $0x3  }
0x33: {  	p0 =	seq.s32 s10, $0x1;
	s10 =	sld [smem:$0x3FA8];
	_ =	sdelay $0x3  }
0x34: {  	[smem:$0x3FA8] =	sst s10  }
0x35: {  	s10 =	sld [smem:$0x3FA7];
	_ =	sdelay $0x3  }
0x36: {  	p1 =	seq.s32 s10, $0x1;
	s10 =	sld [smem:$0x3FA8];
	_ =	sdelay $0x3  }
0x37: {  	[smem:$0x3FA8] =	sst s10  }
0x38: {  	s10 =	sld [smem:$0x3FA9]  }
0x39: {  	_ = 	snop;
	(pc) =	sbr.ind lr, $3  }
0x3a: {  	_ = 	snop  }
0x3b: {  	_ = 	snop  }
0x3c: {  	p2 =	seq.s32 s10, $0x1;
	s10 =	sld [smem:$0x3FA8]  }
0x3d: {  	_ =	shalt  }
0x3e: {  	_ =	shalt  }
0x3f: {  	_ =	shalt  }
0x40: {  	_ =	shalt  }
0x41: {  	_ =	shalt  }
0x42: {  	_ =	shalt  }
0x43: {  	_ =	shalt  }
0x44: {  	_ =	shalt  }
0x45: {  	_ =	shalt  }
0x46: {  	_ =	shalt  }
0x47: {  	_ =	shalt  }
0x48: {  	_ =	shalt  }
0x49: {  	_ =	shalt  }
0x4a: {  	_ =	shalt  }
0x4b: {  	_ =	shalt  }
0x4c: {  	_ =	shalt  }
0x4d: {  	_ =	shalt  }
0x4e: {  	_ =	shalt  }
0x4f: {  	_ =	shalt  }
0x50: {  	_ =	shalt  }
0x51: {  	_ =	shalt  }
0x52: {  	_ =	shalt  }
0x53: {  	_ =	shalt  }
0x54: {  	_ =	shalt  }
0x55: {  	_ =	shalt  }
0x56: {  	_ =	shalt  }
0x57: {  	_ =	shalt  }
0x58: {  	_ =	shalt  }
0x59: {  	_ =	shalt  }
0x5a: {  	_ =	shalt  }
0x5b: {  	_ =	shalt  }
0x5c: {  	_ =	shalt  }
0x5d: {  	_ =	shalt  }
0x5e: {  	_ =	shalt  }
0x5f: {  	_ =	shalt  }
0x60: {  	_ =	shalt  }
0x61: {  	_ =	shalt  }
0x62: {  	_ =	shalt  }
0x63: {  	_ =	shalt  }
0x64: {  	_ =	shalt  }
0x65: {  	_ =	shalt  }
0x66: {  	_ =	shalt  }
0x67: {  	_ =	shalt  }
0x68: {  	_ =	shalt  }
0x69: {  	_ =	shalt  }
0x6a: {  	_ =	shalt  }
0x6b: {  	_ =	shalt  }
0x6c: {  	_ =	shalt  }
0x6d: {  	_ =	shalt  }
0x6e: {  	_ =	shalt  }
0x6f: {  	_ =	shalt  }
0x70: {  	_ =	shalt  }
0x71: {  	_ =	shalt  }
0x72: {  	_ =	shalt  }
0x73: {  	_ =	shalt  }
0x74: {  	_ =	shalt  }
0x75: {  	_ =	shalt  }
0x76: {  	_ =	shalt  }
0x77: {  	_ =	shalt  }
0x78: {  	_ =	shalt  }
0x79: {  	_ =	shalt  }
0x7a: {  	_ =	shalt  }
0x7b: {  	_ =	shalt  }
0x7c: {  	_ =	shalt  }
0x7d: {  	_ =	shalt  }
0x7e: {  	_ =	shalt  }
0x7f: {  	_ =	shalt  }
0x80: {  	_ =	shalt  }
0x81: {  	_ =	shalt  }
0x82: {  	_ =	shalt  }
0x83: {  	_ =	shalt  }
0x84: {  	_ =	shalt  }
0x85: {  	_ =	shalt  }
0x86: {  	_ =	shalt  }
0x87: {  	_ =	shalt  }
.Lfunc_end0:
.L_simem_size_0:
called_computation_lowered:
.L_overlay_start_0:
0x88: {  	s2 =	sld [smem:$0x3FD9]  }
0x89: {  	s3 =	sld [smem:$0x3FFE];
	_ =	sdelay $0x1  }
0x8a: {  	s1 =	srdreg.scid  }
0x8b: {  	s0 =	sand.u32 $0x1, s1  }
0x8c: {  	s16 =	sshll.u32 s0, $0xA;
	s2 =	sadd.s32 s3, s2  }
0x8d: {  	s2 =	sadd.s32 s2, s16  }
0x8e: {  	[smem:$0x3FB4] =	sst s2  }
0x8f: {  	_ = 	snop  }
0x90: {  	(tm) =	ssettm $0x1  }
0x91: {  	s17 =	sld [smem:$0x3FFB];
	_ =	sdelay $0x3  }
0x92: {  	_ =	strace s17  }
0x93: {  	s2 =	sld [smem:$0x3FFC];
	_ =	sdelay $0x3  }
0x94: {  	_ =	strace s2  }
0x95: {  	s2 =	sld [smem:$0x3FFD];
	_ =	sdelay $0x3  }
0x96: {  	_ =	strace s2  }
0x97: {  	_ =	strace $0x8FFFFFFF  }
0x98: {  	s18 =	sld [smem:$0x3FDB];
	_ =	sdelay $0x1  }
0x99: {  	s19 =	simm.s32 $_scs_section_size  }
0x9a: {  	s4 =	simm.s32 $_size__tile_overlayer_lowered;
	s5 =	simm.s32 $_tile_overlayer_lowered  }
0x9b: {  	s22 =	simm.s32 $0x1BFF;
	s21 =	sshll.u32 s5, $0x1;
	s2 =	sadd.s32 s19, s18  }
0x9c: {  	s6 =	simm.s32 $0x0;
	s20 =	sshll.u32 s4, $0x1;
	s4 =	sadd.s32 s21, s2  }
0x9d: {  	[timem:s6], [sflag:s22] =	dma.local [hbm:s4], s20  }
0x9e: {  	_ =	swait.ge [sflag:s22], s20  }
0x9f: {  	s3 =	ssub.s32 $0x0, s20;
	[sflag:s22] =	ssyncset.done $0x0  }
0xa0: {  	[sflag:s22] =	ssyncadd.s32 s3;
	_ =	sdelay $0x1  }
0xa1: {  	s23 =	simm.s32 $0x1B8B  }
0xa2: {  	_ =	swait.ge [sflag:s23], $0x1  }
0xa3: {  	[sflag:s23] =	ssyncset.done $0x0  }
0xa4: {  	s25 =	simm.s32 $0x1B8E;
	s24 =	sld [smem:$0x3FFE];
	[sflag:s23] =	ssyncadd.s32 $0xFFFFFFFF  }
0xa5: {  	s26 =	simm.s32 $execute0_lowered;
	[smem:$0x3FD2] =	sst s25  }
0xa6: {  	s4 =	sshll.u32 s26, $0x1;
	_ =	strace $0x80000046;
	[dreg:$0x1] =	wrdreg $0xFFFFFFFF  }
0xa7: {  	s28 =	simm.s32 $_size_execute0_lowered;
	s2 =	sadd.s32 s2, s4;
	[dreg:$0x0] =	wrdreg $0x0  }
0xa8: {  	s4 =	sshll.u32 s28, $0x1;
	[dreg:$0x2] =	wrdreg s2  }
0xa9: {  	[dreg:$0x3] =	wrdreg s4  }
0xaa: {  	[dreg:$0x4] =	wrdreg $0xC0  }
0xab: {  	_ =	task [dreg:s6], $0x5FFFF  }
0xac: {  	[dreg:$0x1] =	wrdreg $0xFFFFFFFF  }
0xad: {  	[dreg:$0x0] =	wrdreg $0x60  }
0xae: {  	[dreg:$0x2] =	wrdreg s24  }
0xaf: {  	[dreg:$0x3] =	wrdreg $0xB1000  }
0xb0: {  	[dreg:$0x4] =	wrdreg $0x9  }
0xb1: {  	_ =	task.clear_ibuf [dreg:s6], $0x5FFFF;
	_ =	strace $0x90000046  }
0xb2: {  	s29 =	simm.s32 $0x9;
	_ =	strace $0x80000048  }
0xb3: {  	_ =	swait.ge [sflag:s29], $0x1  }
0xb4: {  	[sflag:s29] =	ssyncadd.s32 $0xFFFFFFFF  }
0xb5: {  	_ =	strace $0x90000048  }
0xb6: {  	_ =	sfence  }
0xb7: {  	s30 =	sld [smem:$0x0];
	_ =	sdelay $0x2  }
0xb8: {  	s31 =	sshll.u32 s1, $0xD;
	s1 =	sshrl.u32 s1, $0x2  }
0xb9: {  	s3 =	sand.u32 $0x4000, s31;
	s1 =	sadd.s32 s1, s30  }
0xba: {  	s0 =	sor.u32 s3, s0;
	s1 =	sshll.u32 s1, $0x11  }
0xbb: {  	s0 =	sor.u32 s1, s0  }
0xbc: {  	s0 =	sadd.s32 $0x8F2B, s0  }
0xbd: {  	[sflag:s0] =	ssyncadd.remote.s32 $0x1  }
0xbe: {  	_ =	sfence.sel $0xFFFF  }
0xbf: {  	[dreg:$0x0] =	wrdreg $0xFFFFFFFF;
	(pc) =	sbr.abs _section_cstart, $3  }
0xc0: {  	[dreg:$0x1] =	wrdreg $0xFFFFFFFF  }
0xc1: {  	_ =	task.clear_ibuf [dreg:s6], $0x2FFFF;
	_ =	strace $0x9FFFFFFF  }
0xc2: {  	(tm) =	ssettm $0x7FFFFFFF  }
0xc3: {  	_ =	shalt  }
tec
execute0_lowered:
.L_overlay_start_1:
0x0: {  	(tag) =	ssettag $0x1  }
0x1: {  	s0 =	rddreg [dreg:$0x0];
	s1 =	srdreg.scid  }
0x2: {  	s2 =	rddreg [dreg:$0x1];
	s7 =	stileid.u32;
	s3 =	simm.s32 $0x0  }
0x3: {  	s30 =	simm.s32 $0xA100;
	s31 =	simm.s32 $0x3;
	s9 =	simm.s32 $0x4F80  }
0x4: {  	s10 =	simm.s32 $0x7900;
	s11 =	simm.s32 $0x5000;
	s5 =	smul.u32 $0x14000, s7  }
0x5: {  	s12 =	simm.s32 $0x2;
	s1 =	sand.u32 $0x1, s1;
	s14 =	smul.u32 $0x50000, s7  }
0x6: {  	[smem:$0x7FF] =	sst s3;
	s4 =	smul.u32 $0x140000, s1;
	s6 =	sshll.u32 s1, $0x4  }
0x7: {  	_ =	strace $0x80000047;
	s1 =	ssub.s32 $0x2, s1;
	s13 =	sor.u32 s7, s6  }
0x8: {  	s8 =	sshrl.u32 s1, $0x1;
	s6 =	sshrl.u32 s14, $0x2;
	s4 =	sadd.s32 s5, s4  }
0x9: {  	s5 =	smul.u32 $0x4E2, s13;
	s16 =	ssub.s32 s1, s8;
	s6 =	sadd.s32 s6, s2  }
0xa: {  	s1 =	simm.s32 $0x50;
	s8 =	simm.s32 $0x5100;
	s19 =	sadd.s32 $0x1000, s6  }
0xb: {  	s13 =	simm.s32 $0x5080;
	s20 =	sadd.s32 $0x2000, s6;
	[dreg:$0x6] =	wrdreg s19  }
0xc: {  	s15 =	sshrl.u32 s4, $0x3;
	s21 =	sadd.s32 $0x3000, s6;
	[dreg:$0x7] =	wrdreg s20  }
0xd: {  	s4 =	sadd.s32 $0x13C00, s0;
	s22 =	sadd.s32 $0x4000, s6;
	[dreg:$0x8] =	wrdreg s21  }
0xe: {  	s23 =	sadd.s32 $0x5000, s6;
	s24 =	sadd.s32 $0x6000, s6;
	[dreg:$0x9] =	wrdreg s22  }
0xf: {  	s25 =	sadd.s32 $0x7000, s6;
	s26 =	sadd.s32 $0x8000, s6;
	[dreg:$0xa] =	wrdreg s23  }
0x10: {  	s28 =	sadd.s32 $0x12000, s6;
	s29 =	sadd.s32 $0x13000, s6;
	[dreg:$0xb] =	wrdreg s24  }
0x11: {  	s7 =	sadd.s32 s15, s0;
	s5 =	sadd.s32 s0, s5;
	[dreg:$0xc] =	wrdreg s25  }
0x12: {  	s0 =	smax.u32 s16, $0x1;
	[dreg:$0xd] =	wrdreg s26;
	s19 =	sadd.s32 $0xA000, s6  }
0x13: {  	s20 =	sadd.s32 $0xB000, s6;
	s21 =	sadd.s32 $0xC000, s6;
	s22 =	sadd.s32 $0xD000, s6  }
0x14: {  	s23 =	sadd.s32 $0xE000, s6;
	s24 =	sadd.s32 $0xF000, s6;
	s25 =	sadd.s32 $0x10000, s6  }
0x15: {  	s26 =	sadd.s32 $0x11000, s6;
	s17 =	sadd.s32 $0x9E00, s5;
	[dreg:$0x5] =	wrdreg s0  }
0x16: {  	s18 =	sadd.s32 $0x3BC00, s7;
	s0 =	simm.s32 $0x1;
	[dreg:$0x3] =	wrdreg s17  }
0x17: {  	v0 =	vimm.f32 $0.0e+00;
	s7 =	simm.s32 $0x4F00;
	[dreg:$0x4] =	wrdreg s18;
	s18 =	sadd.s32 $0x9000, s6  }
.LBB2_1:
0x18: {  	s14 =	simm.s32 $0x0;
	s15 =	simm.s32 $0x200  }
.LBB2_2:
0x19: {  	p0 =	sne.s32 s15, $0x3E00;
	[tilespmem:s14+$0xA170] =	vst v0  }
0x1a: {  	[tilespmem:s14+$0xA100] =	vst v0  }
0x1b: {  	[tilespmem:s14+$0xA110] =	vst v0  }
.Ltmp0:
0x1c: {  	[tilespmem:s14+$0xA120] =	vst v0;
	(pc) =	sbr.rel @p0 .LBB2_2-.Ltmp0, $4  }
0x1d: {  	[tilespmem:s14+$0xA130] =	vst v0  }
0x1e: {  	[tilespmem:s14+$0xA140] =	vst v0  }
0x1f: {  	[tilespmem:s14+$0xA150] =	vst v0  }
0x20: {  	[tilespmem:s14+$0xA160] =	vst v0;
	s14 =	sshra.s32 s15, $0x2;
	s15 =	sadd.s32 $0x200, s15  }
0x21: {  	[tilespmem:s14+$0xA170] =	vst v0  }
0x22: {  	[tilespmem:s14+$0xA100] =	vst v0  }
0x23: {  	[tilespmem:s14+$0xA110] =	vst v0  }
0x24: {  	[tilespmem:s14+$0xA120] =	vst v0  }
0x25: {  	[tilespmem:s14+$0xA130] =	vst v0  }
0x26: {  	[tilespmem:s14+$0xA140] =	vst v0  }
0x27: {  	[tilespmem:s14+$0xA150] =	vst v0  }
0x28: {  	[tilespmem:s14+$0xA160] =	vst v0  }
0x29: {  	[spmem:s6] =	stream.linear.scatter [tilespmem:s30], [sflag:$0x1], $0x1000, $0x38;
	[tilespmem:$0x1F100] =	vst v63  }
0x2a: {  	s16 =	rddreg [dreg:$0x6]  }
0x2b: {  	[spmem:s16] =	stream.linear.scatter [tilespmem:s30], [sflag:$0x1], $0x1000, $0x38;
	[tilespmem:$0x1F100] =	vst v63  }
0x2c: {  	s17 =	rddreg [dreg:$0x7]  }
0x2d: {  	[spmem:s17] =	stream.linear.scatter [tilespmem:s30], [sflag:$0x1], $0x1000, $0x38;
	[tilespmem:$0x1F100] =	vst v63  }
0x2e: {  	s15 =	rddreg [dreg:$0x8]  }
0x2f: {  	[spmem:s15] =	stream.linear.scatter [tilespmem:s30], [sflag:$0x1], $0x1000, $0x38;
	[tilespmem:$0x1F100] =	vst v63  }
0x30: {  	s16 =	rddreg [dreg:$0x9]  }
0x31: {  	[spmem:s16] =	stream.linear.scatter [tilespmem:s30], [sflag:$0x1], $0x1000, $0x38;
	[tilespmem:$0x1F100] =	vst v63  }
0x32: {  	s17 =	rddreg [dreg:$0xa]  }
0x33: {  	[spmem:s17] =	stream.linear.scatter [tilespmem:s30], [sflag:$0x1], $0x1000, $0x38;
	[tilespmem:$0x1F100] =	vst v63  }
0x34: {  	s15 =	rddreg [dreg:$0xb]  }
0x35: {  	[spmem:s15] =	stream.linear.scatter [tilespmem:s30], [sflag:$0x1], $0x1000, $0x38;
	[tilespmem:$0x1F100] =	vst v63  }
0x36: {  	s16 =	rddreg [dreg:$0xc]  }
0x37: {  	[spmem:s16] =	stream.linear.scatter [tilespmem:s30], [sflag:$0x1], $0x1000, $0x38;
	[tilespmem:$0x1F100] =	vst v63  }
0x38: {  	s17 =	rddreg [dreg:$0xd]  }
0x39: {  	[spmem:s17] =	stream.linear.scatter [tilespmem:s30], [sflag:$0x1], $0x1000, $0x38;
	[tilespmem:$0x1F100] =	vst v63  }
0x3a: {  	_ = 	snop  }
0x3b: {  	[spmem:s18] =	stream.linear.scatter [tilespmem:s30], [sflag:$0x1], $0x1000, $0x38;
	[tilespmem:$0x1F100] =	vst v63  }
0x3c: {  	_ = 	snop  }
0x3d: {  	[spmem:s19] =	stream.linear.scatter [tilespmem:s30], [sflag:$0x1], $0x1000, $0x38;
	[tilespmem:$0x1F100] =	vst v63  }
0x3e: {  	_ = 	snop  }
0x3f: {  	[spmem:s20] =	stream.linear.scatter [tilespmem:s30], [sflag:$0x1], $0x1000, $0x38;
	[tilespmem:$0x1F100] =	vst v63  }
0x40: {  	_ = 	snop  }
0x41: {  	[spmem:s21] =	stream.linear.scatter [tilespmem:s30], [sflag:$0x1], $0x1000, $0x38;
	[tilespmem:$0x1F100] =	vst v63  }
0x42: {  	_ = 	snop  }
0x43: {  	[spmem:s22] =	stream.linear.scatter [tilespmem:s30], [sflag:$0x1], $0x1000, $0x38;
	[tilespmem:$0x1F100] =	vst v63  }
0x44: {  	_ = 	snop  }
0x45: {  	[spmem:s23] =	stream.linear.scatter [tilespmem:s30], [sflag:$0x1], $0x1000, $0x38;
	[tilespmem:$0x1F100] =	vst v63  }
0x46: {  	_ = 	snop  }
0x47: {  	[spmem:s24] =	stream.linear.scatter [tilespmem:s30], [sflag:$0x1], $0x1000, $0x38;
	[tilespmem:$0x1F100] =	vst v63  }
0x48: {  	_ = 	snop  }
0x49: {  	[spmem:s25] =	stream.linear.scatter [tilespmem:s30], [sflag:$0x1], $0x1000, $0x38;
	[tilespmem:$0x1F100] =	vst v63  }
0x4a: {  	_ = 	snop  }
0x4b: {  	[spmem:s26] =	stream.linear.scatter [tilespmem:s30], [sflag:$0x1], $0x1000, $0x38;
	[tilespmem:$0x1F100] =	vst v63  }
0x4c: {  	_ = 	snop  }
0x4d: {  	[spmem:s28] =	stream.linear.scatter [tilespmem:s30], [sflag:$0x1], $0x1000, $0x38;
	[tilespmem:$0x1F100] =	vst v63  }
0x4e: {  	_ = 	snop  }
0x4f: {  	[spmem:s29] =	stream.linear.scatter [tilespmem:s30], [sflag:$0x1], $0x1000, $0x38;
	[tilespmem:$0x1F100] =	vst v63  }
0x50: {  	s15 =	rddreg [dreg:$0x3];
	s16 =	simm.s32 $0x0  }
0x51: {  	[tilespmem:s16], [sflag:$0x3] =	stream.linear.gather [hbm4b:s15+s16], $0x2710, $0x38;
	[tilespmem:$0x1F100] =	vst v63  }
0x52: {  	_ =	swait.ge [sflag:s31], $0x2710  }
0x53: {  	[sflag:s31] =	ssyncset.done $0x0  }
0x54: {  	s17 =	simm.s32 $0x2780;
	[sflag:s31] =	ssyncadd.s32 $0xFFFFD8F0  }
0x55: {  	[tilespmem:s17], [sflag:$0x3] =	stream.linear.gather [hbm4b:s5+s16], $0x2710, $0x38;
	[tilespmem:$0x1F100] =	vst v63  }
0x56: {  	_ =	swait.ge [sflag:s31], $0x2710  }
0x57: {  	[sflag:s31] =	ssyncset.done $0x0  }
0x58: {  	[sflag:s31] =	ssyncadd.s32 $0xFFFFD8F0  }
0x59: {  	_ =	swait.ge [sflag:s0], $0x1000  }
0x5a: {  	[sflag:s0] =	ssyncset.done $0x0  }
0x5b: {  	[sflag:s0] =	ssyncadd.s32 $0xFFFFF000  }
0x5c: {  	_ =	swait.ge [sflag:s0], $0x1000  }
0x5d: {  	[sflag:s0] =	ssyncset.done $0x0  }
0x5e: {  	[sflag:s0] =	ssyncadd.s32 $0xFFFFF000  }
0x5f: {  	_ =	swait.ge [sflag:s0], $0x1000  }
0x60: {  	[sflag:s0] =	ssyncset.done $0x0  }
0x61: {  	[sflag:s0] =	ssyncadd.s32 $0xFFFFF000  }
0x62: {  	_ =	swait.ge [sflag:s0], $0x1000  }
0x63: {  	[sflag:s0] =	ssyncset.done $0x0  }
0x64: {  	[sflag:s0] =	ssyncadd.s32 $0xFFFFF000  }
0x65: {  	_ =	swait.ge [sflag:s0], $0x1000  }
0x66: {  	[sflag:s0] =	ssyncset.done $0x0  }
0x67: {  	[sflag:s0] =	ssyncadd.s32 $0xFFFFF000  }
0x68: {  	_ =	swait.ge [sflag:s0], $0x1000  }
0x69: {  	[sflag:s0] =	ssyncset.done $0x0  }
0x6a: {  	[sflag:s0] =	ssyncadd.s32 $0xFFFFF000  }
0x6b: {  	_ =	swait.ge [sflag:s0], $0x1000  }
0x6c: {  	[sflag:s0] =	ssyncset.done $0x0  }
0x6d: {  	[sflag:s0] =	ssyncadd.s32 $0xFFFFF000  }
0x6e: {  	_ =	swait.ge [sflag:s0], $0x1000  }
0x6f: {  	[sflag:s0] =	ssyncset.done $0x0  }
0x70: {  	[sflag:s0] =	ssyncadd.s32 $0xFFFFF000  }
0x71: {  	_ =	swait.ge [sflag:s0], $0x1000  }
0x72: {  	[sflag:s0] =	ssyncset.done $0x0  }
0x73: {  	[sflag:s0] =	ssyncadd.s32 $0xFFFFF000  }
0x74: {  	_ =	swait.ge [sflag:s0], $0x1000  }
0x75: {  	[sflag:s0] =	ssyncset.done $0x0  }
0x76: {  	[sflag:s0] =	ssyncadd.s32 $0xFFFFF000  }
0x77: {  	_ =	swait.ge [sflag:s0], $0x1000  }
0x78: {  	[sflag:s0] =	ssyncset.done $0x0  }
0x79: {  	[sflag:s0] =	ssyncadd.s32 $0xFFFFF000  }
0x7a: {  	_ =	swait.ge [sflag:s0], $0x1000  }
0x7b: {  	[sflag:s0] =	ssyncset.done $0x0  }
0x7c: {  	[sflag:s0] =	ssyncadd.s32 $0xFFFFF000  }
0x7d: {  	_ =	swait.ge [sflag:s0], $0x1000  }
0x7e: {  	[sflag:s0] =	ssyncset.done $0x0  }
0x7f: {  	[sflag:s0] =	ssyncadd.s32 $0xFFFFF000  }
0x80: {  	_ =	swait.ge [sflag:s0], $0x1000  }
0x81: {  	[sflag:s0] =	ssyncset.done $0x0  }
0x82: {  	[sflag:s0] =	ssyncadd.s32 $0xFFFFF000  }
0x83: {  	_ =	swait.ge [sflag:s0], $0x1000  }
0x84: {  	[sflag:s0] =	ssyncset.done $0x0  }
0x85: {  	[sflag:s0] =	ssyncadd.s32 $0xFFFFF000  }
0x86: {  	_ =	swait.ge [sflag:s0], $0x1000  }
0x87: {  	[sflag:s0] =	ssyncset.done $0x0  }
0x88: {  	[sflag:s0] =	ssyncadd.s32 $0xFFFFF000  }
0x89: {  	_ =	swait.ge [sflag:s0], $0x1000  }
0x8a: {  	[sflag:s0] =	ssyncset.done $0x0  }
0x8b: {  	[sflag:s0] =	ssyncadd.s32 $0xFFFFF000  }
0x8c: {  	_ =	swait.ge [sflag:s0], $0x1000  }
0x8d: {  	[sflag:s0] =	ssyncset.done $0x0  }
0x8e: {  	[sflag:s0] =	ssyncadd.s32 $0xFFFFF000  }
0x8f: {  	_ =	swait.ge [sflag:s0], $0x1000  }
0x90: {  	[sflag:s0] =	ssyncset.done $0x0  }
0x91: {  	[sflag:s0] =	ssyncadd.s32 $0xFFFFF000  }
0x92: {  	_ =	swait.ge [sflag:s0], $0x1000  }
0x93: {  	[sflag:s0] =	ssyncset.done $0x0  }
0x94: {  	[sflag:s0] =	ssyncadd.s32 $0xFFFFF000  }
0x95: {  	[bflag:$0x0] =	sbarrier.arrive $0xFFFF  }
0x96: {  	v1 =	vld [tilespmem:$0x0]  }
0x97: {  	v2 =	vld [tilespmem:$0x2780]  }
0x98: {  	v3 =	vld [tilespmem:$0x10]  }
0x99: {  	v4 =	vld [tilespmem:$0x2790]  }
0x9a: {  	v5 =	vld [tilespmem:$0x20]  }
0x9b: {  	v62 =	vld [tilespmem:$0x40];
	[tilespmem:$0x4F00] =	vst v1  }
0x9c: {  	v63 =	vld [tilespmem:$0x27C0];
	[tilespmem:$0x5000] =	vst v2  }
0x9d: {  	v1 =	vld [tilespmem:$0x27A0];
	[tilespmem:$0x4F10] =	vst v3  }
0x9e: {  	v2 =	vld [tilespmem:$0x30];
	[tilespmem:$0x5010] =	vst v4  }
0x9f: {  	v3 =	vld [tilespmem:$0x27B0];
	[tilespmem:$0x4F20] =	vst v5  }
0xa0: {  	[tilespmem:$0x4F40] =	vst v62  }
0xa1: {  	[tilespmem:$0x5040] =	vst v63  }
0xa2: {  	[tilespmem:$0x5020] =	vst v1  }
0xa3: {  	[tilespmem:$0x4F30] =	vst v2  }
0xa4: {  	s14 =	simm.s32 $0x70;
	[tilespmem:$0x5030] =	vst v3  }
0xa5: {  	[tilespmem:s8], [sflag:$0x1] =	stream.indirect.gather [hbm4b:s4+s1], $0x80, s7, s1, $0xb8;
	[tilespmem:$0x1F100] =	vst v63  }
0xa6: {  	v1 =	vld [tilespmem:s14+$0xFFFFFFE0];
	_ =	sdelay $0x4  }
0xa7: {  	s15 =	simm.s32 $0x27F0;
	[tilespmem:$0x4F80] =	vst v1  }
0xa8: {  	v1 =	vld [tilespmem:s15+$0xFFFFFFE0];
	_ =	sdelay $0x4  }
0xa9: {  	[tilespmem:$0x5080] =	vst v1  }
0xaa: {  	v1 =	vld [tilespmem:s14+$0xFFFFFFF0];
	_ =	sdelay $0x4  }
0xab: {  	[tilespmem:$0x4F90] =	vst v1  }
0xac: {  	v1 =	vld [tilespmem:s15+$0xFFFFFFF0];
	_ =	sdelay $0x4  }
0xad: {  	[tilespmem:$0x5090] =	vst v1  }
0xae: {  	v1 =	vld [tilespmem:s14+$0x0];
	_ =	sdelay $0x4  }
0xaf: {  	[tilespmem:$0x4FA0] =	vst v1  }
0xb0: {  	v1 =	vld [tilespmem:s15+$0x0];
	_ =	sdelay $0x4  }
0xb1: {  	s16 =	sand.u32 $0x3FE0, s16;
	[tilespmem:$0x50A0] =	vst v1  }
0xb2: {  	v1 =	vld [tilespmem:s16+$0x80];
	_ =	sdelay $0x4  }
0xb3: {  	[tilespmem:$0x4FB0] =	vst v1  }
0xb4: {  	v1 =	vld [tilespmem:s16+$0x2800];
	_ =	sdelay $0x4  }
0xb5: {  	[tilespmem:$0x50B0] =	vst v1  }
0xb6: {  	v1 =	vld [tilespmem:s14+$0x20];
	_ =	sdelay $0x4  }
0xb7: {  	[tilespmem:$0x4FC0] =	vst v1  }
0xb8: {  	v1 =	vld [tilespmem:s15+$0x20];
	_ =	sdelay $0x4  }
0xb9: {  	[tilespmem:$0x50C0] =	vst v1  }
0xba: {  	[tilespmem:s10], [sflag:$0x2] =	stream.indirect.gather [hbm4b:s4+s1], $0x80, s9, s1, $0xb8;
	[tilespmem:$0x1F100] =	vst v63  }
0xbb: {  	_ =	swait.ge [sflag:s0], $0x2800  }
0xbc: {  	[sflag:s0] =	ssyncset.done $0x0  }
0xbd: {  	[sflag:s0] =	ssyncadd.s32 $0xFFFFD800  }
0xbe: {  	[spmem:s2] =	stream.indirect.scatter.add.f32 [tilespmem:s8], [sflag:$0x3], $0x80, s11, s1, $0xb8;
	[tilespmem:$0x1F100] =	vst v63  }
0xbf: {  	_ =	swait.ge [sflag:s31], $0x2800  }
0xc0: {  	[sflag:s31] =	ssyncset.done $0x0  }
0xc1: {  	[sflag:s31] =	ssyncadd.s32 $0xFFFFD800  }
0xc2: {  	v1 =	vld [tilespmem:s14+$0x30];
	_ =	sdelay $0x4  }
0xc3: {  	[tilespmem:$0x4F00] =	vst v1  }
0xc4: {  	v1 =	vld [tilespmem:s15+$0x30];
	_ =	sdelay $0x4  }
0xc5: {  	[tilespmem:$0x5000] =	vst v1  }
0xc6: {  	v1 =	vld [tilespmem:s14+$0x40];
	_ =	sdelay $0x4  }
0xc7: {  	[tilespmem:$0x4F10] =	vst v1  }
0xc8: {  	v1 =	vld [tilespmem:s15+$0x40];
	_ =	sdelay $0x4  }
0xc9: {  	[tilespmem:$0x5010] =	vst v1  }
0xca: {  	v1 =	vld [tilespmem:s14+$0x50];
	_ =	sdelay $0x4  }
0xcb: {  	[tilespmem:$0x4F20] =	vst v1  }
0xcc: {  	v1 =	vld [tilespmem:s15+$0x50];
	_ =	sdelay $0x4  }
0xcd: {  	[tilespmem:$0x5020] =	vst v1  }
0xce: {  	v1 =	vld [tilespmem:s14+$0x60];
	_ =	sdelay $0x4  }
0xcf: {  	[tilespmem:$0x4F30] =	vst v1  }
0xd0: {  	v1 =	vld [tilespmem:s15+$0x60];
	_ =	sdelay $0x4  }
0xd1: {  	[tilespmem:$0x5030] =	vst v1  }
0xd2: {  	v1 =	vld [tilespmem:s14+$0x70];
	_ =	sdelay $0x4  }
0xd3: {  	[tilespmem:$0x4F40] =	vst v1  }
0xd4: {  	v1 =	vld [tilespmem:s15+$0x70];
	_ =	sdelay $0x4  }
0xd5: {  	[tilespmem:$0x5040] =	vst v1  }
0xd6: {  	[tilespmem:s8], [sflag:$0x1] =	stream.indirect.gather [hbm4b:s4+s1], $0x80, s7, s1, $0xb8;
	[tilespmem:$0x1F100] =	vst v63  }
0xd7: {  	_ =	swait.ge [sflag:s12], $0x2800  }
0xd8: {  	[sflag:s12] =	ssyncset.done $0x0  }
0xd9: {  	[sflag:s12] =	ssyncadd.s32 $0xFFFFD800  }
0xda: {  	[spmem:s2] =	stream.indirect.scatter.add.f32 [tilespmem:s10], [sflag:$0x3], $0x80, s13, s1, $0xb8;
	[tilespmem:$0x1F100] =	vst v63  }
0xdb: {  	_ =	swait.ge [sflag:s31], $0x2800  }
0xdc: {  	s16 =	simm.s32 $0xA0;
	[sflag:s31] =	ssyncset.done $0x0  }
.LBB2_4:
0xdd: {  	[sflag:s31] =	ssyncadd.s32 $0xFFFFD800;
	s15 =	sadd.s32 $0xA0, s15;
	s14 =	sadd.s32 $0xA0, s14  }
0xde: {  	p0 =	sne.s32 s16, $0x2620;
	s17 =	smov.u32 s16;
	s16 =	sadd.s32 $0xA0, s16;
	v1 =	vld [tilespmem:s14+$0xFFFFFFE0]  }
0xdf: {  	_ =	sdelay $0x3  }
0xe0: {  	[tilespmem:$0x4F80] =	vst v1  }
0xe1: {  	v1 =	vld [tilespmem:s15+$0xFFFFFFE0];
	_ =	sdelay $0x4  }
0xe2: {  	[tilespmem:$0x5080] =	vst v1  }
0xe3: {  	v1 =	vld [tilespmem:s14+$0xFFFFFFF0];
	_ =	sdelay $0x4  }
0xe4: {  	[tilespmem:$0x4F90] =	vst v1  }
0xe5: {  	v1 =	vld [tilespmem:s15+$0xFFFFFFF0];
	_ =	sdelay $0x4  }
0xe6: {  	[tilespmem:$0x5090] =	vst v1  }
0xe7: {  	v1 =	vld [tilespmem:s14+$0x0];
	_ =	sdelay $0x4  }
0xe8: {  	[tilespmem:$0x4FA0] =	vst v1  }
0xe9: {  	v1 =	vld [tilespmem:s15+$0x0];
	_ =	sdelay $0x4  }
0xea: {  	s17 =	sand.u32 $0x3FE0, s17;
	[tilespmem:$0x50A0] =	vst v1  }
0xeb: {  	v1 =	vld [tilespmem:s17+$0x80];
	_ =	sdelay $0x4  }
0xec: {  	[tilespmem:$0x4FB0] =	vst v1  }
0xed: {  	v1 =	vld [tilespmem:s17+$0x2800];
	_ =	sdelay $0x4  }
0xee: {  	[tilespmem:$0x50B0] =	vst v1  }
0xef: {  	v1 =	vld [tilespmem:s14+$0x20];
	_ =	sdelay $0x4  }
0xf0: {  	[tilespmem:$0x4FC0] =	vst v1  }
0xf1: {  	v1 =	vld [tilespmem:s15+$0x20];
	_ =	sdelay $0x4  }
0xf2: {  	[tilespmem:$0x50C0] =	vst v1  }
0xf3: {  	[tilespmem:s10], [sflag:$0x2] =	stream.indirect.gather [hbm4b:s4+s1], $0x80, s9, s1, $0xb8;
	[tilespmem:$0x1F100] =	vst v63  }
0xf4: {  	_ =	swait.ge [sflag:s0], $0x2800  }
0xf5: {  	[sflag:s0] =	ssyncset.done $0x0  }
0xf6: {  	[sflag:s0] =	ssyncadd.s32 $0xFFFFD800  }
0xf7: {  	[spmem:s2] =	stream.indirect.scatter.add.f32 [tilespmem:s8], [sflag:$0x3], $0x80, s11, s1, $0xb8;
	[tilespmem:$0x1F100] =	vst v63  }
0xf8: {  	_ =	swait.ge [sflag:s31], $0x2800  }
0xf9: {  	[sflag:s31] =	ssyncset.done $0x0  }
0xfa: {  	[sflag:s31] =	ssyncadd.s32 $0xFFFFD800  }
0xfb: {  	v1 =	vld [tilespmem:s14+$0x30];
	_ =	sdelay $0x4  }
0xfc: {  	[tilespmem:$0x4F00] =	vst v1  }
0xfd: {  	v1 =	vld [tilespmem:s15+$0x30];
	_ =	sdelay $0x4  }
0xfe: {  	[tilespmem:$0x5000] =	vst v1  }
0xff: {  	v1 =	vld [tilespmem:s14+$0x40];
	_ =	sdelay $0x4  }
0x100: {  	[tilespmem:$0x4F10] =	vst v1  }
0x101: {  	v1 =	vld [tilespmem:s15+$0x40];
	_ =	sdelay $0x4  }
0x102: {  	[tilespmem:$0x5010] =	vst v1  }
0x103: {  	v1 =	vld [tilespmem:s14+$0x50];
	_ =	sdelay $0x4  }
0x104: {  	[tilespmem:$0x4F20] =	vst v1  }
0x105: {  	v1 =	vld [tilespmem:s15+$0x50];
	_ =	sdelay $0x4  }
0x106: {  	[tilespmem:$0x5020] =	vst v1  }
0x107: {  	v1 =	vld [tilespmem:s14+$0x60];
	_ =	sdelay $0x4  }
0x108: {  	[tilespmem:$0x4F30] =	vst v1  }
0x109: {  	v1 =	vld [tilespmem:s15+$0x60];
	_ =	sdelay $0x4  }
0x10a: {  	[tilespmem:$0x5030] =	vst v1  }
0x10b: {  	v1 =	vld [tilespmem:s14+$0x70];
	_ =	sdelay $0x4  }
0x10c: {  	[tilespmem:$0x4F40] =	vst v1  }
0x10d: {  	v1 =	vld [tilespmem:s15+$0x70];
	_ =	sdelay $0x4  }
0x10e: {  	[tilespmem:$0x5040] =	vst v1  }
0x10f: {  	[tilespmem:s8], [sflag:$0x1] =	stream.indirect.gather [hbm4b:s4+s1], $0x80, s7, s1, $0xb8;
	[tilespmem:$0x1F100] =	vst v63  }
0x110: {  	_ =	swait.ge [sflag:s12], $0x2800  }
.Ltmp1:
0x111: {  	[sflag:s12] =	ssyncset.done $0x0;
	(pc) =	sbr.rel @p0 .LBB2_4-.Ltmp1, $4  }
0x112: {  	[sflag:s12] =	ssyncadd.s32 $0xFFFFD800  }
0x113: {  	[spmem:s2] =	stream.indirect.scatter.add.f32 [tilespmem:s10], [sflag:$0x3], $0x80, s13, s1, $0xb8;
	[tilespmem:$0x1F100] =	vst v63  }
0x114: {  	_ =	swait.ge [sflag:s31], $0x2800  }
0x115: {  	[sflag:s31] =	ssyncset.done $0x0  }
0x116: {  	[sflag:s31] =	ssyncadd.s32 $0xFFFFD800  }
0x117: {  	_ =	swait.ge [sflag:s0], $0x2800  }
0x118: {  	[sflag:s0] =	ssyncset.done $0x0  }
0x119: {  	[sflag:s0] =	ssyncadd.s32 $0xFFFFD800  }
0x11a: {  	[spmem:s2] =	stream.indirect.scatter.add.f32 [tilespmem:s8], [sflag:$0x3], $0x80, s11, s1, $0xb8;
	[tilespmem:$0x1F100] =	vst v63  }
0x11b: {  	_ =	swait.ge [sflag:s31], $0x2800  }
0x11c: {  	[sflag:s31] =	ssyncset.done $0x0  }
0x11d: {  	s14 =	stileid.u32;
	[sflag:s31] =	ssyncadd.s32 $0xFFFFD800  }
0x11e: {  	s14 =	sshll.u32 s14, $0x6;
	[bflag:$0x0] =	sbarrier.arrive $0xFFFF  }
0x11f: {  	s15 =	sshrl.u32 s6, $0x3;
	s14 =	sor.u32 $0x1C03, s14;
	s16 =	rddreg [dreg:$0x4]  }
0x120: {  	[hbm:s16], [sflag:s14] =	dma.local [spmem:s15], $0x2800  }
0x121: {  	_ =	swait.ge [sflag:s31], $0x2800  }
0x122: {  	s3 =	sadd.s32 $0x1, s3;
	s17 =	rddreg [dreg:$0x5]  }
0x123: {  	p0 =	sne.s32 s3, s17  }
.Ltmp2:
0x124: {  	_ = 	snop;
	(pc) =	sbr.rel @p0 .LBB2_1-.Ltmp2, $3  }
0x125: {  	_ =	sdelay $0x1  }
0x126: {  	[sflag:s31] =	ssyncset.done $0x0  }
0x127: {  	[sflag:s31] =	ssyncadd.s32 $0xFFFFD800  }
0x128: {  	_ =	sfence.sel $0x180000  }
0x129: {  	[bflag:$0x0] =	sbarrier.arrive $0xFFFF  }
0x12a: {  	_ =	strace $0x90000047  }
0x12b: {  	s0 =	stileid.u32;
	[bflag:$0x2] =	sbarrier.arrive $0xFFFF  }
0x12c: {  	p0 =	sne.s32 s0, $0x0;
	s0 =	rddreg [dreg:$0x2]  }
0x12d: {  	s0 =	sadd.s32 @!p0 $0x100000, s0  }
0x12e: {  	[sflag:s0] =	ssyncadd.tile.s32 @!p0 $0x1;
	_ =	shalt  }
.Lfunc_end2:
_tile_overlayer_lowered:
.L_overlay_start_2:
0x12f: {  	(tag) =	ssettag $0x2  }
0x130: {  	s0 =	rddreg [dreg:$0x0];
	s2 =	stileid.u32  }
0x131: {  	s1 =	rddreg [dreg:$0x1];
	p0 =	sne.s32 s2, $0x0  }
0x132: {  	s3 =	rddreg [dreg:$0x2];
	[bflag:$0x3] =	sbarrier.arrive $0xFFFF;
	s2 =	simm.s32 @!p0 $0x1C03  }
0x133: {  	[timem:s3], [sflag:s2] =	dma.local @!p0 [hbm:s0], s1  }
0x134: {  	s0 =	simm.s32 @!p0 $0x3  }
0x135: {  	_ =	swait.ge @!p0 [sflag:s0], s1  }
0x136: {  	s1 =	ssub.s32 @!p0 $0x0, s1;
	[sflag:s0] =	ssyncset.done @!p0 $0x0  }
0x137: {  	[sflag:s0] =	ssyncadd.s32 @!p0 s1  }
0x138: {  	[bflag:$0x3] =	sbarrier.arrive $0xFFFF  }
0x139: {  	_ =	shalt  }

// kernel: kernel.8.cloned.1.call-start
scs
__scs_entry_jumppad:
0x0: {  	(pc) =	sbr.rel $0x88, $3  }
0x1: {  	(tag) =	ssettag $0x0;
	lr =	simm.s32 $0x1  }
0x2: {  	[smem:$0x3F8D] =	sst lr;
	_ =	strace $0xD0000000  }
0x3: {  	_ = 	snop  }
0x4: {  	_ = 	snop  }
0x5: {  	_ = 	snop  }
0x6: {  	_ = 	snop  }
0x7: {  	_ = 	snop  }
__scs_overlays_trampoline_lowered:
0x8: {  	[smem:$0x3F9C] =	sst s0  }
0x9: {  	[smem:$0x3F9D] =	sst s1  }
0xa: {  	[smem:$0x3F9E] =	sst s2  }
0xb: {  	[smem:$0x3F9F] =	sst s3  }
0xc: {  	[smem:$0x3FA0] =	sst s4  }
0xd: {  	[smem:$0x3FA1] =	sst s5  }
0xe: {  	[smem:$0x3FA2] =	sst s6  }
0xf: {  	[smem:$0x3FA3] =	sst s7  }
0x10: {  	[smem:$0x3FA4] =	sst s8  }
0x11: {  	[smem:$0x3FA5] =	sst s9;
	s0 =	simm.s32 @!p0 $0x0  }
0x12: {  	s1 =	sld [smem:$0x3F8B];
	s0 =	simm.s32 @p0 $0x1  }
0x13: {  	[smem:$0x3FA6] =	sst s0;
	s0 =	simm.s32 @!p1 $0x0  }
0x14: {  	s2 =	sld [smem:$0x3F8A];
	s0 =	simm.s32 @p1 $0x1  }
0x15: {  	[smem:$0x3FA7] =	sst s0;
	s0 =	simm.s32 @!p2 $0x0  }
0x16: {  	s3 =	sld [smem:$0x3FDB];
	s0 =	simm.s32 @p2 $0x1  }
0x17: {  	s4 =	simm.s32 $0x1BF5;
	[smem:$0x3FA9] =	sst s0  }
0x18: {  	s0 =	sld [smem:$0x3F8C];
	_ =	swait.ge [sflag:s4], $0x0  }
0x19: {  	s7 =	sld [smem:$0x3F8D]  }
0x1a: {  	s8 =	sadd.s32 $0xFFFFE003, lr  }
0x1b: {  	s9 =	sadd.s32 $0xFFFFFEF7, lr;
	s5 =	simm.s32 $0xFFFFFFFF;
	p2 =	slt.u32 s8, $0xFFFFF086  }
0x1c: {  	p1 =	slt.u32 s9, $0xF7A;
	s5 =	simm.s32 @!p2 $0x0  }
0x1d: {  	s5 =	simm.s32 @p1 $0x1;
	p0 =	seq.s32 s7, s2  }
0x1e: {  	s7 =	smul.u32 @!p0 $0xF7A, s2;
	p2 =	seq.s32 @!p0 s5, $0x0  }
0x1f: {  	s9 =	smul.u32 $0xF7A, s1;
	s8 =	simm.s32 @!p0 $0x1BF5;
	p2 =	por !p2, p0  }
0x20: {  	[sflag:s8] =	ssyncset.s32 @!p0 $0xFFFFF086;
	s6 =	sadd.s32 @!p0 s3, s7;
	s7 =	simm.s32 @!p0 $0x108  }
0x21: {  	s3 =	sadd.s32 s3, s9;
	s6 =	sadd.s32 @!p0 $0x88, s6;
	s7 =	simm.s32 @p2 $0x1082  }
0x22: {  	[simem:s7], [sflag:s8] =	dma.local @!p0 [hbm:s6], $0xF7A  }
0x23: {  	s9 =	sor.u32 $0xD0000000, s2;
	s6 =	simm.s32 $0x108;
	_ =	swait.ge @!p0 [sflag:s8], $0x0  }
0x24: {  	s3 =	sadd.s32 $0x88, s3;
	s6 =	simm.s32 @!p1 $0x1082;
	[sflag:s4] =	ssyncset.s32 $0xFFFFF086  }
0x25: {  	[simem:s6], [sflag:s4] =	dma.local [hbm:s3], $0xF7A  }
0x26: {  	[smem:$0x3F8D] =	sst s1;
	(tag) =	ssettag s2;
	_ =	strace s9  }
0x27: {  	s1 =	sld [smem:$0x3F9D]  }
0x28: {  	s2 =	sld [smem:$0x3F9E]  }
0x29: {  	s4 =	sld [smem:$0x3FA0]  }
0x2a: {  	p0 =	seq.s32 s5, $0x0;
	s5 =	sld [smem:$0x3FA1]  }
0x2b: {  	s6 =	sld [smem:$0x3FA2]  }
0x2c: {  	s7 =	sld [smem:$0x3FA3]  }
0x2d: {  	s3 =	simm.s32 $0x108;
	s8 =	sld [smem:$0x3FA4]  }
0x2e: {  	s3 =	simm.s32 @!p0 $0x1082;
	s9 =	sld [smem:$0x3FA5]  }
0x2f: {  	lr =	sadd.s32 s0, s3;
	s0 =	sld [smem:$0x3F9C]  }
0x30: {  	s3 =	sld [smem:$0x3F9F]  }
0x31: {  	[smem:$0x3FA8] =	sst s10  }
0x32: {  	s10 =	sld [smem:$0x3FA6];
	_ =	sdelay $0x3  }
0x33: {  	p0 =	seq.s32 s10, $0x1;
	s10 =	sld [smem:$0x3FA8];
	_ =	sdelay $0x3  }
0x34: {  	[smem:$0x3FA8] =	sst s10  }
0x35: {  	s10 =	sld [smem:$0x3FA7];
	_ =	sdelay $0x3  }
0x36: {  	p1 =	seq.s32 s10, $0x1;
	s10 =	sld [smem:$0x3FA8];
	_ =	sdelay $0x3  }
0x37: {  	[smem:$0x3FA8] =	sst s10  }
0x38: {  	s10 =	sld [smem:$0x3FA9]  }
0x39: {  	_ = 	snop;
	(pc) =	sbr.ind lr, $3  }
0x3a: {  	_ = 	snop  }
0x3b: {  	_ = 	snop  }
0x3c: {  	p2 =	seq.s32 s10, $0x1;
	s10 =	sld [smem:$0x3FA8]  }
0x3d: {  	_ =	shalt  }
0x3e: {  	_ =	shalt  }
0x3f: {  	_ =	shalt  }
0x40: {  	_ =	shalt  }
0x41: {  	_ =	shalt  }
0x42: {  	_ =	shalt  }
0x43: {  	_ =	shalt  }
0x44: {  	_ =	shalt  }
0x45: {  	_ =	shalt  }
0x46: {  	_ =	shalt  }
0x47: {  	_ =	shalt  }
0x48: {  	_ =	shalt  }
0x49: {  	_ =	shalt  }
0x4a: {  	_ =	shalt  }
0x4b: {  	_ =	shalt  }
0x4c: {  	_ =	shalt  }
0x4d: {  	_ =	shalt  }
0x4e: {  	_ =	shalt  }
0x4f: {  	_ =	shalt  }
0x50: {  	_ =	shalt  }
0x51: {  	_ =	shalt  }
0x52: {  	_ =	shalt  }
0x53: {  	_ =	shalt  }
0x54: {  	_ =	shalt  }
0x55: {  	_ =	shalt  }
0x56: {  	_ =	shalt  }
0x57: {  	_ =	shalt  }
0x58: {  	_ =	shalt  }
0x59: {  	_ =	shalt  }
0x5a: {  	_ =	shalt  }
0x5b: {  	_ =	shalt  }
0x5c: {  	_ =	shalt  }
0x5d: {  	_ =	shalt  }
0x5e: {  	_ =	shalt  }
0x5f: {  	_ =	shalt  }
0x60: {  	_ =	shalt  }
0x61: {  	_ =	shalt  }
0x62: {  	_ =	shalt  }
0x63: {  	_ =	shalt  }
0x64: {  	_ =	shalt  }
0x65: {  	_ =	shalt  }
0x66: {  	_ =	shalt  }
0x67: {  	_ =	shalt  }
0x68: {  	_ =	shalt  }
0x69: {  	_ =	shalt  }
0x6a: {  	_ =	shalt  }
0x6b: {  	_ =	shalt  }
0x6c: {  	_ =	shalt  }
0x6d: {  	_ =	shalt  }
0x6e: {  	_ =	shalt  }
0x6f: {  	_ =	shalt  }
0x70: {  	_ =	shalt  }
0x71: {  	_ =	shalt  }
0x72: {  	_ =	shalt  }
0x73: {  	_ =	shalt  }
0x74: {  	_ =	shalt  }
0x75: {  	_ =	shalt  }
0x76: {  	_ =	shalt  }
0x77: {  	_ =	shalt  }
0x78: {  	_ =	shalt  }
0x79: {  	_ =	shalt  }
0x7a: {  	_ =	shalt  }
0x7b: {  	_ =	shalt  }
0x7c: {  	_ =	shalt  }
0x7d: {  	_ =	shalt  }
0x7e: {  	_ =	shalt  }
0x7f: {  	_ =	shalt  }
0x80: {  	_ =	shalt  }
0x81: {  	_ =	shalt  }
0x82: {  	_ =	shalt  }
0x83: {  	_ =	shalt  }
0x84: {  	_ =	shalt  }
0x85: {  	_ =	shalt  }
0x86: {  	_ =	shalt  }
0x87: {  	_ =	shalt  }
.Lfunc_end0:
.L_simem_size_0:
called_computation.1_lowered:
.L_overlay_start_0:
0x88: {  	s2 =	sld [smem:$0x3FD9]  }
0x89: {  	s3 =	sld [smem:$0x3FFE];
	_ =	sdelay $0x1  }
0x8a: {  	s1 =	srdreg.scid  }
0x8b: {  	s0 =	sand.u32 $0x1, s1  }
0x8c: {  	s16 =	sshll.u32 s0, $0xA;
	s2 =	sadd.s32 s3, s2  }
0x8d: {  	s2 =	sadd.s32 s2, s16  }
0x8e: {  	[smem:$0x3FB4] =	sst s2  }
0x8f: {  	_ = 	snop  }
0x90: {  	(tm) =	ssettm $0x1  }
0x91: {  	s17 =	sld [smem:$0x3FFB];
	_ =	sdelay $0x3  }
0x92: {  	_ =	strace s17  }
0x93: {  	s2 =	sld [smem:$0x3FFC];
	_ =	sdelay $0x3  }
0x94: {  	_ =	strace s2  }
0x95: {  	s2 =	sld [smem:$0x3FFD];
	_ =	sdelay $0x3  }
0x96: {  	_ =	strace s2  }
0x97: {  	_ =	strace $0x8FFFFFFF  }
0x98: {  	s18 =	sld [smem:$0x3FDB];
	_ =	sdelay $0x1  }
0x99: {  	s19 =	simm.s32 $_scs_section_size  }
0x9a: {  	s4 =	simm.s32 $_size__tile_overlayer_lowered;
	s5 =	simm.s32 $_tile_overlayer_lowered  }
0x9b: {  	s22 =	simm.s32 $0x1BFF;
	s21 =	sshll.u32 s5, $0x1;
	s2 =	sadd.s32 s19, s18  }
0x9c: {  	s6 =	simm.s32 $0x0;
	s20 =	sshll.u32 s4, $0x1;
	s4 =	sadd.s32 s21, s2  }
0x9d: {  	[timem:s6], [sflag:s22] =	dma.local [hbm:s4], s20  }
0x9e: {  	_ =	swait.ge [sflag:s22], s20  }
0x9f: {  	s3 =	ssub.s32 $0x0, s20;
	[sflag:s22] =	ssyncset.done $0x0  }
0xa0: {  	[sflag:s22] =	ssyncadd.s32 s3;
	_ =	sdelay $0x1  }
0xa1: {  	s23 =	simm.s32 $0x1B8B  }
0xa2: {  	_ =	swait.ge [sflag:s23], $0x1  }
0xa3: {  	[sflag:s23] =	ssyncset.done $0x0  }
0xa4: {  	s25 =	simm.s32 $0x1B8E;
	s24 =	sld [smem:$0x3FFE];
	[sflag:s23] =	ssyncadd.s32 $0xFFFFFFFF  }
0xa5: {  	s26 =	simm.s32 $execute0_lowered;
	[smem:$0x3FD2] =	sst s25  }
0xa6: {  	s4 =	sshll.u32 s26, $0x1;
	_ =	strace $0x80000049;
	[dreg:$0x1] =	wrdreg $0xFFFFFFFF  }
0xa7: {  	s28 =	simm.s32 $_size_execute0_lowered;
	s2 =	sadd.s32 s2, s4;
	[dreg:$0x0] =	wrdreg $0x0  }
0xa8: {  	s4 =	sshll.u32 s28, $0x1;
	[dreg:$0x2] =	wrdreg s2  }
0xa9: {  	[dreg:$0x3] =	wrdreg s4  }
0xaa: {  	[dreg:$0x4] =	wrdreg $0xC0  }
0xab: {  	_ =	task [dreg:s6], $0x5FFFF  }
0xac: {  	[dreg:$0x1] =	wrdreg $0xFFFFFFFF  }
0xad: {  	[dreg:$0x0] =	wrdreg $0x60  }
0xae: {  	[dreg:$0x2] =	wrdreg s24  }
0xaf: {  	[dreg:$0x3] =	wrdreg $0xB1000  }
0xb0: {  	[dreg:$0x4] =	wrdreg $0x9  }
0xb1: {  	_ =	task.clear_ibuf [dreg:s6], $0x5FFFF;
	_ =	strace $0x90000049  }
0xb2: {  	s29 =	simm.s32 $0x9;
	_ =	strace $0x8000004B  }
0xb3: {  	_ =	swait.ge [sflag:s29], $0x1  }
0xb4: {  	[sflag:s29] =	ssyncadd.s32 $0xFFFFFFFF  }
0xb5: {  	_ =	strace $0x9000004B  }
0xb6: {  	_ =	sfence  }
0xb7: {  	s30 =	sld [smem:$0x0];
	_ =	sdelay $0x2  }
0xb8: {  	s31 =	sshll.u32 s1, $0xD;
	s1 =	sshrl.u32 s1, $0x2  }
0xb9: {  	s3 =	sand.u32 $0x4000, s31;
	s1 =	sadd.s32 s1, s30  }
0xba: {  	s0 =	sor.u32 s3, s0;
	s1 =	sshll.u32 s1, $0x11  }
0xbb: {  	s0 =	sor.u32 s1, s0  }
0xbc: {  	s0 =	sadd.s32 $0x8F2B, s0  }
0xbd: {  	[sflag:s0] =	ssyncadd.remote.s32 $0x1  }
0xbe: {  	_ =	sfence.sel $0xFFFF  }
0xbf: {  	[dreg:$0x0] =	wrdreg $0xFFFFFFFF;
	(pc) =	sbr.abs _section_cstart, $3  }
0xc0: {  	[dreg:$0x1] =	wrdreg $0xFFFFFFFF  }
0xc1: {  	_ =	task.clear_ibuf [dreg:s6], $0x2FFFF;
	_ =	strace $0x9FFFFFFF  }
0xc2: {  	(tm) =	ssettm $0x7FFFFFFF  }
0xc3: {  	_ =	shalt  }
tec
execute0_lowered:
.L_overlay_start_1:
0x0: {  	(tag) =	ssettag $0x1  }
0x1: {  	s0 =	rddreg [dreg:$0x0];
	s1 =	srdreg.scid  }
0x2: {  	s2 =	rddreg [dreg:$0x1];
	s7 =	stileid.u32;
	s3 =	simm.s32 $0x0  }
0x3: {  	s30 =	simm.s32 $0xA100;
	s31 =	simm.s32 $0x3;
	s9 =	simm.s32 $0x4F80  }
0x4: {  	s10 =	simm.s32 $0x7900;
	s11 =	simm.s32 $0x5000;
	s5 =	smul.u32 $0x14000, s7  }
0x5: {  	s12 =	simm.s32 $0x2;
	s1 =	sand.u32 $0x1, s1;
	s14 =	smul.u32 $0x50000, s7  }
0x6: {  	[smem:$0x7FF] =	sst s3;
	s4 =	smul.u32 $0x140000, s1;
	s6 =	sshll.u32 s1, $0x4  }
0x7: {  	_ =	strace $0x8000004A;
	s1 =	ssub.s32 $0x2, s1;
	s13 =	sor.u32 s7, s6  }
0x8: {  	s8 =	sshrl.u32 s1, $0x1;
	s6 =	sshrl.u32 s14, $0x2;
	s4 =	sadd.s32 s5, s4  }
0x9: {  	s5 =	smul.u32 $0x4E2, s13;
	s16 =	ssub.s32 s1, s8;
	s6 =	sadd.s32 s6, s2  }
0xa: {  	s1 =	simm.s32 $0x50;
	s8 =	simm.s32 $0x5100;
	s19 =	sadd.s32 $0x1000, s6  }
0xb: {  	s13 =	simm.s32 $0x5080;
	s20 =	sadd.s32 $0x2000, s6;
	[dreg:$0x6] =	wrdreg s19  }
0xc: {  	s15 =	sshrl.u32 s4, $0x3;
	s21 =	sadd.s32 $0x3000, s6;
	[dreg:$0x7] =	wrdreg s20  }
0xd: {  	s4 =	sadd.s32 $0x13C00, s0;
	s22 =	sadd.s32 $0x4000, s6;
	[dreg:$0x8] =	wrdreg s21  }
0xe: {  	s23 =	sadd.s32 $0x5000, s6;
	s24 =	sadd.s32 $0x6000, s6;
	[dreg:$0x9] =	wrdreg s22  }
0xf: {  	s25 =	sadd.s32 $0x7000, s6;
	s26 =	sadd.s32 $0x8000, s6;
	[dreg:$0xa] =	wrdreg s23  }
0x10: {  	s28 =	sadd.s32 $0x12000, s6;
	s29 =	sadd.s32 $0x13000, s6;
	[dreg:$0xb] =	wrdreg s24  }
0x11: {  	s7 =	sadd.s32 s15, s0;
	s5 =	sadd.s32 s0, s5;
	[dreg:$0xc] =	wrdreg s25  }
0x12: {  	s0 =	smax.u32 s16, $0x1;
	[dreg:$0xd] =	wrdreg s26;
	s19 =	sadd.s32 $0xA000, s6  }
0x13: {  	s20 =	sadd.s32 $0xB000, s6;
	s21 =	sadd.s32 $0xC000, s6;
	s22 =	sadd.s32 $0xD000, s6  }
0x14: {  	s23 =	sadd.s32 $0xE000, s6;
	s24 =	sadd.s32 $0xF000, s6;
	s25 =	sadd.s32 $0x10000, s6  }
0x15: {  	s26 =	sadd.s32 $0x11000, s6;
	s17 =	sadd.s32 $0x9E00, s5;
	[dreg:$0x5] =	wrdreg s0  }
0x16: {  	s18 =	sadd.s32 $0x3BC00, s7;
	s0 =	simm.s32 $0x1;
	[dreg:$0x3] =	wrdreg s17  }
0x17: {  	v0 =	vimm.f32 $0.0e+00;
	s7 =	simm.s32 $0x4F00;
	[dreg:$0x4] =	wrdreg s18;
	s18 =	sadd.s32 $0x9000, s6  }
.LBB2_1:
0x18: {  	s14 =	simm.s32 $0x0;
	s15 =	simm.s32 $0x200  }
.LBB2_2:
0x19: {  	p0 =	sne.s32 s15, $0x3E00;
	[tilespmem:s14+$0xA170] =	vst v0  }
0x1a: {  	[tilespmem:s14+$0xA100] =	vst v0  }
0x1b: {  	[tilespmem:s14+$0xA110] =	vst v0  }
.Ltmp0:
0x1c: {  	[tilespmem:s14+$0xA120] =	vst v0;
	(pc) =	sbr.rel @p0 .LBB2_2-.Ltmp0, $4  }
0x1d: {  	[tilespmem:s14+$0xA130] =	vst v0  }
0x1e: {  	[tilespmem:s14+$0xA140] =	vst v0  }
0x1f: {  	[tilespmem:s14+$0xA150] =	vst v0  }
0x20: {  	[tilespmem:s14+$0xA160] =	vst v0;
	s14 =	sshra.s32 s15, $0x2;
	s15 =	sadd.s32 $0x200, s15  }
0x21: {  	[tilespmem:s14+$0xA170] =	vst v0  }
0x22: {  	[tilespmem:s14+$0xA100] =	vst v0  }
0x23: {  	[tilespmem:s14+$0xA110] =	vst v0  }
0x24: {  	[tilespmem:s14+$0xA120] =	vst v0  }
0x25: {  	[tilespmem:s14+$0xA130] =	vst v0  }
0x26: {  	[tilespmem:s14+$0xA140] =	vst v0  }
0x27: {  	[tilespmem:s14+$0xA150] =	vst v0  }
0x28: {  	[tilespmem:s14+$0xA160] =	vst v0  }
0x29: {  	[spmem:s6] =	stream.linear.scatter [tilespmem:s30], [sflag:$0x1], $0x1000, $0x38;
	[tilespmem:$0x1F100] =	vst v63  }
0x2a: {  	s16 =	rddreg [dreg:$0x6]  }
0x2b: {  	[spmem:s16] =	stream.linear.scatter [tilespmem:s30], [sflag:$0x1], $0x1000, $0x38;
	[tilespmem:$0x1F100] =	vst v63  }
0x2c: {  	s17 =	rddreg [dreg:$0x7]  }
0x2d: {  	[spmem:s17] =	stream.linear.scatter [tilespmem:s30], [sflag:$0x1], $0x1000, $0x38;
	[tilespmem:$0x1F100] =	vst v63  }
0x2e: {  	s15 =	rddreg [dreg:$0x8]  }
0x2f: {  	[spmem:s15] =	stream.linear.scatter [tilespmem:s30], [sflag:$0x1], $0x1000, $0x38;
	[tilespmem:$0x1F100] =	vst v63  }
0x30: {  	s16 =	rddreg [dreg:$0x9]  }
0x31: {  	[spmem:s16] =	stream.linear.scatter [tilespmem:s30], [sflag:$0x1], $0x1000, $0x38;
	[tilespmem:$0x1F100] =	vst v63  }
0x32: {  	s17 =	rddreg [dreg:$0xa]  }
0x33: {  	[spmem:s17] =	stream.linear.scatter [tilespmem:s30], [sflag:$0x1], $0x1000, $0x38;
	[tilespmem:$0x1F100] =	vst v63  }
0x34: {  	s15 =	rddreg [dreg:$0xb]  }
0x35: {  	[spmem:s15] =	stream.linear.scatter [tilespmem:s30], [sflag:$0x1], $0x1000, $0x38;
	[tilespmem:$0x1F100] =	vst v63  }
0x36: {  	s16 =	rddreg [dreg:$0xc]  }
0x37: {  	[spmem:s16] =	stream.linear.scatter [tilespmem:s30], [sflag:$0x1], $0x1000, $0x38;
	[tilespmem:$0x1F100] =	vst v63  }
0x38: {  	s17 =	rddreg [dreg:$0xd]  }
0x39: {  	[spmem:s17] =	stream.linear.scatter [tilespmem:s30], [sflag:$0x1], $0x1000, $0x38;
	[tilespmem:$0x1F100] =	vst v63  }
0x3a: {  	_ = 	snop  }
0x3b: {  	[spmem:s18] =	stream.linear.scatter [tilespmem:s30], [sflag:$0x1], $0x1000, $0x38;
	[tilespmem:$0x1F100] =	vst v63  }
0x3c: {  	_ = 	snop  }
0x3d: {  	[spmem:s19] =	stream.linear.scatter [tilespmem:s30], [sflag:$0x1], $0x1000, $0x38;
	[tilespmem:$0x1F100] =	vst v63  }
0x3e: {  	_ = 	snop  }
0x3f: {  	[spmem:s20] =	stream.linear.scatter [tilespmem:s30], [sflag:$0x1], $0x1000, $0x38;
	[tilespmem:$0x1F100] =	vst v63  }
0x40: {  	_ = 	snop  }
0x41: {  	[spmem:s21] =	stream.linear.scatter [tilespmem:s30], [sflag:$0x1], $0x1000, $0x38;
	[tilespmem:$0x1F100] =	vst v63  }
0x42: {  	_ = 	snop  }
0x43: {  	[spmem:s22] =	stream.linear.scatter [tilespmem:s30], [sflag:$0x1], $0x1000, $0x38;
	[tilespmem:$0x1F100] =	vst v63  }
0x44: {  	_ = 	snop  }
0x45: {  	[spmem:s23] =	stream.linear.scatter [tilespmem:s30], [sflag:$0x1], $0x1000, $0x38;
	[tilespmem:$0x1F100] =	vst v63  }
0x46: {  	_ = 	snop  }
0x47: {  	[spmem:s24] =	stream.linear.scatter [tilespmem:s30], [sflag:$0x1], $0x1000, $0x38;
	[tilespmem:$0x1F100] =	vst v63  }
0x48: {  	_ = 	snop  }
0x49: {  	[spmem:s25] =	stream.linear.scatter [tilespmem:s30], [sflag:$0x1], $0x1000, $0x38;
	[tilespmem:$0x1F100] =	vst v63  }
0x4a: {  	_ = 	snop  }
0x4b: {  	[spmem:s26] =	stream.linear.scatter [tilespmem:s30], [sflag:$0x1], $0x1000, $0x38;
	[tilespmem:$0x1F100] =	vst v63  }
0x4c: {  	_ = 	snop  }
0x4d: {  	[spmem:s28] =	stream.linear.scatter [tilespmem:s30], [sflag:$0x1], $0x1000, $0x38;
	[tilespmem:$0x1F100] =	vst v63  }
0x4e: {  	_ = 	snop  }
0x4f: {  	[spmem:s29] =	stream.linear.scatter [tilespmem:s30], [sflag:$0x1], $0x1000, $0x38;
	[tilespmem:$0x1F100] =	vst v63  }
0x50: {  	s15 =	rddreg [dreg:$0x3];
	s16 =	simm.s32 $0x0  }
0x51: {  	[tilespmem:s16], [sflag:$0x3] =	stream.linear.gather [hbm4b:s15+s16], $0x2710, $0x38;
	[tilespmem:$0x1F100] =	vst v63  }
0x52: {  	_ =	swait.ge [sflag:s31], $0x2710  }
0x53: {  	[sflag:s31] =	ssyncset.done $0x0  }
0x54: {  	s17 =	simm.s32 $0x2780;
	[sflag:s31] =	ssyncadd.s32 $0xFFFFD8F0  }
0x55: {  	[tilespmem:s17], [sflag:$0x3] =	stream.linear.gather [hbm4b:s5+s16], $0x2710, $0x38;
	[tilespmem:$0x1F100] =	vst v63  }
0x56: {  	_ =	swait.ge [sflag:s31], $0x2710  }
0x57: {  	[sflag:s31] =	ssyncset.done $0x0  }
0x58: {  	[sflag:s31] =	ssyncadd.s32 $0xFFFFD8F0  }
0x59: {  	_ =	swait.ge [sflag:s0], $0x1000  }
0x5a: {  	[sflag:s0] =	ssyncset.done $0x0  }
0x5b: {  	[sflag:s0] =	ssyncadd.s32 $0xFFFFF000  }
0x5c: {  	_ =	swait.ge [sflag:s0], $0x1000  }
0x5d: {  	[sflag:s0] =	ssyncset.done $0x0  }
0x5e: {  	[sflag:s0] =	ssyncadd.s32 $0xFFFFF000  }
0x5f: {  	_ =	swait.ge [sflag:s0], $0x1000  }
0x60: {  	[sflag:s0] =	ssyncset.done $0x0  }
0x61: {  	[sflag:s0] =	ssyncadd.s32 $0xFFFFF000  }
0x62: {  	_ =	swait.ge [sflag:s0], $0x1000  }
0x63: {  	[sflag:s0] =	ssyncset.done $0x0  }
0x64: {  	[sflag:s0] =	ssyncadd.s32 $0xFFFFF000  }
0x65: {  	_ =	swait.ge [sflag:s0], $0x1000  }
0x66: {  	[sflag:s0] =	ssyncset.done $0x0  }
0x67: {  	[sflag:s0] =	ssyncadd.s32 $0xFFFFF000  }
0x68: {  	_ =	swait.ge [sflag:s0], $0x1000  }
0x69: {  	[sflag:s0] =	ssyncset.done $0x0  }
0x6a: {  	[sflag:s0] =	ssyncadd.s32 $0xFFFFF000  }
0x6b: {  	_ =	swait.ge [sflag:s0], $0x1000  }
0x6c: {  	[sflag:s0] =	ssyncset.done $0x0  }
0x6d: {  	[sflag:s0] =	ssyncadd.s32 $0xFFFFF000  }
0x6e: {  	_ =	swait.ge [sflag:s0], $0x1000  }
0x6f: {  	[sflag:s0] =	ssyncset.done $0x0  }
0x70: {  	[sflag:s0] =	ssyncadd.s32 $0xFFFFF000  }
0x71: {  	_ =	swait.ge [sflag:s0], $0x1000  }
0x72: {  	[sflag:s0] =	ssyncset.done $0x0  }
0x73: {  	[sflag:s0] =	ssyncadd.s32 $0xFFFFF000  }
0x74: {  	_ =	swait.ge [sflag:s0], $0x1000  }
0x75: {  	[sflag:s0] =	ssyncset.done $0x0  }
0x76: {  	[sflag:s0] =	ssyncadd.s32 $0xFFFFF000  }
0x77: {  	_ =	swait.ge [sflag:s0], $0x1000  }
0x78: {  	[sflag:s0] =	ssyncset.done $0x0  }
0x79: {  	[sflag:s0] =	ssyncadd.s32 $0xFFFFF000  }
0x7a: {  	_ =	swait.ge [sflag:s0], $0x1000  }
0x7b: {  	[sflag:s0] =	ssyncset.done $0x0  }
0x7c: {  	[sflag:s0] =	ssyncadd.s32 $0xFFFFF000  }
0x7d: {  	_ =	swait.ge [sflag:s0], $0x1000  }
0x7e: {  	[sflag:s0] =	ssyncset.done $0x0  }
0x7f: {  	[sflag:s0] =	ssyncadd.s32 $0xFFFFF000  }
0x80: {  	_ =	swait.ge [sflag:s0], $0x1000  }
0x81: {  	[sflag:s0] =	ssyncset.done $0x0  }
0x82: {  	[sflag:s0] =	ssyncadd.s32 $0xFFFFF000  }
0x83: {  	_ =	swait.ge [sflag:s0], $0x1000  }
0x84: {  	[sflag:s0] =	ssyncset.done $0x0  }
0x85: {  	[sflag:s0] =	ssyncadd.s32 $0xFFFFF000  }
0x86: {  	_ =	swait.ge [sflag:s0], $0x1000  }
0x87: {  	[sflag:s0] =	ssyncset.done $0x0  }
0x88: {  	[sflag:s0] =	ssyncadd.s32 $0xFFFFF000  }
0x89: {  	_ =	swait.ge [sflag:s0], $0x1000  }
0x8a: {  	[sflag:s0] =	ssyncset.done $0x0  }
0x8b: {  	[sflag:s0] =	ssyncadd.s32 $0xFFFFF000  }
0x8c: {  	_ =	swait.ge [sflag:s0], $0x1000  }
0x8d: {  	[sflag:s0] =	ssyncset.done $0x0  }
0x8e: {  	[sflag:s0] =	ssyncadd.s32 $0xFFFFF000  }
0x8f: {  	_ =	swait.ge [sflag:s0], $0x1000  }
0x90: {  	[sflag:s0] =	ssyncset.done $0x0  }
0x91: {  	[sflag:s0] =	ssyncadd.s32 $0xFFFFF000  }
0x92: {  	_ =	swait.ge [sflag:s0], $0x1000  }
0x93: {  	[sflag:s0] =	ssyncset.done $0x0  }
0x94: {  	[sflag:s0] =	ssyncadd.s32 $0xFFFFF000  }
0x95: {  	[bflag:$0x0] =	sbarrier.arrive $0xFFFF  }
0x96: {  	v1 =	vld [tilespmem:$0x0]  }
0x97: {  	v2 =	vld [tilespmem:$0x2780]  }
0x98: {  	v3 =	vld [tilespmem:$0x10]  }
0x99: {  	v4 =	vld [tilespmem:$0x2790]  }
0x9a: {  	v5 =	vld [tilespmem:$0x20]  }
0x9b: {  	v62 =	vld [tilespmem:$0x40];
	[tilespmem:$0x4F00] =	vst v1  }
0x9c: {  	v63 =	vld [tilespmem:$0x27C0];
	[tilespmem:$0x5000] =	vst v2  }
0x9d: {  	v1 =	vld [tilespmem:$0x27A0];
	[tilespmem:$0x4F10] =	vst v3  }
0x9e: {  	v2 =	vld [tilespmem:$0x30];
	[tilespmem:$0x5010] =	vst v4  }
0x9f: {  	v3 =	vld [tilespmem:$0x27B0];
	[tilespmem:$0x4F20] =	vst v5  }
0xa0: {  	[tilespmem:$0x4F40] =	vst v62  }
0xa1: {  	[tilespmem:$0x5040] =	vst v63  }
0xa2: {  	[tilespmem:$0x5020] =	vst v1  }
0xa3: {  	[tilespmem:$0x4F30] =	vst v2  }
0xa4: {  	s14 =	simm.s32 $0x70;
	[tilespmem:$0x5030] =	vst v3  }
0xa5: {  	[tilespmem:s8], [sflag:$0x1] =	stream.indirect.gather [hbm4b:s4+s1], $0x80, s7, s1, $0xb8;
	[tilespmem:$0x1F100] =	vst v63  }
0xa6: {  	v1 =	vld [tilespmem:s14+$0xFFFFFFE0];
	_ =	sdelay $0x4  }
0xa7: {  	s15 =	simm.s32 $0x27F0;
	[tilespmem:$0x4F80] =	vst v1  }
0xa8: {  	v1 =	vld [tilespmem:s15+$0xFFFFFFE0];
	_ =	sdelay $0x4  }
0xa9: {  	[tilespmem:$0x5080] =	vst v1  }
0xaa: {  	v1 =	vld [tilespmem:s14+$0xFFFFFFF0];
	_ =	sdelay $0x4  }
0xab: {  	[tilespmem:$0x4F90] =	vst v1  }
0xac: {  	v1 =	vld [tilespmem:s15+$0xFFFFFFF0];
	_ =	sdelay $0x4  }
0xad: {  	[tilespmem:$0x5090] =	vst v1  }
0xae: {  	v1 =	vld [tilespmem:s14+$0x0];
	_ =	sdelay $0x4  }
0xaf: {  	[tilespmem:$0x4FA0] =	vst v1  }
0xb0: {  	v1 =	vld [tilespmem:s15+$0x0];
	_ =	sdelay $0x4  }
0xb1: {  	s16 =	sand.u32 $0x3FE0, s16;
	[tilespmem:$0x50A0] =	vst v1  }
0xb2: {  	v1 =	vld [tilespmem:s16+$0x80];
	_ =	sdelay $0x4  }
0xb3: {  	[tilespmem:$0x4FB0] =	vst v1  }
0xb4: {  	v1 =	vld [tilespmem:s16+$0x2800];
	_ =	sdelay $0x4  }
0xb5: {  	[tilespmem:$0x50B0] =	vst v1  }
0xb6: {  	v1 =	vld [tilespmem:s14+$0x20];
	_ =	sdelay $0x4  }
0xb7: {  	[tilespmem:$0x4FC0] =	vst v1  }
0xb8: {  	v1 =	vld [tilespmem:s15+$0x20];
	_ =	sdelay $0x4  }
0xb9: {  	[tilespmem:$0x50C0] =	vst v1  }
0xba: {  	[tilespmem:s10], [sflag:$0x2] =	stream.indirect.gather [hbm4b:s4+s1], $0x80, s9, s1, $0xb8;
	[tilespmem:$0x1F100] =	vst v63  }
0xbb: {  	_ =	swait.ge [sflag:s0], $0x2800  }
0xbc: {  	[sflag:s0] =	ssyncset.done $0x0  }
0xbd: {  	[sflag:s0] =	ssyncadd.s32 $0xFFFFD800  }
0xbe: {  	[spmem:s2] =	stream.indirect.scatter.add.f32 [tilespmem:s8], [sflag:$0x3], $0x80, s11, s1, $0xb8;
	[tilespmem:$0x1F100] =	vst v63  }
0xbf: {  	_ =	swait.ge [sflag:s31], $0x2800  }
0xc0: {  	[sflag:s31] =	ssyncset.done $0x0  }
0xc1: {  	[sflag:s31] =	ssyncadd.s32 $0xFFFFD800  }
0xc2: {  	v1 =	vld [tilespmem:s14+$0x30];
	_ =	sdelay $0x4  }
0xc3: {  	[tilespmem:$0x4F00] =	vst v1  }
0xc4: {  	v1 =	vld [tilespmem:s15+$0x30];
	_ =	sdelay $0x4  }
0xc5: {  	[tilespmem:$0x5000] =	vst v1  }
0xc6: {  	v1 =	vld [tilespmem:s14+$0x40];
	_ =	sdelay $0x4  }
0xc7: {  	[tilespmem:$0x4F10] =	vst v1  }
0xc8: {  	v1 =	vld [tilespmem:s15+$0x40];
	_ =	sdelay $0x4  }
0xc9: {  	[tilespmem:$0x5010] =	vst v1  }
0xca: {  	v1 =	vld [tilespmem:s14+$0x50];
	_ =	sdelay $0x4  }
0xcb: {  	[tilespmem:$0x4F20] =	vst v1  }
0xcc: {  	v1 =	vld [tilespmem:s15+$0x50];
	_ =	sdelay $0x4  }
0xcd: {  	[tilespmem:$0x5020] =	vst v1  }
0xce: {  	v1 =	vld [tilespmem:s14+$0x60];
	_ =	sdelay $0x4  }
0xcf: {  	[tilespmem:$0x4F30] =	vst v1  }
0xd0: {  	v1 =	vld [tilespmem:s15+$0x60];
	_ =	sdelay $0x4  }
0xd1: {  	[tilespmem:$0x5030] =	vst v1  }
0xd2: {  	v1 =	vld [tilespmem:s14+$0x70];
	_ =	sdelay $0x4  }
0xd3: {  	[tilespmem:$0x4F40] =	vst v1  }
0xd4: {  	v1 =	vld [tilespmem:s15+$0x70];
	_ =	sdelay $0x4  }
0xd5: {  	[tilespmem:$0x5040] =	vst v1  }
0xd6: {  	[tilespmem:s8], [sflag:$0x1] =	stream.indirect.gather [hbm4b:s4+s1], $0x80, s7, s1, $0xb8;
	[tilespmem:$0x1F100] =	vst v63  }
0xd7: {  	_ =	swait.ge [sflag:s12], $0x2800  }
0xd8: {  	[sflag:s12] =	ssyncset.done $0x0  }
0xd9: {  	[sflag:s12] =	ssyncadd.s32 $0xFFFFD800  }
0xda: {  	[spmem:s2] =	stream.indirect.scatter.add.f32 [tilespmem:s10], [sflag:$0x3], $0x80, s13, s1, $0xb8;
	[tilespmem:$0x1F100] =	vst v63  }
0xdb: {  	_ =	swait.ge [sflag:s31], $0x2800  }
0xdc: {  	s16 =	simm.s32 $0xA0;
	[sflag:s31] =	ssyncset.done $0x0  }
.LBB2_4:
0xdd: {  	[sflag:s31] =	ssyncadd.s32 $0xFFFFD800;
	s15 =	sadd.s32 $0xA0, s15;
	s14 =	sadd.s32 $0xA0, s14  }
0xde: {  	p0 =	sne.s32 s16, $0x2620;
	s17 =	smov.u32 s16;
	s16 =	sadd.s32 $0xA0, s16;
	v1 =	vld [tilespmem:s14+$0xFFFFFFE0]  }
0xdf: {  	_ =	sdelay $0x3  }
0xe0: {  	[tilespmem:$0x4F80] =	vst v1  }
0xe1: {  	v1 =	vld [tilespmem:s15+$0xFFFFFFE0];
	_ =	sdelay $0x4  }
0xe2: {  	[tilespmem:$0x5080] =	vst v1  }
0xe3: {  	v1 =	vld [tilespmem:s14+$0xFFFFFFF0];
	_ =	sdelay $0x4  }
0xe4: {  	[tilespmem:$0x4F90] =	vst v1  }
0xe5: {  	v1 =	vld [tilespmem:s15+$0xFFFFFFF0];
	_ =	sdelay $0x4  }
0xe6: {  	[tilespmem:$0x5090] =	vst v1  }
0xe7: {  	v1 =	vld [tilespmem:s14+$0x0];
	_ =	sdelay $0x4  }
0xe8: {  	[tilespmem:$0x4FA0] =	vst v1  }
0xe9: {  	v1 =	vld [tilespmem:s15+$0x0];
	_ =	sdelay $0x4  }
0xea: {  	s17 =	sand.u32 $0x3FE0, s17;
	[tilespmem:$0x50A0] =	vst v1  }
0xeb: {  	v1 =	vld [tilespmem:s17+$0x80];
	_ =	sdelay $0x4  }
0xec: {  	[tilespmem:$0x4FB0] =	vst v1  }
0xed: {  	v1 =	vld [tilespmem:s17+$0x2800];
	_ =	sdelay $0x4  }
0xee: {  	[tilespmem:$0x50B0] =	vst v1  }
0xef: {  	v1 =	vld [tilespmem:s14+$0x20];
	_ =	sdelay $0x4  }
0xf0: {  	[tilespmem:$0x4FC0] =	vst v1  }
0xf1: {  	v1 =	vld [tilespmem:s15+$0x20];
	_ =	sdelay $0x4  }
0xf2: {  	[tilespmem:$0x50C0] =	vst v1  }
0xf3: {  	[tilespmem:s10], [sflag:$0x2] =	stream.indirect.gather [hbm4b:s4+s1], $0x80, s9, s1, $0xb8;
	[tilespmem:$0x1F100] =	vst v63  }
0xf4: {  	_ =	swait.ge [sflag:s0], $0x2800  }
0xf5: {  	[sflag:s0] =	ssyncset.done $0x0  }
0xf6: {  	[sflag:s0] =	ssyncadd.s32 $0xFFFFD800  }
0xf7: {  	[spmem:s2] =	stream.indirect.scatter.add.f32 [tilespmem:s8], [sflag:$0x3], $0x80, s11, s1, $0xb8;
	[tilespmem:$0x1F100] =	vst v63  }
0xf8: {  	_ =	swait.ge [sflag:s31], $0x2800  }
0xf9: {  	[sflag:s31] =	ssyncset.done $0x0  }
0xfa: {  	[sflag:s31] =	ssyncadd.s32 $0xFFFFD800  }
0xfb: {  	v1 =	vld [tilespmem:s14+$0x30];
	_ =	sdelay $0x4  }
0xfc: {  	[tilespmem:$0x4F00] =	vst v1  }
0xfd: {  	v1 =	vld [tilespmem:s15+$0x30];
	_ =	sdelay $0x4  }
0xfe: {  	[tilespmem:$0x5000] =	vst v1  }
0xff: {  	v1 =	vld [tilespmem:s14+$0x40];
	_ =	sdelay $0x4  }
0x100: {  	[tilespmem:$0x4F10] =	vst v1  }
0x101: {  	v1 =	vld [tilespmem:s15+$0x40];
	_ =	sdelay $0x4  }
0x102: {  	[tilespmem:$0x5010] =	vst v1  }
0x103: {  	v1 =	vld [tilespmem:s14+$0x50];
	_ =	sdelay $0x4  }
0x104: {  	[tilespmem:$0x4F20] =	vst v1  }
0x105: {  	v1 =	vld [tilespmem:s15+$0x50];
	_ =	sdelay $0x4  }
0x106: {  	[tilespmem:$0x5020] =	vst v1  }
0x107: {  	v1 =	vld [tilespmem:s14+$0x60];
	_ =	sdelay $0x4  }
0x108: {  	[tilespmem:$0x4F30] =	vst v1  }
0x109: {  	v1 =	vld [tilespmem:s15+$0x60];
	_ =	sdelay $0x4  }
0x10a: {  	[tilespmem:$0x5030] =	vst v1  }
0x10b: {  	v1 =	vld [tilespmem:s14+$0x70];
	_ =	sdelay $0x4  }
0x10c: {  	[tilespmem:$0x4F40] =	vst v1  }
0x10d: {  	v1 =	vld [tilespmem:s15+$0x70];
	_ =	sdelay $0x4  }
0x10e: {  	[tilespmem:$0x5040] =	vst v1  }
0x10f: {  	[tilespmem:s8], [sflag:$0x1] =	stream.indirect.gather [hbm4b:s4+s1], $0x80, s7, s1, $0xb8;
	[tilespmem:$0x1F100] =	vst v63  }
0x110: {  	_ =	swait.ge [sflag:s12], $0x2800  }
.Ltmp1:
0x111: {  	[sflag:s12] =	ssyncset.done $0x0;
	(pc) =	sbr.rel @p0 .LBB2_4-.Ltmp1, $4  }
0x112: {  	[sflag:s12] =	ssyncadd.s32 $0xFFFFD800  }
0x113: {  	[spmem:s2] =	stream.indirect.scatter.add.f32 [tilespmem:s10], [sflag:$0x3], $0x80, s13, s1, $0xb8;
	[tilespmem:$0x1F100] =	vst v63  }
0x114: {  	_ =	swait.ge [sflag:s31], $0x2800  }
0x115: {  	[sflag:s31] =	ssyncset.done $0x0  }
0x116: {  	[sflag:s31] =	ssyncadd.s32 $0xFFFFD800  }
0x117: {  	_ =	swait.ge [sflag:s0], $0x2800  }
0x118: {  	[sflag:s0] =	ssyncset.done $0x0  }
0x119: {  	[sflag:s0] =	ssyncadd.s32 $0xFFFFD800  }
0x11a: {  	[spmem:s2] =	stream.indirect.scatter.add.f32 [tilespmem:s8], [sflag:$0x3], $0x80, s11, s1, $0xb8;
	[tilespmem:$0x1F100] =	vst v63  }
0x11b: {  	_ =	swait.ge [sflag:s31], $0x2800  }
0x11c: {  	[sflag:s31] =	ssyncset.done $0x0  }
0x11d: {  	s14 =	stileid.u32;
	[sflag:s31] =	ssyncadd.s32 $0xFFFFD800  }
0x11e: {  	s14 =	sshll.u32 s14, $0x6;
	[bflag:$0x0] =	sbarrier.arrive $0xFFFF  }
0x11f: {  	s15 =	sshrl.u32 s6, $0x3;
	s14 =	sor.u32 $0x1C03, s14;
	s16 =	rddreg [dreg:$0x4]  }
0x120: {  	[hbm:s16], [sflag:s14] =	dma.local [spmem:s15], $0x2800  }
0x121: {  	_ =	swait.ge [sflag:s31], $0x2800  }
0x122: {  	s3 =	sadd.s32 $0x1, s3;
	s17 =	rddreg [dreg:$0x5]  }
0x123: {  	p0 =	sne.s32 s3, s17  }
.Ltmp2:
0x124: {  	_ = 	snop;
	(pc) =	sbr.rel @p0 .LBB2_1-.Ltmp2, $3  }
0x125: {  	_ =	sdelay $0x1  }
0x126: {  	[sflag:s31] =	ssyncset.done $0x0  }
0x127: {  	[sflag:s31] =	ssyncadd.s32 $0xFFFFD800  }
0x128: {  	_ =	sfence.sel $0x180000  }
0x129: {  	[bflag:$0x0] =	sbarrier.arrive $0xFFFF  }
0x12a: {  	_ =	strace $0x9000004A  }
0x12b: {  	s0 =	stileid.u32;
	[bflag:$0x2] =	sbarrier.arrive $0xFFFF  }
0x12c: {  	p0 =	sne.s32 s0, $0x0;
	s0 =	rddreg [dreg:$0x2]  }
0x12d: {  	s0 =	sadd.s32 @!p0 $0x100000, s0  }
0x12e: {  	[sflag:s0] =	ssyncadd.tile.s32 @!p0 $0x1;
	_ =	shalt  }
.Lfunc_end2:
_tile_overlayer_lowered:
.L_overlay_start_2:
0x12f: {  	(tag) =	ssettag $0x2  }
0x130: {  	s0 =	rddreg [dreg:$0x0];
	s2 =	stileid.u32  }
0x131: {  	s1 =	rddreg [dreg:$0x1];
	p0 =	sne.s32 s2, $0x0  }
0x132: {  	s3 =	rddreg [dreg:$0x2];
	[bflag:$0x3] =	sbarrier.arrive $0xFFFF;
	s2 =	simm.s32 @!p0 $0x1C03  }
0x133: {  	[timem:s3], [sflag:s2] =	dma.local @!p0 [hbm:s0], s1  }
0x134: {  	s0 =	simm.s32 @!p0 $0x3  }
0x135: {  	_ =	swait.ge @!p0 [sflag:s0], s1  }
0x136: {  	s1 =	ssub.s32 @!p0 $0x0, s1;
	[sflag:s0] =	ssyncset.done @!p0 $0x0  }
0x137: {  	[sflag:s0] =	ssyncadd.s32 @!p0 s1  }
0x138: {  	[bflag:$0x3] =	sbarrier.arrive $0xFFFF  }
0x139: {  	_ =	shalt  }

</sc_bundles>
